<compile_context>
chip_gen: v7x
topology: tpu7x:2x2x1
jax: 0.10.2.dev20260603
libtpu: 0.0.44.dev20260713+nightly
codegen_flags: <defaults>
</compile_context>

<pallas_src>
import functools

import jax
import jax.numpy as jnp
from jax import lax
from jax.experimental import pallas as pl
from jax.experimental.pallas import tpu as pltpu
from jax.experimental.pallas import tpu_sc as plsc

_N_NODES = 10000
_N_EDGES = 320000
_D = 128
_D_EDGE = 16
_NUM_GRAPHS = 64
_NUM_CLASS = 10

_NC = 2
_NS = 16
_NW = _NC * _NS
_CS = 40
_NPAD = 10240
_ZR = 80
_RPT = _NPAD // _NS


_MASK_HI = -65536
_HALF = 0x8000


def _pack2(hi_f32, lo_f32):
    bh = lax.bitcast_convert_type(hi_f32, jnp.int32)
    bl = lax.bitcast_convert_type(lo_f32, jnp.int32)
    h = (bh + _HALF) & _MASK_HI
    l = lax.shift_right_logical(bl + _HALF, 16)
    return h | l


def _unpack_hi(p_i32):
    return lax.bitcast_convert_type(p_i32 & _MASK_HI, jnp.float32)


def _unpack_lo(p_i32):
    return lax.bitcast_convert_type(lax.shift_left(p_i32, 16), jnp.float32)


def _pq_body(x_ref, wd_ref, ws_ref, out_ref):
    xb = x_ref[...]
    pf = jnp.dot(xb, wd_ref[...], preferred_element_type=jnp.float32)
    qf = jnp.dot(xb, ws_ref[...], preferred_element_type=jnp.float32)
    out_ref[1] = _pack2(pf[:, :_D], pf[:, _D:])
    out_ref[0] = _pack2(qf[:, :_D], qf[:, _D:])


def _edge_body(pg_ref, qg_ref, ea_ref, we_ref, b_ref, out_ref):
    pg = pg_ref[0]
    qg = qg_ref[0]
    e = (jnp.dot(ea_ref[...], we_ref[...], preferred_element_type=jnp.float32)
         + b_ref[...])
    tf = _unpack_hi(pg) + _unpack_hi(qg) + e[:, :_D]
    ts = _unpack_lo(pg) + _unpack_lo(qg) + e[:, _D:]
    gate = 1.0 / (1.0 + jnp.exp(-tf))
    core = jnp.maximum(ts, 0.0) + jnp.log(1.0 + jnp.exp(-jnp.abs(ts)))
    out_ref[...] = gate * core


def _final_body(pa_ref, pb_ref, x_ref, batch_ref, wl_ref, bl_ref, out_ref):
    agg = (pa_ref[0, :_N_NODES, :] + pa_ref[1, :_N_NODES, :]
           + pb_ref[0, :_N_NODES, :] + pb_ref[1, :_N_NODES, :])
    out = jnp.maximum(agg + x_ref[...], 0.0)
    gids = lax.broadcasted_iota(jnp.int32, (_NUM_GRAPHS, _N_NODES), 0)
    m = (batch_ref[...] == gids).astype(jnp.float32)
    sums = jnp.dot(m, out, preferred_element_type=jnp.float32)
    counts = jnp.sum(m, axis=1, keepdims=True)
    pooled = sums / jnp.maximum(counts, 1.0)
    out_ref[...] = (jnp.dot(pooled, wl_ref[...],
                            preferred_element_type=jnp.float32) + bl_ref[...])


def _tc_pq(xpad, wd, ws):
    nb = 5
    rows = _NPAD // nb
    return pl.pallas_call(
        _pq_body,
        grid=(nb,),
        in_specs=[
            pl.BlockSpec((rows, _D), lambda i: (i, 0)),
            pl.BlockSpec((_D, 2 * _D), lambda i: (0, 0)),
            pl.BlockSpec((_D, 2 * _D), lambda i: (0, 0)),
        ],
        out_specs=pl.BlockSpec((2, rows, _D), lambda i: (0, i, 0)),
        out_shape=jax.ShapeDtypeStruct((2, _NPAD, _D), jnp.int32),
    )(xpad, wd, ws)


def _tc_edge(gat, ea, we, bcat):
    be = 2000
    nb = gat.shape[1] // be
    return pl.pallas_call(
        _edge_body,
        grid=(nb,),
        in_specs=[
            pl.BlockSpec((1, be, _D), lambda i: (1, i, 0)),
            pl.BlockSpec((1, be, _D), lambda i: (0, i, 0)),
            pl.BlockSpec((be, _D_EDGE), lambda i: (i, 0)),
            pl.BlockSpec((_D_EDGE, 2 * _D), lambda i: (0, 0)),
            pl.BlockSpec((1, 2 * _D), lambda i: (0, 0)),
        ],
        out_specs=pl.BlockSpec((be, _D), lambda i: (i, 0)),
        out_shape=jax.ShapeDtypeStruct((gat.shape[1], _D), jnp.float32),
    )(gat, gat, ea, we, bcat)


def _tc_final(pa, pb, x, batch2d, wlt, bl2d):
    return pl.pallas_call(
        _final_body,
        out_shape=jax.ShapeDtypeStruct((_NUM_GRAPHS, _NUM_CLASS), jnp.float32),
    )(pa, pb, x, batch2d, wlt, bl2d)


_CGS = 80
_TSR = 128


def _sc_gather(tbl, eidx):
    n_e = eidx.shape[0] // 2
    epw = n_e // _NS
    nchunk = epw // _CGS
    mesh = plsc.VectorSubcoreMesh(core_axis_name="c", subcore_axis_name="s")

    @functools.partial(
        pl.kernel,
        mesh=mesh,
        out_type=jax.ShapeDtypeStruct((2, n_e, _D), jnp.int32),
        scratch_types=[
            pltpu.VMEM((_CGS,), jnp.int32),
            pltpu.VMEM((_CGS,), jnp.int32),
            pltpu.VMEM((2, _CGS, _D), jnp.int32),
            pltpu.VMEM((_TSR, _D), jnp.int32),
            pltpu.VMEM_SHARED((_NPAD, _D), jnp.int32),
        ] + [pltpu.SemaphoreType.DMA] * 4,
    )
    def k(tbl_hbm, eidx_hbm, out_hbm, idx0, idx1, buf, stage, table,
          gsem0, gsem1, wsem0, wsem1):
        cid = lax.axis_index("c")
        sid = lax.axis_index("s")
        idx = (idx0, idx1)
        gsems = (gsem0, gsem1)
        wsems = (wsem0, wsem1)

        def stage_body(j, carry):
            r0 = sid * _RPT + j * _TSR
            pltpu.sync_copy(tbl_hbm.at[cid, pl.ds(r0, _TSR)], stage)
            pltpu.sync_copy(stage, table.at[pl.ds(r0, _TSR)])
            return carry

        lax.fori_loop(0, _RPT // _TSR, stage_body, 0)
        plsc.subcore_barrier()

        def start(i, b):
            base = sid * epw + i * _CGS
            pltpu.sync_copy(eidx_hbm.at[pl.ds(cid * n_e + base, _CGS)], idx[b])
            pltpu.async_copy(table.at[idx[b]], buf.at[b], gsems[b])

        def wait_gather(b):
            pltpu.make_async_copy(table.at[idx[b]], buf.at[b], gsems[b]).wait()

        def put(i, b):
            base = sid * epw + i * _CGS
            pltpu.async_copy(buf.at[b], out_hbm.at[cid, pl.ds(base, _CGS)],
                             wsems[b])

        def wait_put(i, b):
            base = sid * epw + i * _CGS
            pltpu.make_async_copy(buf.at[b], out_hbm.at[cid, pl.ds(base, _CGS)],
                                  wsems[b]).wait()

        start(0, 0)
        start(1, 1)

        def body(j, carry):
            for b in range(2):
                i = 2 * j + b

                @pl.when(i < nchunk)
                def _():
                    wait_gather(b)
                    put(i, b)
                    wait_put(i, b)

                    @pl.when(i + 2 < nchunk)
                    def _():
                        start(i + 2, b)

            return carry

        lax.fori_loop(0, (nchunk + 1) // 2, body, 0)

    return k(tbl, eidx)


def _sc_scatter(msg, dst):
    n_e = dst.shape[0]
    epw = n_e // _NW
    nchunk = epw // _CS
    mesh = plsc.VectorSubcoreMesh(core_axis_name="c", subcore_axis_name="s")

    @functools.partial(
        pl.kernel,
        mesh=mesh,
        out_type=jax.ShapeDtypeStruct((_NC, _NPAD, _D), jnp.float32),
        scratch_types=[
            pltpu.VMEM((_CS,), jnp.int32),
            pltpu.VMEM((_CS,), jnp.int32),
            pltpu.VMEM((2, _CS, _D), jnp.float32),
            pltpu.VMEM((_ZR, _D), jnp.float32),
            pltpu.VMEM_SHARED((_NPAD, _D), jnp.float32),
        ] + [pltpu.SemaphoreType.DMA] * 2,
    )
    def k(msg_hbm, dst_hbm, out_hbm, idx0, idx1, buf, zbuf, acc, lsem0, lsem1):
        cid = lax.axis_index("c")
        sid = lax.axis_index("s")
        wid = sid * _NC + cid
        idx = (idx0, idx1)
        lsems = (lsem0, lsem1)

        def zrow(r, carry):
            for kk in range(_D // 16):
                zbuf[r, pl.ds(kk * 16, 16)] = jnp.zeros((16,), jnp.float32)
            return carry

        lax.fori_loop(0, _ZR, zrow, 0)

        def zcopy(j, carry):
            pltpu.sync_copy(zbuf, acc.at[pl.ds(sid * _RPT + j * _ZR, _ZR)])
            return carry

        lax.fori_loop(0, _RPT // _ZR, zcopy, 0)
        plsc.subcore_barrier()

        def start(i, b):
            base = wid * epw + i * _CS
            pltpu.async_copy(dst_hbm.at[pl.ds(base, _CS)], idx[b], lsems[b])
            pltpu.async_copy(msg_hbm.at[pl.ds(base, _CS)], buf.at[b], lsems[b])

        def wait_load(i, b):
            base = wid * epw + i * _CS
            pltpu.make_async_copy(dst_hbm.at[pl.ds(base, _CS)], idx[b],
                                  lsems[b]).wait()
            pltpu.make_async_copy(msg_hbm.at[pl.ds(base, _CS)], buf.at[b],
                                  lsems[b]).wait()

        start(0, 0)
        start(1, 1)

        def body(j, carry):
            for b in range(2):
                i = 2 * j + b

                @pl.when(i < nchunk)
                def _():
                    wait_load(i, b)
                    pltpu.sync_copy(buf.at[b], acc.at[idx[b]], add=True)

                    @pl.when(i + 2 < nchunk)
                    def _():
                        start(i + 2, b)

            return carry

        lax.fori_loop(0, (nchunk + 1) // 2, body, 0)
        plsc.subcore_barrier()

        def drain(j, carry):
            r0 = sid * _RPT + j * _ZR
            pltpu.sync_copy(acc.at[pl.ds(r0, _ZR)], zbuf)
            pltpu.sync_copy(zbuf, out_hbm.at[cid, pl.ds(r0, _ZR)])
            return carry

        lax.fori_loop(0, _RPT // _ZR, drain, 0)

    return k(msg, dst)


def kernel(x, edge_index, edge_attr, batch, W_f, b_f, W_s, b_s, W_lin, b_lin):
    src = edge_index[0].astype(jnp.int32)
    dst = edge_index[1].astype(jnp.int32)

    wd = jnp.concatenate([W_f[:, :_D], W_s[:, :_D]], axis=0).T
    ws = jnp.concatenate([W_f[:, _D:2 * _D], W_s[:, _D:2 * _D]], axis=0).T
    we = jnp.concatenate([W_f[:, 2 * _D:], W_s[:, 2 * _D:]], axis=0).T
    bcat = jnp.concatenate([b_f, b_s]).reshape(1, 2 * _D)
    wlt = W_lin.T
    bl2d = b_lin.reshape(1, _NUM_CLASS)
    batch2d = batch.astype(jnp.int32).reshape(1, _N_NODES)

    xpad = jnp.concatenate(
        [x, jnp.zeros((_NPAD - _N_NODES, _D), jnp.float32)], axis=0)
    tbl = _tc_pq(xpad, wd, ws)
    ei32 = edge_index.astype(jnp.int32)

    h = _N_EDGES // 2
    gat_a = _sc_gather(tbl, ei32[:, :h].reshape(2 * h))
    gat_b = _sc_gather(tbl, ei32[:, h:].reshape(2 * h))
    msga = _tc_edge(gat_a, edge_attr[:h], we, bcat)
    msgb = _tc_edge(gat_b, edge_attr[h:], we, bcat)
    pa = _sc_scatter(msga, dst[:h])
    pb = _sc_scatter(msgb, dst[h:])
    return _tc_final(pa, pb, x, batch2d, wlt, bl2d)

# --- scband reference (transcript-rebuilt; emitter-appended) ---
"""Pipeline reference for scband-cgconv-net-80324478369805 (READ-ONLY COPY).

The authoritative reference and input builder live on the scoring server;
editing this copy changes nothing except your own understanding.
"""

import jax, jax.numpy as jnp
import numpy as np

N_NODES = 10000
N_EDGES = 320000
D_FEAT = 128
D_EDGE = 16
NUM_CLASS = 10
NUM_GRAPHS = 64


def setup_inputs(seed: int = 0) -> dict:
    key = jax.random.key(seed)
    ks = jax.random.split(key, 10)
    x = jax.random.normal(ks[0], (N_NODES, D_FEAT), dtype=jnp.float32)
    edge_index = jax.random.randint(ks[1], (2, N_EDGES), 0, N_NODES, dtype=jnp.int64)
    edge_attr = jax.random.normal(ks[2], (N_EDGES, D_EDGE), dtype=jnp.float32)
    batch = jnp.sort(jax.random.randint(ks[3], (N_NODES,), 0, NUM_GRAPHS, dtype=jnp.int64))
    zdim = 2 * D_FEAT + D_EDGE
    s = 1.0 / np.sqrt(zdim)
    W_f = jax.random.uniform(ks[4], (D_FEAT, zdim), jnp.float32, -s, s)
    b_f = jax.random.uniform(ks[5], (D_FEAT,), jnp.float32, -s, s)
    W_s = jax.random.uniform(ks[6], (D_FEAT, zdim), jnp.float32, -s, s)
    b_s = jax.random.uniform(ks[7], (D_FEAT,), jnp.float32, -s, s)
    sl = 1.0 / np.sqrt(D_FEAT)
    W_lin = jax.random.uniform(ks[8], (NUM_CLASS, D_FEAT), jnp.float32, -sl, sl)
    b_lin = jax.random.uniform(ks[9], (NUM_CLASS,), jnp.float32, -sl, sl)
    return {"x": x, "edge_index": edge_index, "edge_attr": edge_attr, "batch": batch,
            "W_f": W_f, "b_f": b_f, "W_s": W_s, "b_s": b_s, "W_lin": W_lin, "b_lin": b_lin}


def reference(x, edge_index, edge_attr, batch, W_f, b_f, W_s, b_s, W_lin, b_lin):
    src = edge_index[0]  # source node j
    dst = edge_index[1]  # target node i
    x_i = jnp.take(x, dst, axis=0)
    x_j = jnp.take(x, src, axis=0)
    z = jnp.concatenate([x_i, x_j, edge_attr], axis=-1)
    gate = jax.nn.sigmoid(z @ W_f.T + b_f)
    core = jax.nn.softplus(z @ W_s.T + b_s)
    msg = gate * core
    agg = jax.ops.segment_sum(msg, dst, num_segments=N_NODES)
    out = agg + x  # CGConv residual update (aggr='add')
    out = jax.nn.relu(out)
    # global_mean_pool over graph ids
    sums = jax.ops.segment_sum(out, batch, num_segments=NUM_GRAPHS)
    counts = jax.ops.segment_sum(jnp.ones((N_NODES,), dtype=jnp.float32), batch, num_segments=NUM_GRAPHS)
    pooled = sums / jnp.clip(counts, 1.0, None)[:, None]
    logits = pooled @ W_lin.T + b_lin
    return logits

if __name__ == "__main__":
    import jax
    _d = setup_inputs()
    print(jax.jit(kernel)(*tuple(_d.values())))

</pallas_src>

<mosaic_0001>
#map = affine_map<(d0, d1) -> (0, 0)>
#map1 = affine_map<(d0, d1) -> (0)>
#map2 = affine_map<(d0, d1) -> (0, 0, 0)>
module attributes {stable_mosaic.version = 14 : i64} {
  func.func @k(%arg0: i32, %arg1: i32, %arg2: memref<160000x128xf32, #tpu.memory_space<hbm>>, %arg3: memref<160000xi32, #tpu.memory_space<hbm>>, %arg4: memref<2x10240x128xf32, #tpu.memory_space<hbm>>, %arg5: memref<40xi32, #tpu.memory_space<vmem>>, %arg6: memref<40xi32, #tpu.memory_space<vmem>>, %arg7: memref<2x40x128xf32, #tpu.memory_space<vmem>>, %arg8: memref<80x128xf32, #tpu.memory_space<vmem>>, %arg9: memref<10240x128xf32, #tpu.memory_space<vmem_shared>>, %arg10: memref<!tpu.dma_semaphore, #tpu.memory_space<semaphore_mem>>, %arg11: memref<!tpu.dma_semaphore, #tpu.memory_space<semaphore_mem>>) attributes {dimension_semantics = [#tpu.dimension_semantics<core_parallel>, #tpu.dimension_semantics<subcore_parallel>], iteration_bounds = array<i64: 2, 16>, scalar_prefetch = 0 : i64, scratch_operands = 7 : i64, tpu.core_type = #tpu.core_type<sc_vector_subcore>, window_params = [{transform_indices = #map}, {transform_indices = #map1}, {transform_indices = #map2}]} {
    %mul3A = arith.constant 2 : i32
    %mul3A_0 = arith.muli %arg1, %mul3A : i32
    %add3A = arith.addi %mul3A_0, %arg0 : i32
    %scan3A = arith.constant 0 : i32
    %scan3A_1 = arith.constant 0 : i32
    %scan3A_2 = arith.constant 80 : i32
    %scan3A_3 = arith.addi %scan3A_1, %scan3A_2 : i32
    %scan3A_4 = arith.constant 1 : i32
    scf.for %scan3A_62 = %scan3A_1 to %scan3A_3 step %scan3A_4  : i32 {
      %broadcast_in_dim3A = arith.constant 0.000000e+00 : f32
      %broadcast_in_dim3A_63 = vector.broadcast %broadcast_in_dim3A : f32 to vector<16xf32>
      %swap3A = arith.index_cast %scan3A_62 : i32 to index
      %swap3A_64 = arith.constant 0 : index
      %swap3A_65 = tpu.vector_load %arg8[%swap3A, %swap3A_64] {strides = array<i32>} : memref<80x128xf32, #tpu.memory_space<vmem>>, vector<1x16xf32>,
      %swap3A_66 = vector.shape_cast %swap3A_65 : vector<1x16xf32> to vector<16xf32>
      %swap3A_67 = vector.shape_cast %broadcast_in_dim3A_63 : vector<16xf32> to vector<1x16xf32>
      tpu.vector_store %arg8[%swap3A, %swap3A_64], %swap3A_67 {strides = array<i32>} : memref<80x128xf32, #tpu.memory_space<vmem>>, vector<1x16xf32>,
      %broadcast_in_dim3A_68 = arith.constant 0.000000e+00 : f32
      %broadcast_in_dim3A_69 = vector.broadcast %broadcast_in_dim3A_68 : f32 to vector<16xf32>
      %swap3A_70 = arith.index_cast %scan3A_62 : i32 to index
      %swap3A_71 = arith.constant 16 : index
      %swap3A_72 = tpu.vector_load %arg8[%swap3A_70, %swap3A_71] {strides = array<i32>} : memref<80x128xf32, #tpu.memory_space<vmem>>, vector<1x16xf32>,
      %swap3A_73 = vector.shape_cast %swap3A_72 : vector<1x16xf32> to vector<16xf32>
      %swap3A_74 = vector.shape_cast %broadcast_in_dim3A_69 : vector<16xf32> to vector<1x16xf32>
      tpu.vector_store %arg8[%swap3A_70, %swap3A_71], %swap3A_74 {strides = array<i32>} : memref<80x128xf32, #tpu.memory_space<vmem>>, vector<1x16xf32>,
      %broadcast_in_dim3A_75 = arith.constant 0.000000e+00 : f32
      %broadcast_in_dim3A_76 = vector.broadcast %broadcast_in_dim3A_75 : f32 to vector<16xf32>
      %swap3A_77 = arith.index_cast %scan3A_62 : i32 to index
      %swap3A_78 = arith.constant 32 : index
      %swap3A_79 = tpu.vector_load %arg8[%swap3A_77, %swap3A_78] {strides = array<i32>} : memref<80x128xf32, #tpu.memory_space<vmem>>, vector<1x16xf32>,
      %swap3A_80 = vector.shape_cast %swap3A_79 : vector<1x16xf32> to vector<16xf32>
      %swap3A_81 = vector.shape_cast %broadcast_in_dim3A_76 : vector<16xf32> to vector<1x16xf32>
      tpu.vector_store %arg8[%swap3A_77, %swap3A_78], %swap3A_81 {strides = array<i32>} : memref<80x128xf32, #tpu.memory_space<vmem>>, vector<1x16xf32>,
      %broadcast_in_dim3A_82 = arith.constant 0.000000e+00 : f32
      %broadcast_in_dim3A_83 = vector.broadcast %broadcast_in_dim3A_82 : f32 to vector<16xf32>
      %swap3A_84 = arith.index_cast %scan3A_62 : i32 to index
      %swap3A_85 = arith.constant 48 : index
      %swap3A_86 = tpu.vector_load %arg8[%swap3A_84, %swap3A_85] {strides = array<i32>} : memref<80x128xf32, #tpu.memory_space<vmem>>, vector<1x16xf32>,
      %swap3A_87 = vector.shape_cast %swap3A_86 : vector<1x16xf32> to vector<16xf32>
      %swap3A_88 = vector.shape_cast %broadcast_in_dim3A_83 : vector<16xf32> to vector<1x16xf32>
      tpu.vector_store %arg8[%swap3A_84, %swap3A_85], %swap3A_88 {strides = array<i32>} : memref<80x128xf32, #tpu.memory_space<vmem>>, vector<1x16xf32>,
      %broadcast_in_dim3A_89 = arith.constant 0.000000e+00 : f32
      %broadcast_in_dim3A_90 = vector.broadcast %broadcast_in_dim3A_89 : f32 to vector<16xf32>
      %swap3A_91 = arith.index_cast %scan3A_62 : i32 to index
      %swap3A_92 = arith.constant 64 : index
      %swap3A_93 = tpu.vector_load %arg8[%swap3A_91, %swap3A_92] {strides = array<i32>} : memref<80x128xf32, #tpu.memory_space<vmem>>, vector<1x16xf32>,
      %swap3A_94 = vector.shape_cast %swap3A_93 : vector<1x16xf32> to vector<16xf32>
      %swap3A_95 = vector.shape_cast %broadcast_in_dim3A_90 : vector<16xf32> to vector<1x16xf32>
      tpu.vector_store %arg8[%swap3A_91, %swap3A_92], %swap3A_95 {strides = array<i32>} : memref<80x128xf32, #tpu.memory_space<vmem>>, vector<1x16xf32>,
      %broadcast_in_dim3A_96 = arith.constant 0.000000e+00 : f32
      %broadcast_in_dim3A_97 = vector.broadcast %broadcast_in_dim3A_96 : f32 to vector<16xf32>
      %swap3A_98 = arith.index_cast %scan3A_62 : i32 to index
      %swap3A_99 = arith.constant 80 : index
      %swap3A_100 = tpu.vector_load %arg8[%swap3A_98, %swap3A_99] {strides = array<i32>} : memref<80x128xf32, #tpu.memory_space<vmem>>, vector<1x16xf32>,
      %swap3A_101 = vector.shape_cast %swap3A_100 : vector<1x16xf32> to vector<16xf32>
      %swap3A_102 = vector.shape_cast %broadcast_in_dim3A_97 : vector<16xf32> to vector<1x16xf32>
      tpu.vector_store %arg8[%swap3A_98, %swap3A_99], %swap3A_102 {strides = array<i32>} : memref<80x128xf32, #tpu.memory_space<vmem>>, vector<1x16xf32>,
      %broadcast_in_dim3A_103 = arith.constant 0.000000e+00 : f32
      %broadcast_in_dim3A_104 = vector.broadcast %broadcast_in_dim3A_103 : f32 to vector<16xf32>
      %swap3A_105 = arith.index_cast %scan3A_62 : i32 to index
      %swap3A_106 = arith.constant 96 : index
      %swap3A_107 = tpu.vector_load %arg8[%swap3A_105, %swap3A_106] {strides = array<i32>} : memref<80x128xf32, #tpu.memory_space<vmem>>, vector<1x16xf32>,
      %swap3A_108 = vector.shape_cast %swap3A_107 : vector<1x16xf32> to vector<16xf32>
      %swap3A_109 = vector.shape_cast %broadcast_in_dim3A_104 : vector<16xf32> to vector<1x16xf32>
      tpu.vector_store %arg8[%swap3A_105, %swap3A_106], %swap3A_109 {strides = array<i32>} : memref<80x128xf32, #tpu.memory_space<vmem>>, vector<1x16xf32>,
      %broadcast_in_dim3A_110 = arith.constant 0.000000e+00 : f32
      %broadcast_in_dim3A_111 = vector.broadcast %broadcast_in_dim3A_110 : f32 to vector<16xf32>
      %swap3A_112 = arith.index_cast %scan3A_62 : i32 to index
      %swap3A_113 = arith.constant 112 : index
      %swap3A_114 = tpu.vector_load %arg8[%swap3A_112, %swap3A_113] {strides = array<i32>} : memref<80x128xf32, #tpu.memory_space<vmem>>, vector<1x16xf32>,
      %swap3A_115 = vector.shape_cast %swap3A_114 : vector<1x16xf32> to vector<16xf32>
      %swap3A_116 = vector.shape_cast %broadcast_in_dim3A_111 : vector<16xf32> to vector<1x16xf32>
      tpu.vector_store %arg8[%swap3A_112, %swap3A_113], %swap3A_116 {strides = array<i32>} : memref<80x128xf32, #tpu.memory_space<vmem>>, vector<1x16xf32>,
    }
    %scan3A_5 = arith.constant 80 : i32
    %scan3A_6 = arith.constant 0 : i32
    %scan3A_7 = arith.constant 0 : i32
    %scan3A_8 = arith.constant 8 : i32
    %scan3A_9 = arith.addi %scan3A_7, %scan3A_8 : i32
    %scan3A_10 = arith.constant 1 : i32
    scf.for %scan3A_62 = %scan3A_7 to %scan3A_9 step %scan3A_10  : i32 {
      %mul3A_63 = arith.constant 640 : i32
      %mul3A_64 = arith.muli %arg1, %mul3A_63 : i32
      %mul3A_65 = arith.constant 80 : i32
      %mul3A_66 = arith.muli %scan3A_62, %mul3A_65 : i32
      %add3A_67 = arith.addi %mul3A_64, %mul3A_66 : i32
      "tpu.region"() ({
        %run_scoped3A = tpu.sem_alloc : memref<!tpu.dma_semaphore, #tpu.memory_space<semaphore_mem>>
        %dma_start3A_68 = arith.constant 0 : i32
        %dma_start3A_69 = tpu.memref_slice %arg9[%add3A_67, %dma_start3A_68] : memref<10240x128xf32, #tpu.memory_space<vmem_shared>> -> memref<80x128xf32, #tpu.memory_space<vmem_shared>>
        %dma_start3A_70 = arith.constant 0 : i32
        %dma_start3A_71 = tpu.memref_slice %arg9[%add3A_67, %dma_start3A_70] : memref<10240x128xf32, #tpu.memory_space<vmem_shared>> -> memref<80x128xf32, #tpu.memory_space<vmem_shared>>
        tpu.enqueue_dma source(%arg8 : memref<80x128xf32, #tpu.memory_space<vmem>>) target(%dma_start3A_71 : memref<80x128xf32, #tpu.memory_space<vmem_shared>>) target_semaphore(%run_scoped3A : memref<!tpu.dma_semaphore, #tpu.memory_space<semaphore_mem>>)
        %dma_wait3A = arith.constant 0 : i32
        %dma_wait3A_72 = tpu.memref_slice %arg9[%add3A_67, %dma_wait3A] : memref<10240x128xf32, #tpu.memory_space<vmem_shared>> -> memref<80x128xf32, #tpu.memory_space<vmem_shared>>
        %dma_wait3A_73 = arith.constant 0 : i32
        %dma_wait3A_74 = tpu.memref_slice %arg9[%add3A_67, %dma_wait3A_73] : memref<10240x128xf32, #tpu.memory_space<vmem_shared>> -> memref<80x128xf32, #tpu.memory_space<vmem_shared>>
        tpu.wait_dma2 semaphore(%run_scoped3A : memref<!tpu.dma_semaphore, #tpu.memory_space<semaphore_mem>>) src(%arg8 : memref<80x128xf32, #tpu.memory_space<vmem>>) dst(%dma_wait3A_74 : memref<80x128xf32, #tpu.memory_space<vmem_shared>>)
        tpu.yield
      }) : () -> ()
    }
    %scan3A_11 = arith.constant 8 : i32
    %barrier3A = arith.constant 0 : index
    tpu.barrier barrier_id(%barrier3A)
    %mul3A_12 = arith.constant 5000 : i32
    %mul3A_13 = arith.muli %add3A, %mul3A_12 : i32
    %add3A_14 = arith.constant 0 : i32
    %add3A_15 = arith.addi %mul3A_13, %add3A_14 : i32
    %dma_start3A = tpu.memref_slice %arg3[%add3A_15] : memref<160000xi32, #tpu.memory_space<hbm>> -> memref<40xi32, #tpu.memory_space<hbm>>
    %dma_start3A_16 = tpu.memref_slice %arg3[%add3A_15] : memref<160000xi32, #tpu.memory_space<hbm>> -> memref<40xi32, #tpu.memory_space<hbm>>
    tpu.enqueue_dma source(%dma_start3A_16 : memref<40xi32, #tpu.memory_space<hbm>>) target(%arg5 : memref<40xi32, #tpu.memory_space<vmem>>) target_semaphore(%arg10 : memref<!tpu.dma_semaphore, #tpu.memory_space<semaphore_mem>>)
    %dma_start3A_17 = arith.constant 0 : i32
    %dma_start3A_18 = arith.constant 0 : i32
    %dma_start3A_19 = arith.constant 0 : i32
    %dma_start3A_20 = tpu.memref_slice %arg7[%dma_start3A_17, %dma_start3A_18, %dma_start3A_19] : memref<2x40x128xf32, #tpu.memory_space<vmem>> -> memref<1x40x128xf32, #tpu.memory_space<vmem>>
    %dma_start3A_21 = tpu.memref_squeeze %dma_start3A_20 : memref<1x40x128xf32, #tpu.memory_space<vmem>> -> memref<40x128xf32, #tpu.memory_space<vmem>>
    %dma_start3A_22 = arith.constant 0 : i32
    %dma_start3A_23 = tpu.memref_slice %arg2[%add3A_15, %dma_start3A_22] : memref<160000x128xf32, #tpu.memory_space<hbm>> -> memref<40x128xf32, #tpu.memory_space<hbm>>
    %dma_start3A_24 = arith.constant 0 : i32
    %dma_start3A_25 = arith.constant 0 : i32
    %dma_start3A_26 = tpu.memref_slice %arg7[%dma_start3A_17, %dma_start3A_24, %dma_start3A_25] : memref<2x40x128xf32, #tpu.memory_space<vmem>> -> memref<1x40x128xf32, #tpu.memory_space<vmem>>
    %dma_start3A_27 = tpu.memref_squeeze %dma_start3A_26 : memref<1x40x128xf32, #tpu.memory_space<vmem>> -> memref<40x128xf32, #tpu.memory_space<vmem>>
    %dma_start3A_28 = arith.constant 0 : i32
    %dma_start3A_29 = tpu.memref_slice %arg2[%add3A_15, %dma_start3A_28] : memref<160000x128xf32, #tpu.memory_space<hbm>> -> memref<40x128xf32, #tpu.memory_space<hbm>>
    tpu.enqueue_dma source(%dma_start3A_29 : memref<40x128xf32, #tpu.memory_space<hbm>>) target(%dma_start3A_27 : memref<40x128xf32, #tpu.memory_space<vmem>>) target_semaphore(%arg10 : memref<!tpu.dma_semaphore, #tpu.memory_space<semaphore_mem>>)
    %mul3A_30 = arith.constant 5000 : i32
    %mul3A_31 = arith.muli %add3A, %mul3A_30 : i32
    %add3A_32 = arith.constant 40 : i32
    %add3A_33 = arith.addi %mul3A_31, %add3A_32 : i32
    %dma_start3A_34 = tpu.memref_slice %arg3[%add3A_33] : memref<160000xi32, #tpu.memory_space<hbm>> -> memref<40xi32, #tpu.memory_space<hbm>>
    %dma_start3A_35 = tpu.memref_slice %arg3[%add3A_33] : memref<160000xi32, #tpu.memory_space<hbm>> -> memref<40xi32, #tpu.memory_space<hbm>>
    tpu.enqueue_dma source(%dma_start3A_35 : memref<40xi32, #tpu.memory_space<hbm>>) target(%arg6 : memref<40xi32, #tpu.memory_space<vmem>>) target_semaphore(%arg11 : memref<!tpu.dma_semaphore, #tpu.memory_space<semaphore_mem>>)
    %dma_start3A_36 = arith.constant 1 : i32
    %dma_start3A_37 = arith.constant 0 : i32
    %dma_start3A_38 = arith.constant 0 : i32
    %dma_start3A_39 = tpu.memref_slice %arg7[%dma_start3A_36, %dma_start3A_37, %dma_start3A_38] : memref<2x40x128xf32, #tpu.memory_space<vmem>> -> memref<1x40x128xf32, #tpu.memory_space<vmem>>
    %dma_start3A_40 = tpu.memref_squeeze %dma_start3A_39 : memref<1x40x128xf32, #tpu.memory_space<vmem>> -> memref<40x128xf32, #tpu.memory_space<vmem>>
    %dma_start3A_41 = arith.constant 0 : i32
    %dma_start3A_42 = tpu.memref_slice %arg2[%add3A_33, %dma_start3A_41] : memref<160000x128xf32, #tpu.memory_space<hbm>> -> memref<40x128xf32, #tpu.memory_space<hbm>>
    %dma_start3A_43 = arith.constant 0 : i32
    %dma_start3A_44 = arith.constant 0 : i32
    %dma_start3A_45 = tpu.memref_slice %arg7[%dma_start3A_36, %dma_start3A_43, %dma_start3A_44] : memref<2x40x128xf32, #tpu.memory_space<vmem>> -> memref<1x40x128xf32, #tpu.memory_space<vmem>>
    %dma_start3A_46 = tpu.memref_squeeze %dma_start3A_45 : memref<1x40x128xf32, #tpu.memory_space<vmem>> -> memref<40x128xf32, #tpu.memory_space<vmem>>
    %dma_start3A_47 = arith.constant 0 : i32
    %dma_start3A_48 = tpu.memref_slice %arg2[%add3A_33, %dma_start3A_47] : memref<160000x128xf32, #tpu.memory_space<hbm>> -> memref<40x128xf32, #tpu.memory_space<hbm>>
    tpu.enqueue_dma source(%dma_start3A_48 : memref<40x128xf32, #tpu.memory_space<hbm>>) target(%dma_start3A_46 : memref<40x128xf32, #tpu.memory_space<vmem>>) target_semaphore(%arg11 : memref<!tpu.dma_semaphore, #tpu.memory_space<semaphore_mem>>)
    %scan3A_49 = arith.constant 0 : i32
    %scan3A_50 = arith.constant 0 : i32
    %scan3A_51 = arith.constant 63 : i32
    %scan3A_52 = arith.addi %scan3A_50, %scan3A_51 : i32
    %scan3A_53 = arith.constant 1 : i32
    scf.for %scan3A_62 = %scan3A_50 to %scan3A_52 step %scan3A_53  : i32 {
      %mul3A_63 = arith.constant 2 : i32
      %mul3A_64 = arith.muli %mul3A_63, %scan3A_62 : i32
      %add3A_65 = arith.constant 0 : i32
      %add3A_66 = arith.addi %mul3A_64, %add3A_65 : i32
      %lt3A = arith.constant 125 : i32
      %lt3A_67 = arith.cmpi slt, %add3A_66, %lt3A : i32
      %convert_element_type3A = arith.extui %lt3A_67 : i1 to i32
      %cond3A = arith.constant 0 : i32
      %cond3A_68 = arith.cmpi ne, %convert_element_type3A, %cond3A : i32
      scf.if %cond3A_68 {
        %mul3A_78 = arith.constant 5000 : i32
        %mul3A_79 = arith.muli %add3A, %mul3A_78 : i32
        %mul3A_80 = arith.constant 40 : i32
        %mul3A_81 = arith.muli %add3A_66, %mul3A_80 : i32
        %add3A_82 = arith.addi %mul3A_79, %mul3A_81 : i32
        %dma_wait3A = tpu.memref_slice %arg3[%add3A_82] : memref<160000xi32, #tpu.memory_space<hbm>> -> memref<40xi32, #tpu.memory_space<hbm>>
        %dma_wait3A_83 = tpu.memref_slice %arg3[%add3A_82] : memref<160000xi32, #tpu.memory_space<hbm>> -> memref<40xi32, #tpu.memory_space<hbm>>
        tpu.wait_dma2 semaphore(%arg10 : memref<!tpu.dma_semaphore, #tpu.memory_space<semaphore_mem>>) src(%dma_wait3A_83 : memref<40xi32, #tpu.memory_space<hbm>>) dst(%arg5 : memref<40xi32, #tpu.memory_space<vmem>>)
        %dma_wait3A_84 = arith.constant 0 : i32
        %dma_wait3A_85 = arith.constant 0 : i32
        %dma_wait3A_86 = arith.constant 0 : i32
        %dma_wait3A_87 = tpu.memref_slice %arg7[%dma_wait3A_84, %dma_wait3A_85, %dma_wait3A_86] : memref<2x40x128xf32, #tpu.memory_space<vmem>> -> memref<1x40x128xf32, #tpu.memory_space<vmem>>
        %dma_wait3A_88 = tpu.memref_squeeze %dma_wait3A_87 : memref<1x40x128xf32, #tpu.memory_space<vmem>> -> memref<40x128xf32, #tpu.memory_space<vmem>>
        %dma_wait3A_89 = arith.constant 0 : i32
        %dma_wait3A_90 = tpu.memref_slice %arg2[%add3A_82, %dma_wait3A_89] : memref<160000x128xf32, #tpu.memory_space<hbm>> -> memref<40x128xf32, #tpu.memory_space<hbm>>
        %dma_wait3A_91 = arith.constant 0 : i32
        %dma_wait3A_92 = arith.constant 0 : i32
        %dma_wait3A_93 = tpu.memref_slice %arg7[%dma_wait3A_84, %dma_wait3A_91, %dma_wait3A_92] : memref<2x40x128xf32, #tpu.memory_space<vmem>> -> memref<1x40x128xf32, #tpu.memory_space<vmem>>
        %dma_wait3A_94 = tpu.memref_squeeze %dma_wait3A_93 : memref<1x40x128xf32, #tpu.memory_space<vmem>> -> memref<40x128xf32, #tpu.memory_space<vmem>>
        %dma_wait3A_95 = arith.constant 0 : i32
        %dma_wait3A_96 = tpu.memref_slice %arg2[%add3A_82, %dma_wait3A_95] : memref<160000x128xf32, #tpu.memory_space<hbm>> -> memref<40x128xf32, #tpu.memory_space<hbm>>
        tpu.wait_dma2 semaphore(%arg10 : memref<!tpu.dma_semaphore, #tpu.memory_space<semaphore_mem>>) src(%dma_wait3A_96 : memref<40x128xf32, #tpu.memory_space<hbm>>) dst(%dma_wait3A_94 : memref<40x128xf32, #tpu.memory_space<vmem>>)
        %run_scoped3A = arith.constant 0 : i32
        "tpu.region"() ({
          %run_scoped3A_104 = tpu.sem_alloc : memref<!tpu.dma_semaphore, #tpu.memory_space<semaphore_mem>>
          %dma_start3A_105 = arith.constant 0 : i32
          %dma_start3A_106 = arith.constant 0 : i32
          %dma_start3A_107 = tpu.memref_slice %arg7[%run_scoped3A, %dma_start3A_105, %dma_start3A_106] : memref<2x40x128xf32, #tpu.memory_space<vmem>> -> memref<1x40x128xf32, #tpu.memory_space<vmem>>
          %dma_start3A_108 = tpu.memref_squeeze %dma_start3A_107 : memref<1x40x128xf32, #tpu.memory_space<vmem>> -> memref<40x128xf32, #tpu.memory_space<vmem>>
          %dma_start3A_109 = arith.constant 0 : i32
          %dma_start3A_110 = arith.constant 0 : i32
          %dma_start3A_111 = tpu.memref_slice %arg9[%dma_start3A_109, %dma_start3A_110] : memref<10240x128xf32, #tpu.memory_space<vmem_shared>> -> memref<10240x128xf32, #tpu.memory_space<vmem_shared>>
          tpu.enqueue_indirect_dma source(%dma_start3A_108 : memref<40x128xf32, #tpu.memory_space<vmem>>) target(%dma_start3A_111 : memref<10240x128xf32, #tpu.memory_space<vmem_shared>>) offsets(%arg5 : memref<40xi32, #tpu.memory_space<vmem>>) semaphore(%run_scoped3A_104 : memref<!tpu.dma_semaphore, #tpu.memory_space<semaphore_mem>>) {add = true}
          %dma_wait3A_112 = arith.constant 0 : i32
          %dma_wait3A_113 = arith.constant 0 : i32
          %dma_wait3A_114 = tpu.memref_slice %arg7[%run_scoped3A, %dma_wait3A_112, %dma_wait3A_113] : memref<2x40x128xf32, #tpu.memory_space<vmem>> -> memref<1x40x128xf32, #tpu.memory_space<vmem>>
          %dma_wait3A_115 = tpu.memref_squeeze %dma_wait3A_114 : memref<1x40x128xf32, #tpu.memory_space<vmem>> -> memref<40x128xf32, #tpu.memory_space<vmem>>
          %dma_wait3A_116 = arith.constant 0 : i32
          %dma_wait3A_117 = arith.constant 0 : i32
          %dma_wait3A_118 = tpu.memref_slice %arg9[%dma_wait3A_116, %dma_wait3A_117] : memref<10240x128xf32, #tpu.memory_space<vmem_shared>> -> memref<10240x128xf32, #tpu.memory_space<vmem_shared>>
          tpu.wait_indirect_dma semaphore(%run_scoped3A_104 : memref<!tpu.dma_semaphore, #tpu.memory_space<semaphore_mem>>) src(%dma_wait3A_115 : memref<40x128xf32, #tpu.memory_space<vmem>>) dst(%dma_wait3A_118 : memref<10240x128xf32, #tpu.memory_space<vmem_shared>>)
          tpu.yield
        }) : () -> ()
        %add3A_97 = arith.constant 2 : i32
        %add3A_98 = arith.addi %add3A_66, %add3A_97 : i32
        %lt3A_99 = arith.constant 125 : i32
        %lt3A_100 = arith.cmpi slt, %add3A_98, %lt3A_99 : i32
        %convert_element_type3A_101 = arith.extui %lt3A_100 : i1 to i32
        %cond3A_102 = arith.constant 0 : i32
        %cond3A_103 = arith.cmpi ne, %convert_element_type3A_101, %cond3A_102 : i32
        scf.if %cond3A_103 {
          %add3A_104 = arith.constant 2 : i32
          %add3A_105 = arith.addi %add3A_66, %add3A_104 : i32
          %mul3A_106 = arith.constant 5000 : i32
          %mul3A_107 = arith.muli %add3A, %mul3A_106 : i32
          %mul3A_108 = arith.constant 40 : i32
          %mul3A_109 = arith.muli %add3A_105, %mul3A_108 : i32
          %add3A_110 = arith.addi %mul3A_107, %mul3A_109 : i32
          %dma_start3A_111 = tpu.memref_slice %arg3[%add3A_110] : memref<160000xi32, #tpu.memory_space<hbm>> -> memref<40xi32, #tpu.memory_space<hbm>>
          %dma_start3A_112 = tpu.memref_slice %arg3[%add3A_110] : memref<160000xi32, #tpu.memory_space<hbm>> -> memref<40xi32, #tpu.memory_space<hbm>>
          tpu.enqueue_dma source(%dma_start3A_112 : memref<40xi32, #tpu.memory_space<hbm>>) target(%arg5 : memref<40xi32, #tpu.memory_space<vmem>>) target_semaphore(%arg10 : memref<!tpu.dma_semaphore, #tpu.memory_space<semaphore_mem>>)
          %dma_start3A_113 = arith.constant 0 : i32
          %dma_start3A_114 = arith.constant 0 : i32
          %dma_start3A_115 = arith.constant 0 : i32
          %dma_start3A_116 = tpu.memref_slice %arg7[%dma_start3A_113, %dma_start3A_114, %dma_start3A_115] : memref<2x40x128xf32, #tpu.memory_space<vmem>> -> memref<1x40x128xf32, #tpu.memory_space<vmem>>
          %dma_start3A_117 = tpu.memref_squeeze %dma_start3A_116 : memref<1x40x128xf32, #tpu.memory_space<vmem>> -> memref<40x128xf32, #tpu.memory_space<vmem>>
          %dma_start3A_118 = arith.constant 0 : i32
          %dma_start3A_119 = tpu.memref_slice %arg2[%add3A_110, %dma_start3A_118] : memref<160000x128xf32, #tpu.memory_space<hbm>> -> memref<40x128xf32, #tpu.memory_space<hbm>>
          %dma_start3A_120 = arith.constant 0 : i32
          %dma_start3A_121 = arith.constant 0 : i32
          %dma_start3A_122 = tpu.memref_slice %arg7[%dma_start3A_113, %dma_start3A_120, %dma_start3A_121] : memref<2x40x128xf32, #tpu.memory_space<vmem>> -> memref<1x40x128xf32, #tpu.memory_space<vmem>>
          %dma_start3A_123 = tpu.memref_squeeze %dma_start3A_122 : memref<1x40x128xf32, #tpu.memory_space<vmem>> -> memref<40x128xf32, #tpu.memory_space<vmem>>
          %dma_start3A_124 = arith.constant 0 : i32
          %dma_start3A_125 = tpu.memref_slice %arg2[%add3A_110, %dma_start3A_124] : memref<160000x128xf32, #tpu.memory_space<hbm>> -> memref<40x128xf32, #tpu.memory_space<hbm>>
          tpu.enqueue_dma source(%dma_start3A_125 : memref<40x128xf32, #tpu.memory_space<hbm>>) target(%dma_start3A_123 : memref<40x128xf32, #tpu.memory_space<vmem>>) target_semaphore(%arg10 : memref<!tpu.dma_semaphore, #tpu.memory_space<semaphore_mem>>)
        } else {
        }
      } else {
      }
      %mul3A_69 = arith.constant 2 : i32
      %mul3A_70 = arith.muli %mul3A_69, %scan3A_62 : i32
      %add3A_71 = arith.constant 1 : i32
      %add3A_72 = arith.addi %mul3A_70, %add3A_71 : i32
      %lt3A_73 = arith.constant 125 : i32
      %lt3A_74 = arith.cmpi slt, %add3A_72, %lt3A_73 : i32
      %convert_element_type3A_75 = arith.extui %lt3A_74 : i1 to i32
      %cond3A_76 = arith.constant 0 : i32
      %cond3A_77 = arith.cmpi ne, %convert_element_type3A_75, %cond3A_76 : i32
      scf.if %cond3A_77 {
        %mul3A_78 = arith.constant 5000 : i32
        %mul3A_79 = arith.muli %add3A, %mul3A_78 : i32
        %mul3A_80 = arith.constant 40 : i32
        %mul3A_81 = arith.muli %add3A_72, %mul3A_80 : i32
        %add3A_82 = arith.addi %mul3A_79, %mul3A_81 : i32
        %dma_wait3A = tpu.memref_slice %arg3[%add3A_82] : memref<160000xi32, #tpu.memory_space<hbm>> -> memref<40xi32, #tpu.memory_space<hbm>>
        %dma_wait3A_83 = tpu.memref_slice %arg3[%add3A_82] : memref<160000xi32, #tpu.memory_space<hbm>> -> memref<40xi32, #tpu.memory_space<hbm>>
        tpu.wait_dma2 semaphore(%arg11 : memref<!tpu.dma_semaphore, #tpu.memory_space<semaphore_mem>>) src(%dma_wait3A_83 : memref<40xi32, #tpu.memory_space<hbm>>) dst(%arg6 : memref<40xi32, #tpu.memory_space<vmem>>)
        %dma_wait3A_84 = arith.constant 1 : i32
        %dma_wait3A_85 = arith.constant 0 : i32
        %dma_wait3A_86 = arith.constant 0 : i32
        %dma_wait3A_87 = tpu.memref_slice %arg7[%dma_wait3A_84, %dma_wait3A_85, %dma_wait3A_86] : memref<2x40x128xf32, #tpu.memory_space<vmem>> -> memref<1x40x128xf32, #tpu.memory_space<vmem>>
        %dma_wait3A_88 = tpu.memref_squeeze %dma_wait3A_87 : memref<1x40x128xf32, #tpu.memory_space<vmem>> -> memref<40x128xf32, #tpu.memory_space<vmem>>
        %dma_wait3A_89 = arith.constant 0 : i32
        %dma_wait3A_90 = tpu.memref_slice %arg2[%add3A_82, %dma_wait3A_89] : memref<160000x128xf32, #tpu.memory_space<hbm>> -> memref<40x128xf32, #tpu.memory_space<hbm>>
        %dma_wait3A_91 = arith.constant 0 : i32
        %dma_wait3A_92 = arith.constant 0 : i32
        %dma_wait3A_93 = tpu.memref_slice %arg7[%dma_wait3A_84, %dma_wait3A_91, %dma_wait3A_92] : memref<2x40x128xf32, #tpu.memory_space<vmem>> -> memref<1x40x128xf32, #tpu.memory_space<vmem>>
        %dma_wait3A_94 = tpu.memref_squeeze %dma_wait3A_93 : memref<1x40x128xf32, #tpu.memory_space<vmem>> -> memref<40x128xf32, #tpu.memory_space<vmem>>
        %dma_wait3A_95 = arith.constant 0 : i32
        %dma_wait3A_96 = tpu.memref_slice %arg2[%add3A_82, %dma_wait3A_95] : memref<160000x128xf32, #tpu.memory_space<hbm>> -> memref<40x128xf32, #tpu.memory_space<hbm>>
        tpu.wait_dma2 semaphore(%arg11 : memref<!tpu.dma_semaphore, #tpu.memory_space<semaphore_mem>>) src(%dma_wait3A_96 : memref<40x128xf32, #tpu.memory_space<hbm>>) dst(%dma_wait3A_94 : memref<40x128xf32, #tpu.memory_space<vmem>>)
        %run_scoped3A = arith.constant 1 : i32
        "tpu.region"() ({
          %run_scoped3A_104 = tpu.sem_alloc : memref<!tpu.dma_semaphore, #tpu.memory_space<semaphore_mem>>
          %dma_start3A_105 = arith.constant 0 : i32
          %dma_start3A_106 = arith.constant 0 : i32
          %dma_start3A_107 = tpu.memref_slice %arg7[%run_scoped3A, %dma_start3A_105, %dma_start3A_106] : memref<2x40x128xf32, #tpu.memory_space<vmem>> -> memref<1x40x128xf32, #tpu.memory_space<vmem>>
          %dma_start3A_108 = tpu.memref_squeeze %dma_start3A_107 : memref<1x40x128xf32, #tpu.memory_space<vmem>> -> memref<40x128xf32, #tpu.memory_space<vmem>>
          %dma_start3A_109 = arith.constant 0 : i32
          %dma_start3A_110 = arith.constant 0 : i32
          %dma_start3A_111 = tpu.memref_slice %arg9[%dma_start3A_109, %dma_start3A_110] : memref<10240x128xf32, #tpu.memory_space<vmem_shared>> -> memref<10240x128xf32, #tpu.memory_space<vmem_shared>>
          tpu.enqueue_indirect_dma source(%dma_start3A_108 : memref<40x128xf32, #tpu.memory_space<vmem>>) target(%dma_start3A_111 : memref<10240x128xf32, #tpu.memory_space<vmem_shared>>) offsets(%arg6 : memref<40xi32, #tpu.memory_space<vmem>>) semaphore(%run_scoped3A_104 : memref<!tpu.dma_semaphore, #tpu.memory_space<semaphore_mem>>) {add = true}
          %dma_wait3A_112 = arith.constant 0 : i32
          %dma_wait3A_113 = arith.constant 0 : i32
          %dma_wait3A_114 = tpu.memref_slice %arg7[%run_scoped3A, %dma_wait3A_112, %dma_wait3A_113] : memref<2x40x128xf32, #tpu.memory_space<vmem>> -> memref<1x40x128xf32, #tpu.memory_space<vmem>>
          %dma_wait3A_115 = tpu.memref_squeeze %dma_wait3A_114 : memref<1x40x128xf32, #tpu.memory_space<vmem>> -> memref<40x128xf32, #tpu.memory_space<vmem>>
          %dma_wait3A_116 = arith.constant 0 : i32
          %dma_wait3A_117 = arith.constant 0 : i32
          %dma_wait3A_118 = tpu.memref_slice %arg9[%dma_wait3A_116, %dma_wait3A_117] : memref<10240x128xf32, #tpu.memory_space<vmem_shared>> -> memref<10240x128xf32, #tpu.memory_space<vmem_shared>>
          tpu.wait_indirect_dma semaphore(%run_scoped3A_104 : memref<!tpu.dma_semaphore, #tpu.memory_space<semaphore_mem>>) src(%dma_wait3A_115 : memref<40x128xf32, #tpu.memory_space<vmem>>) dst(%dma_wait3A_118 : memref<10240x128xf32, #tpu.memory_space<vmem_shared>>)
          tpu.yield
        }) : () -> ()
        %add3A_97 = arith.constant 2 : i32
        %add3A_98 = arith.addi %add3A_72, %add3A_97 : i32
        %lt3A_99 = arith.constant 125 : i32
        %lt3A_100 = arith.cmpi slt, %add3A_98, %lt3A_99 : i32
        %convert_element_type3A_101 = arith.extui %lt3A_100 : i1 to i32
        %cond3A_102 = arith.constant 0 : i32
        %cond3A_103 = arith.cmpi ne, %convert_element_type3A_101, %cond3A_102 : i32
        scf.if %cond3A_103 {
          %add3A_104 = arith.constant 2 : i32
          %add3A_105 = arith.addi %add3A_72, %add3A_104 : i32
          %mul3A_106 = arith.constant 5000 : i32
          %mul3A_107 = arith.muli %add3A, %mul3A_106 : i32
          %mul3A_108 = arith.constant 40 : i32
          %mul3A_109 = arith.muli %add3A_105, %mul3A_108 : i32
          %add3A_110 = arith.addi %mul3A_107, %mul3A_109 : i32
          %dma_start3A_111 = tpu.memref_slice %arg3[%add3A_110] : memref<160000xi32, #tpu.memory_space<hbm>> -> memref<40xi32, #tpu.memory_space<hbm>>
          %dma_start3A_112 = tpu.memref_slice %arg3[%add3A_110] : memref<160000xi32, #tpu.memory_space<hbm>> -> memref<40xi32, #tpu.memory_space<hbm>>
          tpu.enqueue_dma source(%dma_start3A_112 : memref<40xi32, #tpu.memory_space<hbm>>) target(%arg6 : memref<40xi32, #tpu.memory_space<vmem>>) target_semaphore(%arg11 : memref<!tpu.dma_semaphore, #tpu.memory_space<semaphore_mem>>)
          %dma_start3A_113 = arith.constant 1 : i32
          %dma_start3A_114 = arith.constant 0 : i32
          %dma_start3A_115 = arith.constant 0 : i32
          %dma_start3A_116 = tpu.memref_slice %arg7[%dma_start3A_113, %dma_start3A_114, %dma_start3A_115] : memref<2x40x128xf32, #tpu.memory_space<vmem>> -> memref<1x40x128xf32, #tpu.memory_space<vmem>>
          %dma_start3A_117 = tpu.memref_squeeze %dma_start3A_116 : memref<1x40x128xf32, #tpu.memory_space<vmem>> -> memref<40x128xf32, #tpu.memory_space<vmem>>
          %dma_start3A_118 = arith.constant 0 : i32
          %dma_start3A_119 = tpu.memref_slice %arg2[%add3A_110, %dma_start3A_118] : memref<160000x128xf32, #tpu.memory_space<hbm>> -> memref<40x128xf32, #tpu.memory_space<hbm>>
          %dma_start3A_120 = arith.constant 0 : i32
          %dma_start3A_121 = arith.constant 0 : i32
          %dma_start3A_122 = tpu.memref_slice %arg7[%dma_start3A_113, %dma_start3A_120, %dma_start3A_121] : memref<2x40x128xf32, #tpu.memory_space<vmem>> -> memref<1x40x128xf32, #tpu.memory_space<vmem>>
          %dma_start3A_123 = tpu.memref_squeeze %dma_start3A_122 : memref<1x40x128xf32, #tpu.memory_space<vmem>> -> memref<40x128xf32, #tpu.memory_space<vmem>>
          %dma_start3A_124 = arith.constant 0 : i32
          %dma_start3A_125 = tpu.memref_slice %arg2[%add3A_110, %dma_start3A_124] : memref<160000x128xf32, #tpu.memory_space<hbm>> -> memref<40x128xf32, #tpu.memory_space<hbm>>
          tpu.enqueue_dma source(%dma_start3A_125 : memref<40x128xf32, #tpu.memory_space<hbm>>) target(%dma_start3A_123 : memref<40x128xf32, #tpu.memory_space<vmem>>) target_semaphore(%arg11 : memref<!tpu.dma_semaphore, #tpu.memory_space<semaphore_mem>>)
        } else {
        }
      } else {
      }
    }
    %scan3A_54 = arith.constant 63 : i32
    %barrier3A_55 = arith.constant 0 : index
    tpu.barrier barrier_id(%barrier3A_55)
    %scan3A_56 = arith.constant 0 : i32
    %scan3A_57 = arith.constant 0 : i32
    %scan3A_58 = arith.constant 8 : i32
    %scan3A_59 = arith.addi %scan3A_57, %scan3A_58 : i32
    %scan3A_60 = arith.constant 1 : i32
    scf.for %scan3A_62 = %scan3A_57 to %scan3A_59 step %scan3A_60  : i32 {
      %mul3A_63 = arith.constant 640 : i32
      %mul3A_64 = arith.muli %arg1, %mul3A_63 : i32
      %mul3A_65 = arith.constant 80 : i32
      %mul3A_66 = arith.muli %scan3A_62, %mul3A_65 : i32
      %add3A_67 = arith.addi %mul3A_64, %mul3A_66 : i32
      "tpu.region"() ({
        %run_scoped3A = tpu.sem_alloc : memref<!tpu.dma_semaphore, #tpu.memory_space<semaphore_mem>>
        %dma_start3A_68 = arith.constant 0 : i32
        %dma_start3A_69 = tpu.memref_slice %arg9[%add3A_67, %dma_start3A_68] : memref<10240x128xf32, #tpu.memory_space<vmem_shared>> -> memref<80x128xf32, #tpu.memory_space<vmem_shared>>
        %dma_start3A_70 = arith.constant 0 : i32
        %dma_start3A_71 = tpu.memref_slice %arg9[%add3A_67, %dma_start3A_70] : memref<10240x128xf32, #tpu.memory_space<vmem_shared>> -> memref<80x128xf32, #tpu.memory_space<vmem_shared>>
        tpu.enqueue_dma source(%dma_start3A_71 : memref<80x128xf32, #tpu.memory_space<vmem_shared>>) target(%arg8 : memref<80x128xf32, #tpu.memory_space<vmem>>) target_semaphore(%run_scoped3A : memref<!tpu.dma_semaphore, #tpu.memory_space<semaphore_mem>>)
        %dma_wait3A = arith.constant 0 : i32
        %dma_wait3A_72 = tpu.memref_slice %arg9[%add3A_67, %dma_wait3A] : memref<10240x128xf32, #tpu.memory_space<vmem_shared>> -> memref<80x128xf32, #tpu.memory_space<vmem_shared>>
        %dma_wait3A_73 = arith.constant 0 : i32
        %dma_wait3A_74 = tpu.memref_slice %arg9[%add3A_67, %dma_wait3A_73] : memref<10240x128xf32, #tpu.memory_space<vmem_shared>> -> memref<80x128xf32, #tpu.memory_space<vmem_shared>>
        tpu.wait_dma2 semaphore(%run_scoped3A : memref<!tpu.dma_semaphore, #tpu.memory_space<semaphore_mem>>) src(%dma_wait3A_74 : memref<80x128xf32, #tpu.memory_space<vmem_shared>>) dst(%arg8 : memref<80x128xf32, #tpu.memory_space<vmem>>)
        tpu.yield
      }) : () -> ()
      "tpu.region"() ({
        %run_scoped3A = tpu.sem_alloc : memref<!tpu.dma_semaphore, #tpu.memory_space<semaphore_mem>>
        %dma_start3A_68 = arith.constant 0 : i32
        %dma_start3A_69 = tpu.memref_slice %arg4[%arg0, %add3A_67, %dma_start3A_68] : memref<2x10240x128xf32, #tpu.memory_space<hbm>> -> memref<1x80x128xf32, #tpu.memory_space<hbm>>
        %dma_start3A_70 = tpu.memref_squeeze %dma_start3A_69 : memref<1x80x128xf32, #tpu.memory_space<hbm>> -> memref<80x128xf32, #tpu.memory_space<hbm>>
        %dma_start3A_71 = arith.constant 0 : i32
        %dma_start3A_72 = tpu.memref_slice %arg4[%arg0, %add3A_67, %dma_start3A_71] : memref<2x10240x128xf32, #tpu.memory_space<hbm>> -> memref<1x80x128xf32, #tpu.memory_space<hbm>>
        %dma_start3A_73 = tpu.memref_squeeze %dma_start3A_72 : memref<1x80x128xf32, #tpu.memory_space<hbm>> -> memref<80x128xf32, #tpu.memory_space<hbm>>
        tpu.enqueue_dma source(%arg8 : memref<80x128xf32, #tpu.memory_space<vmem>>) target(%dma_start3A_73 : memref<80x128xf32, #tpu.memory_space<hbm>>) target_semaphore(%run_scoped3A : memref<!tpu.dma_semaphore, #tpu.memory_space<semaphore_mem>>)
        %dma_wait3A = arith.constant 0 : i32
        %dma_wait3A_74 = tpu.memref_slice %arg4[%arg0, %add3A_67, %dma_wait3A] : memref<2x10240x128xf32, #tpu.memory_space<hbm>> -> memref<1x80x128xf32, #tpu.memory_space<hbm>>
        %dma_wait3A_75 = tpu.memref_squeeze %dma_wait3A_74 : memref<1x80x128xf32, #tpu.memory_space<hbm>> -> memref<80x128xf32, #tpu.memory_space<hbm>>
        %dma_wait3A_76 = arith.constant 0 : i32
        %dma_wait3A_77 = tpu.memref_slice %arg4[%arg0, %add3A_67, %dma_wait3A_76] : memref<2x10240x128xf32, #tpu.memory_space<hbm>> -> memref<1x80x128xf32, #tpu.memory_space<hbm>>
        %dma_wait3A_78 = tpu.memref_squeeze %dma_wait3A_77 : memref<1x80x128xf32, #tpu.memory_space<hbm>> -> memref<80x128xf32, #tpu.memory_space<hbm>>
        tpu.wait_dma2 semaphore(%run_scoped3A : memref<!tpu.dma_semaphore, #tpu.memory_space<semaphore_mem>>) src(%arg8 : memref<80x128xf32, #tpu.memory_space<vmem>>) dst(%dma_wait3A_78 : memref<80x128xf32, #tpu.memory_space<hbm>>)
        tpu.yield
      }) : () -> ()
    }
    %scan3A_61 = arith.constant 8 : i32
    return
  }
}

#map = affine_map<(d0, d1) -> (0, 0, 0)>
#map1 = affine_map<(d0, d1) -> (0)>
module attributes {stable_mosaic.version = 14 : i64} {
  func.func @k(%arg0: i32, %arg1: i32, %arg2: memref<2x10240x128xi32, #tpu.memory_space<hbm>>, %arg3: memref<320000xi32, #tpu.memory_space<hbm>>, %arg4: memref<2x160000x128xi32, #tpu.memory_space<hbm>>, %arg5: memref<80xi32, #tpu.memory_space<vmem>>, %arg6: memref<80xi32, #tpu.memory_space<vmem>>, %arg7: memref<2x80x128xi32, #tpu.memory_space<vmem>>, %arg8: memref<128x128xi32, #tpu.memory_space<vmem>>, %arg9: memref<10240x128xi32, #tpu.memory_space<vmem_shared>>, %arg10: memref<!tpu.dma_semaphore, #tpu.memory_space<semaphore_mem>>, %arg11: memref<!tpu.dma_semaphore, #tpu.memory_space<semaphore_mem>>, %arg12: memref<!tpu.dma_semaphore, #tpu.memory_space<semaphore_mem>>, %arg13: memref<!tpu.dma_semaphore, #tpu.memory_space<semaphore_mem>>) attributes {dimension_semantics = [#tpu.dimension_semantics<core_parallel>, #tpu.dimension_semantics<subcore_parallel>], iteration_bounds = array<i64: 2, 16>, scalar_prefetch = 0 : i64, scratch_operands = 9 : i64, tpu.core_type = #tpu.core_type<sc_vector_subcore>, window_params = [{transform_indices = #map}, {transform_indices = #map1}, {transform_indices = #map}]} {
    %scan3A = arith.constant 0 : i32
    %scan3A_0 = arith.constant 0 : i32
    %scan3A_1 = arith.constant 5 : i32
    %scan3A_2 = arith.addi %scan3A_0, %scan3A_1 : i32
    %scan3A_3 = arith.constant 1 : i32
    scf.for %scan3A_38 = %scan3A_0 to %scan3A_2 step %scan3A_3  : i32 {
      %mul3A_39 = arith.constant 640 : i32
      %mul3A_40 = arith.muli %arg1, %mul3A_39 : i32
      %mul3A_41 = arith.constant 128 : i32
      %mul3A_42 = arith.muli %scan3A_38, %mul3A_41 : i32
      %add3A_43 = arith.addi %mul3A_40, %mul3A_42 : i32
      "tpu.region"() ({
        %run_scoped3A = tpu.sem_alloc : memref<!tpu.dma_semaphore, #tpu.memory_space<semaphore_mem>>
        %dma_start3A_44 = arith.constant 0 : i32
        %dma_start3A_45 = tpu.memref_slice %arg2[%arg0, %add3A_43, %dma_start3A_44] : memref<2x10240x128xi32, #tpu.memory_space<hbm>> -> memref<1x128x128xi32, #tpu.memory_space<hbm>>
        %dma_start3A_46 = tpu.memref_squeeze %dma_start3A_45 : memref<1x128x128xi32, #tpu.memory_space<hbm>> -> memref<128x128xi32, #tpu.memory_space<hbm>>
        %dma_start3A_47 = arith.constant 0 : i32
        %dma_start3A_48 = tpu.memref_slice %arg2[%arg0, %add3A_43, %dma_start3A_47] : memref<2x10240x128xi32, #tpu.memory_space<hbm>> -> memref<1x128x128xi32, #tpu.memory_space<hbm>>
        %dma_start3A_49 = tpu.memref_squeeze %dma_start3A_48 : memref<1x128x128xi32, #tpu.memory_space<hbm>> -> memref<128x128xi32, #tpu.memory_space<hbm>>
        tpu.enqueue_dma source(%dma_start3A_49 : memref<128x128xi32, #tpu.memory_space<hbm>>) target(%arg8 : memref<128x128xi32, #tpu.memory_space<vmem>>) target_semaphore(%run_scoped3A : memref<!tpu.dma_semaphore, #tpu.memory_space<semaphore_mem>>)
        %dma_wait3A = arith.constant 0 : i32
        %dma_wait3A_50 = tpu.memref_slice %arg2[%arg0, %add3A_43, %dma_wait3A] : memref<2x10240x128xi32, #tpu.memory_space<hbm>> -> memref<1x128x128xi32, #tpu.memory_space<hbm>>
        %dma_wait3A_51 = tpu.memref_squeeze %dma_wait3A_50 : memref<1x128x128xi32, #tpu.memory_space<hbm>> -> memref<128x128xi32, #tpu.memory_space<hbm>>
        %dma_wait3A_52 = arith.constant 0 : i32
        %dma_wait3A_53 = tpu.memref_slice %arg2[%arg0, %add3A_43, %dma_wait3A_52] : memref<2x10240x128xi32, #tpu.memory_space<hbm>> -> memref<1x128x128xi32, #tpu.memory_space<hbm>>
        %dma_wait3A_54 = tpu.memref_squeeze %dma_wait3A_53 : memref<1x128x128xi32, #tpu.memory_space<hbm>> -> memref<128x128xi32, #tpu.memory_space<hbm>>
        tpu.wait_dma2 semaphore(%run_scoped3A : memref<!tpu.dma_semaphore, #tpu.memory_space<semaphore_mem>>) src(%dma_wait3A_54 : memref<128x128xi32, #tpu.memory_space<hbm>>) dst(%arg8 : memref<128x128xi32, #tpu.memory_space<vmem>>)
        tpu.yield
      }) : () -> ()
      "tpu.region"() ({
        %run_scoped3A = tpu.sem_alloc : memref<!tpu.dma_semaphore, #tpu.memory_space<semaphore_mem>>
        %dma_start3A_44 = arith.constant 0 : i32
        %dma_start3A_45 = tpu.memref_slice %arg9[%add3A_43, %dma_start3A_44] : memref<10240x128xi32, #tpu.memory_space<vmem_shared>> -> memref<128x128xi32, #tpu.memory_space<vmem_shared>>
        %dma_start3A_46 = arith.constant 0 : i32
        %dma_start3A_47 = tpu.memref_slice %arg9[%add3A_43, %dma_start3A_46] : memref<10240x128xi32, #tpu.memory_space<vmem_shared>> -> memref<128x128xi32, #tpu.memory_space<vmem_shared>>
        tpu.enqueue_dma source(%arg8 : memref<128x128xi32, #tpu.memory_space<vmem>>) target(%dma_start3A_47 : memref<128x128xi32, #tpu.memory_space<vmem_shared>>) target_semaphore(%run_scoped3A : memref<!tpu.dma_semaphore, #tpu.memory_space<semaphore_mem>>)
        %dma_wait3A = arith.constant 0 : i32
        %dma_wait3A_48 = tpu.memref_slice %arg9[%add3A_43, %dma_wait3A] : memref<10240x128xi32, #tpu.memory_space<vmem_shared>> -> memref<128x128xi32, #tpu.memory_space<vmem_shared>>
        %dma_wait3A_49 = arith.constant 0 : i32
        %dma_wait3A_50 = tpu.memref_slice %arg9[%add3A_43, %dma_wait3A_49] : memref<10240x128xi32, #tpu.memory_space<vmem_shared>> -> memref<128x128xi32, #tpu.memory_space<vmem_shared>>
        tpu.wait_dma2 semaphore(%run_scoped3A : memref<!tpu.dma_semaphore, #tpu.memory_space<semaphore_mem>>) src(%arg8 : memref<128x128xi32, #tpu.memory_space<vmem>>) dst(%dma_wait3A_50 : memref<128x128xi32, #tpu.memory_space<vmem_shared>>)
        tpu.yield
      }) : () -> ()
    }
    %scan3A_4 = arith.constant 5 : i32
    %barrier3A = arith.constant 0 : index
    tpu.barrier barrier_id(%barrier3A)
    %mul3A = arith.constant 10000 : i32
    %mul3A_5 = arith.muli %arg1, %mul3A : i32
    %add3A = arith.constant 0 : i32
    %add3A_6 = arith.addi %mul3A_5, %add3A : i32
    %mul3A_7 = arith.constant 160000 : i32
    %mul3A_8 = arith.muli %arg0, %mul3A_7 : i32
    %add3A_9 = arith.addi %mul3A_8, %add3A_6 : i32
    "tpu.region"() ({
      %run_scoped3A = tpu.sem_alloc : memref<!tpu.dma_semaphore, #tpu.memory_space<semaphore_mem>>
      %dma_start3A_38 = tpu.memref_slice %arg3[%add3A_9] : memref<320000xi32, #tpu.memory_space<hbm>> -> memref<80xi32, #tpu.memory_space<hbm>>
      %dma_start3A_39 = tpu.memref_slice %arg3[%add3A_9] : memref<320000xi32, #tpu.memory_space<hbm>> -> memref<80xi32, #tpu.memory_space<hbm>>
      tpu.enqueue_dma source(%dma_start3A_39 : memref<80xi32, #tpu.memory_space<hbm>>) target(%arg5 : memref<80xi32, #tpu.memory_space<vmem>>) target_semaphore(%run_scoped3A : memref<!tpu.dma_semaphore, #tpu.memory_space<semaphore_mem>>)
      %dma_wait3A = tpu.memref_slice %arg3[%add3A_9] : memref<320000xi32, #tpu.memory_space<hbm>> -> memref<80xi32, #tpu.memory_space<hbm>>
      %dma_wait3A_40 = tpu.memref_slice %arg3[%add3A_9] : memref<320000xi32, #tpu.memory_space<hbm>> -> memref<80xi32, #tpu.memory_space<hbm>>
      tpu.wait_dma2 semaphore(%run_scoped3A : memref<!tpu.dma_semaphore, #tpu.memory_space<semaphore_mem>>) src(%dma_wait3A_40 : memref<80xi32, #tpu.memory_space<hbm>>) dst(%arg5 : memref<80xi32, #tpu.memory_space<vmem>>)
      tpu.yield
    }) : () -> ()
    %dma_start3A = arith.constant 0 : i32
    %dma_start3A_10 = arith.constant 0 : i32
    %dma_start3A_11 = arith.constant 0 : i32
    %dma_start3A_12 = tpu.memref_slice %arg7[%dma_start3A, %dma_start3A_10, %dma_start3A_11] : memref<2x80x128xi32, #tpu.memory_space<vmem>> -> memref<1x80x128xi32, #tpu.memory_space<vmem>>
    %dma_start3A_13 = tpu.memref_squeeze %dma_start3A_12 : memref<1x80x128xi32, #tpu.memory_space<vmem>> -> memref<80x128xi32, #tpu.memory_space<vmem>>
    %dma_start3A_14 = arith.constant 0 : i32
    %dma_start3A_15 = arith.constant 0 : i32
    %dma_start3A_16 = tpu.memref_slice %arg9[%dma_start3A_14, %dma_start3A_15] : memref<10240x128xi32, #tpu.memory_space<vmem_shared>> -> memref<10240x128xi32, #tpu.memory_space<vmem_shared>>
    tpu.enqueue_indirect_dma source(%dma_start3A_16 : memref<10240x128xi32, #tpu.memory_space<vmem_shared>>) target(%dma_start3A_13 : memref<80x128xi32, #tpu.memory_space<vmem>>) offsets(%arg5 : memref<80xi32, #tpu.memory_space<vmem>>) semaphore(%arg10 : memref<!tpu.dma_semaphore, #tpu.memory_space<semaphore_mem>>)
    %mul3A_17 = arith.constant 10000 : i32
    %mul3A_18 = arith.muli %arg1, %mul3A_17 : i32
    %add3A_19 = arith.constant 80 : i32
    %add3A_20 = arith.addi %mul3A_18, %add3A_19 : i32
    %mul3A_21 = arith.constant 160000 : i32
    %mul3A_22 = arith.muli %arg0, %mul3A_21 : i32
    %add3A_23 = arith.addi %mul3A_22, %add3A_20 : i32
    "tpu.region"() ({
      %run_scoped3A = tpu.sem_alloc : memref<!tpu.dma_semaphore, #tpu.memory_space<semaphore_mem>>
      %dma_start3A_38 = tpu.memref_slice %arg3[%add3A_23] : memref<320000xi32, #tpu.memory_space<hbm>> -> memref<80xi32, #tpu.memory_space<hbm>>
      %dma_start3A_39 = tpu.memref_slice %arg3[%add3A_23] : memref<320000xi32, #tpu.memory_space<hbm>> -> memref<80xi32, #tpu.memory_space<hbm>>
      tpu.enqueue_dma source(%dma_start3A_39 : memref<80xi32, #tpu.memory_space<hbm>>) target(%arg6 : memref<80xi32, #tpu.memory_space<vmem>>) target_semaphore(%run_scoped3A : memref<!tpu.dma_semaphore, #tpu.memory_space<semaphore_mem>>)
      %dma_wait3A = tpu.memref_slice %arg3[%add3A_23] : memref<320000xi32, #tpu.memory_space<hbm>> -> memref<80xi32, #tpu.memory_space<hbm>>
      %dma_wait3A_40 = tpu.memref_slice %arg3[%add3A_23] : memref<320000xi32, #tpu.memory_space<hbm>> -> memref<80xi32, #tpu.memory_space<hbm>>
      tpu.wait_dma2 semaphore(%run_scoped3A : memref<!tpu.dma_semaphore, #tpu.memory_space<semaphore_mem>>) src(%dma_wait3A_40 : memref<80xi32, #tpu.memory_space<hbm>>) dst(%arg6 : memref<80xi32, #tpu.memory_space<vmem>>)
      tpu.yield
    }) : () -> ()
    %dma_start3A_24 = arith.constant 1 : i32
    %dma_start3A_25 = arith.constant 0 : i32
    %dma_start3A_26 = arith.constant 0 : i32
    %dma_start3A_27 = tpu.memref_slice %arg7[%dma_start3A_24, %dma_start3A_25, %dma_start3A_26] : memref<2x80x128xi32, #tpu.memory_space<vmem>> -> memref<1x80x128xi32, #tpu.memory_space<vmem>>
    %dma_start3A_28 = tpu.memref_squeeze %dma_start3A_27 : memref<1x80x128xi32, #tpu.memory_space<vmem>> -> memref<80x128xi32, #tpu.memory_space<vmem>>
    %dma_start3A_29 = arith.constant 0 : i32
    %dma_start3A_30 = arith.constant 0 : i32
    %dma_start3A_31 = tpu.memref_slice %arg9[%dma_start3A_29, %dma_start3A_30] : memref<10240x128xi32, #tpu.memory_space<vmem_shared>> -> memref<10240x128xi32, #tpu.memory_space<vmem_shared>>
    tpu.enqueue_indirect_dma source(%dma_start3A_31 : memref<10240x128xi32, #tpu.memory_space<vmem_shared>>) target(%dma_start3A_28 : memref<80x128xi32, #tpu.memory_space<vmem>>) offsets(%arg6 : memref<80xi32, #tpu.memory_space<vmem>>) semaphore(%arg11 : memref<!tpu.dma_semaphore, #tpu.memory_space<semaphore_mem>>)
    %scan3A_32 = arith.constant 0 : i32
    %scan3A_33 = arith.constant 0 : i32
    %scan3A_34 = arith.constant 63 : i32
    %scan3A_35 = arith.addi %scan3A_33, %scan3A_34 : i32
    %scan3A_36 = arith.constant 1 : i32
    scf.for %scan3A_38 = %scan3A_33 to %scan3A_35 step %scan3A_36  : i32 {
      %mul3A_39 = arith.constant 2 : i32
      %mul3A_40 = arith.muli %mul3A_39, %scan3A_38 : i32
      %add3A_41 = arith.constant 0 : i32
      %add3A_42 = arith.addi %mul3A_40, %add3A_41 : i32
      %lt3A = arith.constant 125 : i32
      %lt3A_43 = arith.cmpi slt, %add3A_42, %lt3A : i32
      %convert_element_type3A = arith.extui %lt3A_43 : i1 to i32
      %cond3A = arith.constant 0 : i32
      %cond3A_44 = arith.cmpi ne, %convert_element_type3A, %cond3A : i32
      scf.if %cond3A_44 {
        %dma_wait3A = arith.constant 0 : i32
        %dma_wait3A_54 = arith.constant 0 : i32
        %dma_wait3A_55 = arith.constant 0 : i32
        %dma_wait3A_56 = tpu.memref_slice %arg7[%dma_wait3A, %dma_wait3A_54, %dma_wait3A_55] : memref<2x80x128xi32, #tpu.memory_space<vmem>> -> memref<1x80x128xi32, #tpu.memory_space<vmem>>
        %dma_wait3A_57 = tpu.memref_squeeze %dma_wait3A_56 : memref<1x80x128xi32, #tpu.memory_space<vmem>> -> memref<80x128xi32, #tpu.memory_space<vmem>>
        %dma_wait3A_58 = arith.constant 0 : i32
        %dma_wait3A_59 = arith.constant 0 : i32
        %dma_wait3A_60 = tpu.memref_slice %arg9[%dma_wait3A_58, %dma_wait3A_59] : memref<10240x128xi32, #tpu.memory_space<vmem_shared>> -> memref<10240x128xi32, #tpu.memory_space<vmem_shared>>
        tpu.wait_indirect_dma semaphore(%arg10 : memref<!tpu.dma_semaphore, #tpu.memory_space<semaphore_mem>>) src(%dma_wait3A_60 : memref<10240x128xi32, #tpu.memory_space<vmem_shared>>) dst(%dma_wait3A_57 : memref<80x128xi32, #tpu.memory_space<vmem>>)
        %mul3A_61 = arith.constant 10000 : i32
        %mul3A_62 = arith.muli %arg1, %mul3A_61 : i32
        %mul3A_63 = arith.constant 80 : i32
        %mul3A_64 = arith.muli %add3A_42, %mul3A_63 : i32
        %add3A_65 = arith.addi %mul3A_62, %mul3A_64 : i32
        %dma_start3A_66 = arith.constant 0 : i32
        %dma_start3A_67 = arith.constant 0 : i32
        %dma_start3A_68 = arith.constant 0 : i32
        %dma_start3A_69 = tpu.memref_slice %arg7[%dma_start3A_66, %dma_start3A_67, %dma_start3A_68] : memref<2x80x128xi32, #tpu.memory_space<vmem>> -> memref<1x80x128xi32, #tpu.memory_space<vmem>>
        %dma_start3A_70 = tpu.memref_squeeze %dma_start3A_69 : memref<1x80x128xi32, #tpu.memory_space<vmem>> -> memref<80x128xi32, #tpu.memory_space<vmem>>
        %dma_start3A_71 = arith.constant 0 : i32
        %dma_start3A_72 = tpu.memref_slice %arg4[%arg0, %add3A_65, %dma_start3A_71] : memref<2x160000x128xi32, #tpu.memory_space<hbm>> -> memref<1x80x128xi32, #tpu.memory_space<hbm>>
        %dma_start3A_73 = tpu.memref_squeeze %dma_start3A_72 : memref<1x80x128xi32, #tpu.memory_space<hbm>> -> memref<80x128xi32, #tpu.memory_space<hbm>>
        %dma_start3A_74 = arith.constant 0 : i32
        %dma_start3A_75 = tpu.memref_slice %arg4[%arg0, %add3A_65, %dma_start3A_74] : memref<2x160000x128xi32, #tpu.memory_space<hbm>> -> memref<1x80x128xi32, #tpu.memory_space<hbm>>
        %dma_start3A_76 = tpu.memref_squeeze %dma_start3A_75 : memref<1x80x128xi32, #tpu.memory_space<hbm>> -> memref<80x128xi32, #tpu.memory_space<hbm>>
        %dma_start3A_77 = arith.constant 0 : i32
        %dma_start3A_78 = arith.constant 0 : i32
        %dma_start3A_79 = tpu.memref_slice %arg7[%dma_start3A_66, %dma_start3A_77, %dma_start3A_78] : memref<2x80x128xi32, #tpu.memory_space<vmem>> -> memref<1x80x128xi32, #tpu.memory_space<vmem>>
        %dma_start3A_80 = tpu.memref_squeeze %dma_start3A_79 : memref<1x80x128xi32, #tpu.memory_space<vmem>> -> memref<80x128xi32, #tpu.memory_space<vmem>>
        tpu.enqueue_dma source(%dma_start3A_80 : memref<80x128xi32, #tpu.memory_space<vmem>>) target(%dma_start3A_76 : memref<80x128xi32, #tpu.memory_space<hbm>>) target_semaphore(%arg12 : memref<!tpu.dma_semaphore, #tpu.memory_space<semaphore_mem>>)
        %mul3A_81 = arith.constant 10000 : i32
        %mul3A_82 = arith.muli %arg1, %mul3A_81 : i32
        %mul3A_83 = arith.constant 80 : i32
        %mul3A_84 = arith.muli %add3A_42, %mul3A_83 : i32
        %add3A_85 = arith.addi %mul3A_82, %mul3A_84 : i32
        %dma_wait3A_86 = arith.constant 0 : i32
        %dma_wait3A_87 = arith.constant 0 : i32
        %dma_wait3A_88 = arith.constant 0 : i32
        %dma_wait3A_89 = tpu.memref_slice %arg7[%dma_wait3A_86, %dma_wait3A_87, %dma_wait3A_88] : memref<2x80x128xi32, #tpu.memory_space<vmem>> -> memref<1x80x128xi32, #tpu.memory_space<vmem>>
        %dma_wait3A_90 = tpu.memref_squeeze %dma_wait3A_89 : memref<1x80x128xi32, #tpu.memory_space<vmem>> -> memref<80x128xi32, #tpu.memory_space<vmem>>
        %dma_wait3A_91 = arith.constant 0 : i32
        %dma_wait3A_92 = tpu.memref_slice %arg4[%arg0, %add3A_85, %dma_wait3A_91] : memref<2x160000x128xi32, #tpu.memory_space<hbm>> -> memref<1x80x128xi32, #tpu.memory_space<hbm>>
        %dma_wait3A_93 = tpu.memref_squeeze %dma_wait3A_92 : memref<1x80x128xi32, #tpu.memory_space<hbm>> -> memref<80x128xi32, #tpu.memory_space<hbm>>
        %dma_wait3A_94 = arith.constant 0 : i32
        %dma_wait3A_95 = tpu.memref_slice %arg4[%arg0, %add3A_85, %dma_wait3A_94] : memref<2x160000x128xi32, #tpu.memory_space<hbm>> -> memref<1x80x128xi32, #tpu.memory_space<hbm>>
        %dma_wait3A_96 = tpu.memref_squeeze %dma_wait3A_95 : memref<1x80x128xi32, #tpu.memory_space<hbm>> -> memref<80x128xi32, #tpu.memory_space<hbm>>
        %dma_wait3A_97 = arith.constant 0 : i32
        %dma_wait3A_98 = arith.constant 0 : i32
        %dma_wait3A_99 = tpu.memref_slice %arg7[%dma_wait3A_86, %dma_wait3A_97, %dma_wait3A_98] : memref<2x80x128xi32, #tpu.memory_space<vmem>> -> memref<1x80x128xi32, #tpu.memory_space<vmem>>
        %dma_wait3A_100 = tpu.memref_squeeze %dma_wait3A_99 : memref<1x80x128xi32, #tpu.memory_space<vmem>> -> memref<80x128xi32, #tpu.memory_space<vmem>>
        tpu.wait_dma2 semaphore(%arg12 : memref<!tpu.dma_semaphore, #tpu.memory_space<semaphore_mem>>) src(%dma_wait3A_100 : memref<80x128xi32, #tpu.memory_space<vmem>>) dst(%dma_wait3A_96 : memref<80x128xi32, #tpu.memory_space<hbm>>)
        %add3A_101 = arith.constant 2 : i32
        %add3A_102 = arith.addi %add3A_42, %add3A_101 : i32
        %lt3A_103 = arith.constant 125 : i32
        %lt3A_104 = arith.cmpi slt, %add3A_102, %lt3A_103 : i32
        %convert_element_type3A_105 = arith.extui %lt3A_104 : i1 to i32
        %cond3A_106 = arith.constant 0 : i32
        %cond3A_107 = arith.cmpi ne, %convert_element_type3A_105, %cond3A_106 : i32
        scf.if %cond3A_107 {
          %add3A_108 = arith.constant 2 : i32
          %add3A_109 = arith.addi %add3A_42, %add3A_108 : i32
          %mul3A_110 = arith.constant 10000 : i32
          %mul3A_111 = arith.muli %arg1, %mul3A_110 : i32
          %mul3A_112 = arith.constant 80 : i32
          %mul3A_113 = arith.muli %add3A_109, %mul3A_112 : i32
          %add3A_114 = arith.addi %mul3A_111, %mul3A_113 : i32
          %mul3A_115 = arith.constant 160000 : i32
          %mul3A_116 = arith.muli %arg0, %mul3A_115 : i32
          %add3A_117 = arith.addi %mul3A_116, %add3A_114 : i32
          "tpu.region"() ({
            %run_scoped3A = tpu.sem_alloc : memref<!tpu.dma_semaphore, #tpu.memory_space<semaphore_mem>>
            %dma_start3A_126 = tpu.memref_slice %arg3[%add3A_117] : memref<320000xi32, #tpu.memory_space<hbm>> -> memref<80xi32, #tpu.memory_space<hbm>>
            %dma_start3A_127 = tpu.memref_slice %arg3[%add3A_117] : memref<320000xi32, #tpu.memory_space<hbm>> -> memref<80xi32, #tpu.memory_space<hbm>>
            tpu.enqueue_dma source(%dma_start3A_127 : memref<80xi32, #tpu.memory_space<hbm>>) target(%arg5 : memref<80xi32, #tpu.memory_space<vmem>>) target_semaphore(%run_scoped3A : memref<!tpu.dma_semaphore, #tpu.memory_space<semaphore_mem>>)
            %dma_wait3A_128 = tpu.memref_slice %arg3[%add3A_117] : memref<320000xi32, #tpu.memory_space<hbm>> -> memref<80xi32, #tpu.memory_space<hbm>>
            %dma_wait3A_129 = tpu.memref_slice %arg3[%add3A_117] : memref<320000xi32, #tpu.memory_space<hbm>> -> memref<80xi32, #tpu.memory_space<hbm>>
            tpu.wait_dma2 semaphore(%run_scoped3A : memref<!tpu.dma_semaphore, #tpu.memory_space<semaphore_mem>>) src(%dma_wait3A_129 : memref<80xi32, #tpu.memory_space<hbm>>) dst(%arg5 : memref<80xi32, #tpu.memory_space<vmem>>)
            tpu.yield
          }) : () -> ()
          %dma_start3A_118 = arith.constant 0 : i32
          %dma_start3A_119 = arith.constant 0 : i32
          %dma_start3A_120 = arith.constant 0 : i32
          %dma_start3A_121 = tpu.memref_slice %arg7[%dma_start3A_118, %dma_start3A_119, %dma_start3A_120] : memref<2x80x128xi32, #tpu.memory_space<vmem>> -> memref<1x80x128xi32, #tpu.memory_space<vmem>>
          %dma_start3A_122 = tpu.memref_squeeze %dma_start3A_121 : memref<1x80x128xi32, #tpu.memory_space<vmem>> -> memref<80x128xi32, #tpu.memory_space<vmem>>
          %dma_start3A_123 = arith.constant 0 : i32
          %dma_start3A_124 = arith.constant 0 : i32
          %dma_start3A_125 = tpu.memref_slice %arg9[%dma_start3A_123, %dma_start3A_124] : memref<10240x128xi32, #tpu.memory_space<vmem_shared>> -> memref<10240x128xi32, #tpu.memory_space<vmem_shared>>
          tpu.enqueue_indirect_dma source(%dma_start3A_125 : memref<10240x128xi32, #tpu.memory_space<vmem_shared>>) target(%dma_start3A_122 : memref<80x128xi32, #tpu.memory_space<vmem>>) offsets(%arg5 : memref<80xi32, #tpu.memory_space<vmem>>) semaphore(%arg10 : memref<!tpu.dma_semaphore, #tpu.memory_space<semaphore_mem>>)
        } else {
        }
      } else {
      }
      %mul3A_45 = arith.constant 2 : i32
      %mul3A_46 = arith.muli %mul3A_45, %scan3A_38 : i32
      %add3A_47 = arith.constant 1 : i32
      %add3A_48 = arith.addi %mul3A_46, %add3A_47 : i32
      %lt3A_49 = arith.constant 125 : i32
      %lt3A_50 = arith.cmpi slt, %add3A_48, %lt3A_49 : i32
      %convert_element_type3A_51 = arith.extui %lt3A_50 : i1 to i32
      %cond3A_52 = arith.constant 0 : i32
      %cond3A_53 = arith.cmpi ne, %convert_element_type3A_51, %cond3A_52 : i32
      scf.if %cond3A_53 {
        %dma_wait3A = arith.constant 1 : i32
        %dma_wait3A_54 = arith.constant 0 : i32
        %dma_wait3A_55 = arith.constant 0 : i32
        %dma_wait3A_56 = tpu.memref_slice %arg7[%dma_wait3A, %dma_wait3A_54, %dma_wait3A_55] : memref<2x80x128xi32, #tpu.memory_space<vmem>> -> memref<1x80x128xi32, #tpu.memory_space<vmem>>
        %dma_wait3A_57 = tpu.memref_squeeze %dma_wait3A_56 : memref<1x80x128xi32, #tpu.memory_space<vmem>> -> memref<80x128xi32, #tpu.memory_space<vmem>>
        %dma_wait3A_58 = arith.constant 0 : i32
        %dma_wait3A_59 = arith.constant 0 : i32
        %dma_wait3A_60 = tpu.memref_slice %arg9[%dma_wait3A_58, %dma_wait3A_59] : memref<10240x128xi32, #tpu.memory_space<vmem_shared>> -> memref<10240x128xi32, #tpu.memory_space<vmem_shared>>
        tpu.wait_indirect_dma semaphore(%arg11 : memref<!tpu.dma_semaphore, #tpu.memory_space<semaphore_mem>>) src(%dma_wait3A_60 : memref<10240x128xi32, #tpu.memory_space<vmem_shared>>) dst(%dma_wait3A_57 : memref<80x128xi32, #tpu.memory_space<vmem>>)
        %mul3A_61 = arith.constant 10000 : i32
        %mul3A_62 = arith.muli %arg1, %mul3A_61 : i32
        %mul3A_63 = arith.constant 80 : i32
        %mul3A_64 = arith.muli %add3A_48, %mul3A_63 : i32
        %add3A_65 = arith.addi %mul3A_62, %mul3A_64 : i32
        %dma_start3A_66 = arith.constant 1 : i32
        %dma_start3A_67 = arith.constant 0 : i32
        %dma_start3A_68 = arith.constant 0 : i32
        %dma_start3A_69 = tpu.memref_slice %arg7[%dma_start3A_66, %dma_start3A_67, %dma_start3A_68] : memref<2x80x128xi32, #tpu.memory_space<vmem>> -> memref<1x80x128xi32, #tpu.memory_space<vmem>>
        %dma_start3A_70 = tpu.memref_squeeze %dma_start3A_69 : memref<1x80x128xi32, #tpu.memory_space<vmem>> -> memref<80x128xi32, #tpu.memory_space<vmem>>
        %dma_start3A_71 = arith.constant 0 : i32
        %dma_start3A_72 = tpu.memref_slice %arg4[%arg0, %add3A_65, %dma_start3A_71] : memref<2x160000x128xi32, #tpu.memory_space<hbm>> -> memref<1x80x128xi32, #tpu.memory_space<hbm>>
        %dma_start3A_73 = tpu.memref_squeeze %dma_start3A_72 : memref<1x80x128xi32, #tpu.memory_space<hbm>> -> memref<80x128xi32, #tpu.memory_space<hbm>>
        %dma_start3A_74 = arith.constant 0 : i32
        %dma_start3A_75 = tpu.memref_slice %arg4[%arg0, %add3A_65, %dma_start3A_74] : memref<2x160000x128xi32, #tpu.memory_space<hbm>> -> memref<1x80x128xi32, #tpu.memory_space<hbm>>
        %dma_start3A_76 = tpu.memref_squeeze %dma_start3A_75 : memref<1x80x128xi32, #tpu.memory_space<hbm>> -> memref<80x128xi32, #tpu.memory_space<hbm>>
        %dma_start3A_77 = arith.constant 0 : i32
        %dma_start3A_78 = arith.constant 0 : i32
        %dma_start3A_79 = tpu.memref_slice %arg7[%dma_start3A_66, %dma_start3A_77, %dma_start3A_78] : memref<2x80x128xi32, #tpu.memory_space<vmem>> -> memref<1x80x128xi32, #tpu.memory_space<vmem>>
        %dma_start3A_80 = tpu.memref_squeeze %dma_start3A_79 : memref<1x80x128xi32, #tpu.memory_space<vmem>> -> memref<80x128xi32, #tpu.memory_space<vmem>>
        tpu.enqueue_dma source(%dma_start3A_80 : memref<80x128xi32, #tpu.memory_space<vmem>>) target(%dma_start3A_76 : memref<80x128xi32, #tpu.memory_space<hbm>>) target_semaphore(%arg13 : memref<!tpu.dma_semaphore, #tpu.memory_space<semaphore_mem>>)
        %mul3A_81 = arith.constant 10000 : i32
        %mul3A_82 = arith.muli %arg1, %mul3A_81 : i32
        %mul3A_83 = arith.constant 80 : i32
        %mul3A_84 = arith.muli %add3A_48, %mul3A_83 : i32
        %add3A_85 = arith.addi %mul3A_82, %mul3A_84 : i32
        %dma_wait3A_86 = arith.constant 1 : i32
        %dma_wait3A_87 = arith.constant 0 : i32
        %dma_wait3A_88 = arith.constant 0 : i32
        %dma_wait3A_89 = tpu.memref_slice %arg7[%dma_wait3A_86, %dma_wait3A_87, %dma_wait3A_88] : memref<2x80x128xi32, #tpu.memory_space<vmem>> -> memref<1x80x128xi32, #tpu.memory_space<vmem>>
        %dma_wait3A_90 = tpu.memref_squeeze %dma_wait3A_89 : memref<1x80x128xi32, #tpu.memory_space<vmem>> -> memref<80x128xi32, #tpu.memory_space<vmem>>
        %dma_wait3A_91 = arith.constant 0 : i32
        %dma_wait3A_92 = tpu.memref_slice %arg4[%arg0, %add3A_85, %dma_wait3A_91] : memref<2x160000x128xi32, #tpu.memory_space<hbm>> -> memref<1x80x128xi32, #tpu.memory_space<hbm>>
        %dma_wait3A_93 = tpu.memref_squeeze %dma_wait3A_92 : memref<1x80x128xi32, #tpu.memory_space<hbm>> -> memref<80x128xi32, #tpu.memory_space<hbm>>
        %dma_wait3A_94 = arith.constant 0 : i32
        %dma_wait3A_95 = tpu.memref_slice %arg4[%arg0, %add3A_85, %dma_wait3A_94] : memref<2x160000x128xi32, #tpu.memory_space<hbm>> -> memref<1x80x128xi32, #tpu.memory_space<hbm>>
        %dma_wait3A_96 = tpu.memref_squeeze %dma_wait3A_95 : memref<1x80x128xi32, #tpu.memory_space<hbm>> -> memref<80x128xi32, #tpu.memory_space<hbm>>
        %dma_wait3A_97 = arith.constant 0 : i32
        %dma_wait3A_98 = arith.constant 0 : i32
        %dma_wait3A_99 = tpu.memref_slice %arg7[%dma_wait3A_86, %dma_wait3A_97, %dma_wait3A_98] : memref<2x80x128xi32, #tpu.memory_space<vmem>> -> memref<1x80x128xi32, #tpu.memory_space<vmem>>
        %dma_wait3A_100 = tpu.memref_squeeze %dma_wait3A_99 : memref<1x80x128xi32, #tpu.memory_space<vmem>> -> memref<80x128xi32, #tpu.memory_space<vmem>>
        tpu.wait_dma2 semaphore(%arg13 : memref<!tpu.dma_semaphore, #tpu.memory_space<semaphore_mem>>) src(%dma_wait3A_100 : memref<80x128xi32, #tpu.memory_space<vmem>>) dst(%dma_wait3A_96 : memref<80x128xi32, #tpu.memory_space<hbm>>)
        %add3A_101 = arith.constant 2 : i32
        %add3A_102 = arith.addi %add3A_48, %add3A_101 : i32
        %lt3A_103 = arith.constant 125 : i32
        %lt3A_104 = arith.cmpi slt, %add3A_102, %lt3A_103 : i32
        %convert_element_type3A_105 = arith.extui %lt3A_104 : i1 to i32
        %cond3A_106 = arith.constant 0 : i32
        %cond3A_107 = arith.cmpi ne, %convert_element_type3A_105, %cond3A_106 : i32
        scf.if %cond3A_107 {
          %add3A_108 = arith.constant 2 : i32
          %add3A_109 = arith.addi %add3A_48, %add3A_108 : i32
          %mul3A_110 = arith.constant 10000 : i32
          %mul3A_111 = arith.muli %arg1, %mul3A_110 : i32
          %mul3A_112 = arith.constant 80 : i32
          %mul3A_113 = arith.muli %add3A_109, %mul3A_112 : i32
          %add3A_114 = arith.addi %mul3A_111, %mul3A_113 : i32
          %mul3A_115 = arith.constant 160000 : i32
          %mul3A_116 = arith.muli %arg0, %mul3A_115 : i32
          %add3A_117 = arith.addi %mul3A_116, %add3A_114 : i32
          "tpu.region"() ({
            %run_scoped3A = tpu.sem_alloc : memref<!tpu.dma_semaphore, #tpu.memory_space<semaphore_mem>>
            %dma_start3A_126 = tpu.memref_slice %arg3[%add3A_117] : memref<320000xi32, #tpu.memory_space<hbm>> -> memref<80xi32, #tpu.memory_space<hbm>>
            %dma_start3A_127 = tpu.memref_slice %arg3[%add3A_117] : memref<320000xi32, #tpu.memory_space<hbm>> -> memref<80xi32, #tpu.memory_space<hbm>>
            tpu.enqueue_dma source(%dma_start3A_127 : memref<80xi32, #tpu.memory_space<hbm>>) target(%arg6 : memref<80xi32, #tpu.memory_space<vmem>>) target_semaphore(%run_scoped3A : memref<!tpu.dma_semaphore, #tpu.memory_space<semaphore_mem>>)
            %dma_wait3A_128 = tpu.memref_slice %arg3[%add3A_117] : memref<320000xi32, #tpu.memory_space<hbm>> -> memref<80xi32, #tpu.memory_space<hbm>>
            %dma_wait3A_129 = tpu.memref_slice %arg3[%add3A_117] : memref<320000xi32, #tpu.memory_space<hbm>> -> memref<80xi32, #tpu.memory_space<hbm>>
            tpu.wait_dma2 semaphore(%run_scoped3A : memref<!tpu.dma_semaphore, #tpu.memory_space<semaphore_mem>>) src(%dma_wait3A_129 : memref<80xi32, #tpu.memory_space<hbm>>) dst(%arg6 : memref<80xi32, #tpu.memory_space<vmem>>)
            tpu.yield
          }) : () -> ()
          %dma_start3A_118 = arith.constant 1 : i32
          %dma_start3A_119 = arith.constant 0 : i32
          %dma_start3A_120 = arith.constant 0 : i32
          %dma_start3A_121 = tpu.memref_slice %arg7[%dma_start3A_118, %dma_start3A_119, %dma_start3A_120] : memref<2x80x128xi32, #tpu.memory_space<vmem>> -> memref<1x80x128xi32, #tpu.memory_space<vmem>>
          %dma_start3A_122 = tpu.memref_squeeze %dma_start3A_121 : memref<1x80x128xi32, #tpu.memory_space<vmem>> -> memref<80x128xi32, #tpu.memory_space<vmem>>
          %dma_start3A_123 = arith.constant 0 : i32
          %dma_start3A_124 = arith.constant 0 : i32
          %dma_start3A_125 = tpu.memref_slice %arg9[%dma_start3A_123, %dma_start3A_124] : memref<10240x128xi32, #tpu.memory_space<vmem_shared>> -> memref<10240x128xi32, #tpu.memory_space<vmem_shared>>
          tpu.enqueue_indirect_dma source(%dma_start3A_125 : memref<10240x128xi32, #tpu.memory_space<vmem_shared>>) target(%dma_start3A_122 : memref<80x128xi32, #tpu.memory_space<vmem>>) offsets(%arg6 : memref<80xi32, #tpu.memory_space<vmem>>) semaphore(%arg11 : memref<!tpu.dma_semaphore, #tpu.memory_space<semaphore_mem>>)
        } else {
        }
      } else {
      }
    }
    %scan3A_37 = arith.constant 63 : i32
    return
  }
}

#map = affine_map<(d0, d1) -> (0, 0, 0)>
#map1 = affine_map<(d0, d1) -> (0)>
module attributes {stable_mosaic.version = 14 : i64} {
  func.func @k(%arg0: i32, %arg1: i32, %arg2: memref<2x10240x128xi32, #tpu.memory_space<hbm>>, %arg3: memref<320000xi32, #tpu.memory_space<hbm>>, %arg4: memref<2x160000x128xi32, #tpu.memory_space<hbm>>, %arg5: memref<80xi32, #tpu.memory_space<vmem>>, %arg6: memref<80xi32, #tpu.memory_space<vmem>>, %arg7: memref<2x80x128xi32, #tpu.memory_space<vmem>>, %arg8: memref<128x128xi32, #tpu.memory_space<vmem>>, %arg9: memref<10240x128xi32, #tpu.memory_space<vmem_shared>>, %arg10: memref<!tpu.dma_semaphore, #tpu.memory_space<semaphore_mem>>, %arg11: memref<!tpu.dma_semaphore, #tpu.memory_space<semaphore_mem>>, %arg12: memref<!tpu.dma_semaphore, #tpu.memory_space<semaphore_mem>>, %arg13: memref<!tpu.dma_semaphore, #tpu.memory_space<semaphore_mem>>) attributes {dimension_semantics = [#tpu.dimension_semantics<core_parallel>, #tpu.dimension_semantics<subcore_parallel>], iteration_bounds = array<i64: 2, 16>, scalar_prefetch = 0 : i64, scratch_operands = 9 : i64, tpu.core_type = #tpu.core_type<sc_vector_subcore>, window_params = [{transform_indices = #map}, {transform_indices = #map1}, {transform_indices = #map}]} {
    %scan3A = arith.constant 0 : i32
    %scan3A_0 = arith.constant 0 : i32
    %scan3A_1 = arith.constant 5 : i32
    %scan3A_2 = arith.addi %scan3A_0, %scan3A_1 : i32
    %scan3A_3 = arith.constant 1 : i32
    scf.for %scan3A_38 = %scan3A_0 to %scan3A_2 step %scan3A_3  : i32 {
      %mul3A_39 = arith.constant 640 : i32
      %mul3A_40 = arith.muli %arg1, %mul3A_39 : i32
      %mul3A_41 = arith.constant 128 : i32
      %mul3A_42 = arith.muli %scan3A_38, %mul3A_41 : i32
      %add3A_43 = arith.addi %mul3A_40, %mul3A_42 : i32
      "tpu.region"() ({
        %run_scoped3A = tpu.sem_alloc : memref<!tpu.dma_semaphore, #tpu.memory_space<semaphore_mem>>
        %dma_start3A_44 = arith.constant 0 : i32
        %dma_start3A_45 = tpu.memref_slice %arg2[%arg0, %add3A_43, %dma_start3A_44] : memref<2x10240x128xi32, #tpu.memory_space<hbm>> -> memref<1x128x128xi32, #tpu.memory_space<hbm>>
        %dma_start3A_46 = tpu.memref_squeeze %dma_start3A_45 : memref<1x128x128xi32, #tpu.memory_space<hbm>> -> memref<128x128xi32, #tpu.memory_space<hbm>>
        %dma_start3A_47 = arith.constant 0 : i32
        %dma_start3A_48 = tpu.memref_slice %arg2[%arg0, %add3A_43, %dma_start3A_47] : memref<2x10240x128xi32, #tpu.memory_space<hbm>> -> memref<1x128x128xi32, #tpu.memory_space<hbm>>
        %dma_start3A_49 = tpu.memref_squeeze %dma_start3A_48 : memref<1x128x128xi32, #tpu.memory_space<hbm>> -> memref<128x128xi32, #tpu.memory_space<hbm>>
        tpu.enqueue_dma source(%dma_start3A_49 : memref<128x128xi32, #tpu.memory_space<hbm>>) target(%arg8 : memref<128x128xi32, #tpu.memory_space<vmem>>) target_semaphore(%run_scoped3A : memref<!tpu.dma_semaphore, #tpu.memory_space<semaphore_mem>>)
        %dma_wait3A = arith.constant 0 : i32
        %dma_wait3A_50 = tpu.memref_slice %arg2[%arg0, %add3A_43, %dma_wait3A] : memref<2x10240x128xi32, #tpu.memory_space<hbm>> -> memref<1x128x128xi32, #tpu.memory_space<hbm>>
        %dma_wait3A_51 = tpu.memref_squeeze %dma_wait3A_50 : memref<1x128x128xi32, #tpu.memory_space<hbm>> -> memref<128x128xi32, #tpu.memory_space<hbm>>
        %dma_wait3A_52 = arith.constant 0 : i32
        %dma_wait3A_53 = tpu.memref_slice %arg2[%arg0, %add3A_43, %dma_wait3A_52] : memref<2x10240x128xi32, #tpu.memory_space<hbm>> -> memref<1x128x128xi32, #tpu.memory_space<hbm>>
        %dma_wait3A_54 = tpu.memref_squeeze %dma_wait3A_53 : memref<1x128x128xi32, #tpu.memory_space<hbm>> -> memref<128x128xi32, #tpu.memory_space<hbm>>
        tpu.wait_dma2 semaphore(%run_scoped3A : memref<!tpu.dma_semaphore, #tpu.memory_space<semaphore_mem>>) src(%dma_wait3A_54 : memref<128x128xi32, #tpu.memory_space<hbm>>) dst(%arg8 : memref<128x128xi32, #tpu.memory_space<vmem>>)
        tpu.yield
      }) : () -> ()
      "tpu.region"() ({
        %run_scoped3A = tpu.sem_alloc : memref<!tpu.dma_semaphore, #tpu.memory_space<semaphore_mem>>
        %dma_start3A_44 = arith.constant 0 : i32
        %dma_start3A_45 = tpu.memref_slice %arg9[%add3A_43, %dma_start3A_44] : memref<10240x128xi32, #tpu.memory_space<vmem_shared>> -> memref<128x128xi32, #tpu.memory_space<vmem_shared>>
        %dma_start3A_46 = arith.constant 0 : i32
        %dma_start3A_47 = tpu.memref_slice %arg9[%add3A_43, %dma_start3A_46] : memref<10240x128xi32, #tpu.memory_space<vmem_shared>> -> memref<128x128xi32, #tpu.memory_space<vmem_shared>>
        tpu.enqueue_dma source(%arg8 : memref<128x128xi32, #tpu.memory_space<vmem>>) target(%dma_start3A_47 : memref<128x128xi32, #tpu.memory_space<vmem_shared>>) target_semaphore(%run_scoped3A : memref<!tpu.dma_semaphore, #tpu.memory_space<semaphore_mem>>)
        %dma_wait3A = arith.constant 0 : i32
        %dma_wait3A_48 = tpu.memref_slice %arg9[%add3A_43, %dma_wait3A] : memref<10240x128xi32, #tpu.memory_space<vmem_shared>> -> memref<128x128xi32, #tpu.memory_space<vmem_shared>>
        %dma_wait3A_49 = arith.constant 0 : i32
        %dma_wait3A_50 = tpu.memref_slice %arg9[%add3A_43, %dma_wait3A_49] : memref<10240x128xi32, #tpu.memory_space<vmem_shared>> -> memref<128x128xi32, #tpu.memory_space<vmem_shared>>
        tpu.wait_dma2 semaphore(%run_scoped3A : memref<!tpu.dma_semaphore, #tpu.memory_space<semaphore_mem>>) src(%arg8 : memref<128x128xi32, #tpu.memory_space<vmem>>) dst(%dma_wait3A_50 : memref<128x128xi32, #tpu.memory_space<vmem_shared>>)
        tpu.yield
      }) : () -> ()
    }
    %scan3A_4 = arith.constant 5 : i32
    %barrier3A = arith.constant 0 : index
    tpu.barrier barrier_id(%barrier3A)
    %mul3A = arith.constant 10000 : i32
    %mul3A_5 = arith.muli %arg1, %mul3A : i32
    %add3A = arith.constant 0 : i32
    %add3A_6 = arith.addi %mul3A_5, %add3A : i32
    %mul3A_7 = arith.constant 160000 : i32
    %mul3A_8 = arith.muli %arg0, %mul3A_7 : i32
    %add3A_9 = arith.addi %mul3A_8, %add3A_6 : i32
    "tpu.region"() ({
      %run_scoped3A = tpu.sem_alloc : memref<!tpu.dma_semaphore, #tpu.memory_space<semaphore_mem>>
      %dma_start3A_38 = tpu.memref_slice %arg3[%add3A_9] : memref<320000xi32, #tpu.memory_space<hbm>> -> memref<80xi32, #tpu.memory_space<hbm>>
      %dma_start3A_39 = tpu.memref_slice %arg3[%add3A_9] : memref<320000xi32, #tpu.memory_space<hbm>> -> memref<80xi32, #tpu.memory_space<hbm>>
      tpu.enqueue_dma source(%dma_start3A_39 : memref<80xi32, #tpu.memory_space<hbm>>) target(%arg5 : memref<80xi32, #tpu.memory_space<vmem>>) target_semaphore(%run_scoped3A : memref<!tpu.dma_semaphore, #tpu.memory_space<semaphore_mem>>)
      %dma_wait3A = tpu.memref_slice %arg3[%add3A_9] : memref<320000xi32, #tpu.memory_space<hbm>> -> memref<80xi32, #tpu.memory_space<hbm>>
      %dma_wait3A_40 = tpu.memref_slice %arg3[%add3A_9] : memref<320000xi32, #tpu.memory_space<hbm>> -> memref<80xi32, #tpu.memory_space<hbm>>
      tpu.wait_dma2 semaphore(%run_scoped3A : memref<!tpu.dma_semaphore, #tpu.memory_space<semaphore_mem>>) src(%dma_wait3A_40 : memref<80xi32, #tpu.memory_space<hbm>>) dst(%arg5 : memref<80xi32, #tpu.memory_space<vmem>>)
      tpu.yield
    }) : () -> ()
    %dma_start3A = arith.constant 0 : i32
    %dma_start3A_10 = arith.constant 0 : i32
    %dma_start3A_11 = arith.constant 0 : i32
    %dma_start3A_12 = tpu.memref_slice %arg7[%dma_start3A, %dma_start3A_10, %dma_start3A_11] : memref<2x80x128xi32, #tpu.memory_space<vmem>> -> memref<1x80x128xi32, #tpu.memory_space<vmem>>
    %dma_start3A_13 = tpu.memref_squeeze %dma_start3A_12 : memref<1x80x128xi32, #tpu.memory_space<vmem>> -> memref<80x128xi32, #tpu.memory_space<vmem>>
    %dma_start3A_14 = arith.constant 0 : i32
    %dma_start3A_15 = arith.constant 0 : i32
    %dma_start3A_16 = tpu.memref_slice %arg9[%dma_start3A_14, %dma_start3A_15] : memref<10240x128xi32, #tpu.memory_space<vmem_shared>> -> memref<10240x128xi32, #tpu.memory_space<vmem_shared>>
    tpu.enqueue_indirect_dma source(%dma_start3A_16 : memref<10240x128xi32, #tpu.memory_space<vmem_shared>>) target(%dma_start3A_13 : memref<80x128xi32, #tpu.memory_space<vmem>>) offsets(%arg5 : memref<80xi32, #tpu.memory_space<vmem>>) semaphore(%arg10 : memref<!tpu.dma_semaphore, #tpu.memory_space<semaphore_mem>>)
    %mul3A_17 = arith.constant 10000 : i32
    %mul3A_18 = arith.muli %arg1, %mul3A_17 : i32
    %add3A_19 = arith.constant 80 : i32
    %add3A_20 = arith.addi %mul3A_18, %add3A_19 : i32
    %mul3A_21 = arith.constant 160000 : i32
    %mul3A_22 = arith.muli %arg0, %mul3A_21 : i32
    %add3A_23 = arith.addi %mul3A_22, %add3A_20 : i32
    "tpu.region"() ({
      %run_scoped3A = tpu.sem_alloc : memref<!tpu.dma_semaphore, #tpu.memory_space<semaphore_mem>>
      %dma_start3A_38 = tpu.memref_slice %arg3[%add3A_23] : memref<320000xi32, #tpu.memory_space<hbm>> -> memref<80xi32, #tpu.memory_space<hbm>>
      %dma_start3A_39 = tpu.memref_slice %arg3[%add3A_23] : memref<320000xi32, #tpu.memory_space<hbm>> -> memref<80xi32, #tpu.memory_space<hbm>>
      tpu.enqueue_dma source(%dma_start3A_39 : memref<80xi32, #tpu.memory_space<hbm>>) target(%arg6 : memref<80xi32, #tpu.memory_space<vmem>>) target_semaphore(%run_scoped3A : memref<!tpu.dma_semaphore, #tpu.memory_space<semaphore_mem>>)
      %dma_wait3A = tpu.memref_slice %arg3[%add3A_23] : memref<320000xi32, #tpu.memory_space<hbm>> -> memref<80xi32, #tpu.memory_space<hbm>>
      %dma_wait3A_40 = tpu.memref_slice %arg3[%add3A_23] : memref<320000xi32, #tpu.memory_space<hbm>> -> memref<80xi32, #tpu.memory_space<hbm>>
      tpu.wait_dma2 semaphore(%run_scoped3A : memref<!tpu.dma_semaphore, #tpu.memory_space<semaphore_mem>>) src(%dma_wait3A_40 : memref<80xi32, #tpu.memory_space<hbm>>) dst(%arg6 : memref<80xi32, #tpu.memory_space<vmem>>)
      tpu.yield
    }) : () -> ()
    %dma_start3A_24 = arith.constant 1 : i32
    %dma_start3A_25 = arith.constant 0 : i32
    %dma_start3A_26 = arith.constant 0 : i32
    %dma_start3A_27 = tpu.memref_slice %arg7[%dma_start3A_24, %dma_start3A_25, %dma_start3A_26] : memref<2x80x128xi32, #tpu.memory_space<vmem>> -> memref<1x80x128xi32, #tpu.memory_space<vmem>>
    %dma_start3A_28 = tpu.memref_squeeze %dma_start3A_27 : memref<1x80x128xi32, #tpu.memory_space<vmem>> -> memref<80x128xi32, #tpu.memory_space<vmem>>
    %dma_start3A_29 = arith.constant 0 : i32
    %dma_start3A_30 = arith.constant 0 : i32
    %dma_start3A_31 = tpu.memref_slice %arg9[%dma_start3A_29, %dma_start3A_30] : memref<10240x128xi32, #tpu.memory_space<vmem_shared>> -> memref<10240x128xi32, #tpu.memory_space<vmem_shared>>
    tpu.enqueue_indirect_dma source(%dma_start3A_31 : memref<10240x128xi32, #tpu.memory_space<vmem_shared>>) target(%dma_start3A_28 : memref<80x128xi32, #tpu.memory_space<vmem>>) offsets(%arg6 : memref<80xi32, #tpu.memory_space<vmem>>) semaphore(%arg11 : memref<!tpu.dma_semaphore, #tpu.memory_space<semaphore_mem>>)
    %scan3A_32 = arith.constant 0 : i32
    %scan3A_33 = arith.constant 0 : i32
    %scan3A_34 = arith.constant 63 : i32
    %scan3A_35 = arith.addi %scan3A_33, %scan3A_34 : i32
    %scan3A_36 = arith.constant 1 : i32
    scf.for %scan3A_38 = %scan3A_33 to %scan3A_35 step %scan3A_36  : i32 {
      %mul3A_39 = arith.constant 2 : i32
      %mul3A_40 = arith.muli %mul3A_39, %scan3A_38 : i32
      %add3A_41 = arith.constant 0 : i32
      %add3A_42 = arith.addi %mul3A_40, %add3A_41 : i32
      %lt3A = arith.constant 125 : i32
      %lt3A_43 = arith.cmpi slt, %add3A_42, %lt3A : i32
      %convert_element_type3A = arith.extui %lt3A_43 : i1 to i32
      %cond3A = arith.constant 0 : i32
      %cond3A_44 = arith.cmpi ne, %convert_element_type3A, %cond3A : i32
      scf.if %cond3A_44 {
        %dma_wait3A = arith.constant 0 : i32
        %dma_wait3A_54 = arith.constant 0 : i32
        %dma_wait3A_55 = arith.constant 0 : i32
        %dma_wait3A_56 = tpu.memref_slice %arg7[%dma_wait3A, %dma_wait3A_54, %dma_wait3A_55] : memref<2x80x128xi32, #tpu.memory_space<vmem>> -> memref<1x80x128xi32, #tpu.memory_space<vmem>>
        %dma_wait3A_57 = tpu.memref_squeeze %dma_wait3A_56 : memref<1x80x128xi32, #tpu.memory_space<vmem>> -> memref<80x128xi32, #tpu.memory_space<vmem>>
        %dma_wait3A_58 = arith.constant 0 : i32
        %dma_wait3A_59 = arith.constant 0 : i32
        %dma_wait3A_60 = tpu.memref_slice %arg9[%dma_wait3A_58, %dma_wait3A_59] : memref<10240x128xi32, #tpu.memory_space<vmem_shared>> -> memref<10240x128xi32, #tpu.memory_space<vmem_shared>>
        tpu.wait_indirect_dma semaphore(%arg10 : memref<!tpu.dma_semaphore, #tpu.memory_space<semaphore_mem>>) src(%dma_wait3A_60 : memref<10240x128xi32, #tpu.memory_space<vmem_shared>>) dst(%dma_wait3A_57 : memref<80x128xi32, #tpu.memory_space<vmem>>)
        %mul3A_61 = arith.constant 10000 : i32
        %mul3A_62 = arith.muli %arg1, %mul3A_61 : i32
        %mul3A_63 = arith.constant 80 : i32
        %mul3A_64 = arith.muli %add3A_42, %mul3A_63 : i32
        %add3A_65 = arith.addi %mul3A_62, %mul3A_64 : i32
        %dma_start3A_66 = arith.constant 0 : i32
        %dma_start3A_67 = arith.constant 0 : i32
        %dma_start3A_68 = arith.constant 0 : i32
        %dma_start3A_69 = tpu.memref_slice %arg7[%dma_start3A_66, %dma_start3A_67, %dma_start3A_68] : memref<2x80x128xi32, #tpu.memory_space<vmem>> -> memref<1x80x128xi32, #tpu.memory_space<vmem>>
        %dma_start3A_70 = tpu.memref_squeeze %dma_start3A_69 : memref<1x80x128xi32, #tpu.memory_space<vmem>> -> memref<80x128xi32, #tpu.memory_space<vmem>>
        %dma_start3A_71 = arith.constant 0 : i32
        %dma_start3A_72 = tpu.memref_slice %arg4[%arg0, %add3A_65, %dma_start3A_71] : memref<2x160000x128xi32, #tpu.memory_space<hbm>> -> memref<1x80x128xi32, #tpu.memory_space<hbm>>
        %dma_start3A_73 = tpu.memref_squeeze %dma_start3A_72 : memref<1x80x128xi32, #tpu.memory_space<hbm>> -> memref<80x128xi32, #tpu.memory_space<hbm>>
        %dma_start3A_74 = arith.constant 0 : i32
        %dma_start3A_75 = tpu.memref_slice %arg4[%arg0, %add3A_65, %dma_start3A_74] : memref<2x160000x128xi32, #tpu.memory_space<hbm>> -> memref<1x80x128xi32, #tpu.memory_space<hbm>>
        %dma_start3A_76 = tpu.memref_squeeze %dma_start3A_75 : memref<1x80x128xi32, #tpu.memory_space<hbm>> -> memref<80x128xi32, #tpu.memory_space<hbm>>
        %dma_start3A_77 = arith.constant 0 : i32
        %dma_start3A_78 = arith.constant 0 : i32
        %dma_start3A_79 = tpu.memref_slice %arg7[%dma_start3A_66, %dma_start3A_77, %dma_start3A_78] : memref<2x80x128xi32, #tpu.memory_space<vmem>> -> memref<1x80x128xi32, #tpu.memory_space<vmem>>
        %dma_start3A_80 = tpu.memref_squeeze %dma_start3A_79 : memref<1x80x128xi32, #tpu.memory_space<vmem>> -> memref<80x128xi32, #tpu.memory_space<vmem>>
        tpu.enqueue_dma source(%dma_start3A_80 : memref<80x128xi32, #tpu.memory_space<vmem>>) target(%dma_start3A_76 : memref<80x128xi32, #tpu.memory_space<hbm>>) target_semaphore(%arg12 : memref<!tpu.dma_semaphore, #tpu.memory_space<semaphore_mem>>)
        %mul3A_81 = arith.constant 10000 : i32
        %mul3A_82 = arith.muli %arg1, %mul3A_81 : i32
        %mul3A_83 = arith.constant 80 : i32
        %mul3A_84 = arith.muli %add3A_42, %mul3A_83 : i32
        %add3A_85 = arith.addi %mul3A_82, %mul3A_84 : i32
        %dma_wait3A_86 = arith.constant 0 : i32
        %dma_wait3A_87 = arith.constant 0 : i32
        %dma_wait3A_88 = arith.constant 0 : i32
        %dma_wait3A_89 = tpu.memref_slice %arg7[%dma_wait3A_86, %dma_wait3A_87, %dma_wait3A_88] : memref<2x80x128xi32, #tpu.memory_space<vmem>> -> memref<1x80x128xi32, #tpu.memory_space<vmem>>
        %dma_wait3A_90 = tpu.memref_squeeze %dma_wait3A_89 : memref<1x80x128xi32, #tpu.memory_space<vmem>> -> memref<80x128xi32, #tpu.memory_space<vmem>>
        %dma_wait3A_91 = arith.constant 0 : i32
        %dma_wait3A_92 = tpu.memref_slice %arg4[%arg0, %add3A_85, %dma_wait3A_91] : memref<2x160000x128xi32, #tpu.memory_space<hbm>> -> memref<1x80x128xi32, #tpu.memory_space<hbm>>
        %dma_wait3A_93 = tpu.memref_squeeze %dma_wait3A_92 : memref<1x80x128xi32, #tpu.memory_space<hbm>> -> memref<80x128xi32, #tpu.memory_space<hbm>>
        %dma_wait3A_94 = arith.constant 0 : i32
        %dma_wait3A_95 = tpu.memref_slice %arg4[%arg0, %add3A_85, %dma_wait3A_94] : memref<2x160000x128xi32, #tpu.memory_space<hbm>> -> memref<1x80x128xi32, #tpu.memory_space<hbm>>
        %dma_wait3A_96 = tpu.memref_squeeze %dma_wait3A_95 : memref<1x80x128xi32, #tpu.memory_space<hbm>> -> memref<80x128xi32, #tpu.memory_space<hbm>>
        %dma_wait3A_97 = arith.constant 0 : i32
        %dma_wait3A_98 = arith.constant 0 : i32
        %dma_wait3A_99 = tpu.memref_slice %arg7[%dma_wait3A_86, %dma_wait3A_97, %dma_wait3A_98] : memref<2x80x128xi32, #tpu.memory_space<vmem>> -> memref<1x80x128xi32, #tpu.memory_space<vmem>>
        %dma_wait3A_100 = tpu.memref_squeeze %dma_wait3A_99 : memref<1x80x128xi32, #tpu.memory_space<vmem>> -> memref<80x128xi32, #tpu.memory_space<vmem>>
        tpu.wait_dma2 semaphore(%arg12 : memref<!tpu.dma_semaphore, #tpu.memory_space<semaphore_mem>>) src(%dma_wait3A_100 : memref<80x128xi32, #tpu.memory_space<vmem>>) dst(%dma_wait3A_96 : memref<80x128xi32, #tpu.memory_space<hbm>>)
        %add3A_101 = arith.constant 2 : i32
        %add3A_102 = arith.addi %add3A_42, %add3A_101 : i32
        %lt3A_103 = arith.constant 125 : i32
        %lt3A_104 = arith.cmpi slt, %add3A_102, %lt3A_103 : i32
        %convert_element_type3A_105 = arith.extui %lt3A_104 : i1 to i32
        %cond3A_106 = arith.constant 0 : i32
        %cond3A_107 = arith.cmpi ne, %convert_element_type3A_105, %cond3A_106 : i32
        scf.if %cond3A_107 {
          %add3A_108 = arith.constant 2 : i32
          %add3A_109 = arith.addi %add3A_42, %add3A_108 : i32
          %mul3A_110 = arith.constant 10000 : i32
          %mul3A_111 = arith.muli %arg1, %mul3A_110 : i32
          %mul3A_112 = arith.constant 80 : i32
          %mul3A_113 = arith.muli %add3A_109, %mul3A_112 : i32
          %add3A_114 = arith.addi %mul3A_111, %mul3A_113 : i32
          %mul3A_115 = arith.constant 160000 : i32
          %mul3A_116 = arith.muli %arg0, %mul3A_115 : i32
          %add3A_117 = arith.addi %mul3A_116, %add3A_114 : i32
          "tpu.region"() ({
            %run_scoped3A = tpu.sem_alloc : memref<!tpu.dma_semaphore, #tpu.memory_space<semaphore_mem>>
            %dma_start3A_126 = tpu.memref_slice %arg3[%add3A_117] : memref<320000xi32, #tpu.memory_space<hbm>> -> memref<80xi32, #tpu.memory_space<hbm>>
            %dma_start3A_127 = tpu.memref_slice %arg3[%add3A_117] : memref<320000xi32, #tpu.memory_space<hbm>> -> memref<80xi32, #tpu.memory_space<hbm>>
            tpu.enqueue_dma source(%dma_start3A_127 : memref<80xi32, #tpu.memory_space<hbm>>) target(%arg5 : memref<80xi32, #tpu.memory_space<vmem>>) target_semaphore(%run_scoped3A : memref<!tpu.dma_semaphore, #tpu.memory_space<semaphore_mem>>)
            %dma_wait3A_128 = tpu.memref_slice %arg3[%add3A_117] : memref<320000xi32, #tpu.memory_space<hbm>> -> memref<80xi32, #tpu.memory_space<hbm>>
            %dma_wait3A_129 = tpu.memref_slice %arg3[%add3A_117] : memref<320000xi32, #tpu.memory_space<hbm>> -> memref<80xi32, #tpu.memory_space<hbm>>
            tpu.wait_dma2 semaphore(%run_scoped3A : memref<!tpu.dma_semaphore, #tpu.memory_space<semaphore_mem>>) src(%dma_wait3A_129 : memref<80xi32, #tpu.memory_space<hbm>>) dst(%arg5 : memref<80xi32, #tpu.memory_space<vmem>>)
            tpu.yield
          }) : () -> ()
          %dma_start3A_118 = arith.constant 0 : i32
          %dma_start3A_119 = arith.constant 0 : i32
          %dma_start3A_120 = arith.constant 0 : i32
          %dma_start3A_121 = tpu.memref_slice %arg7[%dma_start3A_118, %dma_start3A_119, %dma_start3A_120] : memref<2x80x128xi32, #tpu.memory_space<vmem>> -> memref<1x80x128xi32, #tpu.memory_space<vmem>>
          %dma_start3A_122 = tpu.memref_squeeze %dma_start3A_121 : memref<1x80x128xi32, #tpu.memory_space<vmem>> -> memref<80x128xi32, #tpu.memory_space<vmem>>
          %dma_start3A_123 = arith.constant 0 : i32
          %dma_start3A_124 = arith.constant 0 : i32
          %dma_start3A_125 = tpu.memref_slice %arg9[%dma_start3A_123, %dma_start3A_124] : memref<10240x128xi32, #tpu.memory_space<vmem_shared>> -> memref<10240x128xi32, #tpu.memory_space<vmem_shared>>
          tpu.enqueue_indirect_dma source(%dma_start3A_125 : memref<10240x128xi32, #tpu.memory_space<vmem_shared>>) target(%dma_start3A_122 : memref<80x128xi32, #tpu.memory_space<vmem>>) offsets(%arg5 : memref<80xi32, #tpu.memory_space<vmem>>) semaphore(%arg10 : memref<!tpu.dma_semaphore, #tpu.memory_space<semaphore_mem>>)
        } else {
        }
      } else {
      }
      %mul3A_45 = arith.constant 2 : i32
      %mul3A_46 = arith.muli %mul3A_45, %scan3A_38 : i32
      %add3A_47 = arith.constant 1 : i32
      %add3A_48 = arith.addi %mul3A_46, %add3A_47 : i32
      %lt3A_49 = arith.constant 125 : i32
      %lt3A_50 = arith.cmpi slt, %add3A_48, %lt3A_49 : i32
      %convert_element_type3A_51 = arith.extui %lt3A_50 : i1 to i32
      %cond3A_52 = arith.constant 0 : i32
      %cond3A_53 = arith.cmpi ne, %convert_element_type3A_51, %cond3A_52 : i32
      scf.if %cond3A_53 {
        %dma_wait3A = arith.constant 1 : i32
        %dma_wait3A_54 = arith.constant 0 : i32
        %dma_wait3A_55 = arith.constant 0 : i32
        %dma_wait3A_56 = tpu.memref_slice %arg7[%dma_wait3A, %dma_wait3A_54, %dma_wait3A_55] : memref<2x80x128xi32, #tpu.memory_space<vmem>> -> memref<1x80x128xi32, #tpu.memory_space<vmem>>
        %dma_wait3A_57 = tpu.memref_squeeze %dma_wait3A_56 : memref<1x80x128xi32, #tpu.memory_space<vmem>> -> memref<80x128xi32, #tpu.memory_space<vmem>>
        %dma_wait3A_58 = arith.constant 0 : i32
        %dma_wait3A_59 = arith.constant 0 : i32
        %dma_wait3A_60 = tpu.memref_slice %arg9[%dma_wait3A_58, %dma_wait3A_59] : memref<10240x128xi32, #tpu.memory_space<vmem_shared>> -> memref<10240x128xi32, #tpu.memory_space<vmem_shared>>
        tpu.wait_indirect_dma semaphore(%arg11 : memref<!tpu.dma_semaphore, #tpu.memory_space<semaphore_mem>>) src(%dma_wait3A_60 : memref<10240x128xi32, #tpu.memory_space<vmem_shared>>) dst(%dma_wait3A_57 : memref<80x128xi32, #tpu.memory_space<vmem>>)
        %mul3A_61 = arith.constant 10000 : i32
        %mul3A_62 = arith.muli %arg1, %mul3A_61 : i32
        %mul3A_63 = arith.constant 80 : i32
        %mul3A_64 = arith.muli %add3A_48, %mul3A_63 : i32
        %add3A_65 = arith.addi %mul3A_62, %mul3A_64 : i32
        %dma_start3A_66 = arith.constant 1 : i32
        %dma_start3A_67 = arith.constant 0 : i32
        %dma_start3A_68 = arith.constant 0 : i32
        %dma_start3A_69 = tpu.memref_slice %arg7[%dma_start3A_66, %dma_start3A_67, %dma_start3A_68] : memref<2x80x128xi32, #tpu.memory_space<vmem>> -> memref<1x80x128xi32, #tpu.memory_space<vmem>>
        %dma_start3A_70 = tpu.memref_squeeze %dma_start3A_69 : memref<1x80x128xi32, #tpu.memory_space<vmem>> -> memref<80x128xi32, #tpu.memory_space<vmem>>
        %dma_start3A_71 = arith.constant 0 : i32
        %dma_start3A_72 = tpu.memref_slice %arg4[%arg0, %add3A_65, %dma_start3A_71] : memref<2x160000x128xi32, #tpu.memory_space<hbm>> -> memref<1x80x128xi32, #tpu.memory_space<hbm>>
        %dma_start3A_73 = tpu.memref_squeeze %dma_start3A_72 : memref<1x80x128xi32, #tpu.memory_space<hbm>> -> memref<80x128xi32, #tpu.memory_space<hbm>>
        %dma_start3A_74 = arith.constant 0 : i32
        %dma_start3A_75 = tpu.memref_slice %arg4[%arg0, %add3A_65, %dma_start3A_74] : memref<2x160000x128xi32, #tpu.memory_space<hbm>> -> memref<1x80x128xi32, #tpu.memory_space<hbm>>
        %dma_start3A_76 = tpu.memref_squeeze %dma_start3A_75 : memref<1x80x128xi32, #tpu.memory_space<hbm>> -> memref<80x128xi32, #tpu.memory_space<hbm>>
        %dma_start3A_77 = arith.constant 0 : i32
        %dma_start3A_78 = arith.constant 0 : i32
        %dma_start3A_79 = tpu.memref_slice %arg7[%dma_start3A_66, %dma_start3A_77, %dma_start3A_78] : memref<2x80x128xi32, #tpu.memory_space<vmem>> -> memref<1x80x128xi32, #tpu.memory_space<vmem>>
        %dma_start3A_80 = tpu.memref_squeeze %dma_start3A_79 : memref<1x80x128xi32, #tpu.memory_space<vmem>> -> memref<80x128xi32, #tpu.memory_space<vmem>>
        tpu.enqueue_dma source(%dma_start3A_80 : memref<80x128xi32, #tpu.memory_space<vmem>>) target(%dma_start3A_76 : memref<80x128xi32, #tpu.memory_space<hbm>>) target_semaphore(%arg13 : memref<!tpu.dma_semaphore, #tpu.memory_space<semaphore_mem>>)
        %mul3A_81 = arith.constant 10000 : i32
        %mul3A_82 = arith.muli %arg1, %mul3A_81 : i32
        %mul3A_83 = arith.constant 80 : i32
        %mul3A_84 = arith.muli %add3A_48, %mul3A_83 : i32
        %add3A_85 = arith.addi %mul3A_82, %mul3A_84 : i32
        %dma_wait3A_86 = arith.constant 1 : i32
        %dma_wait3A_87 = arith.constant 0 : i32
        %dma_wait3A_88 = arith.constant 0 : i32
        %dma_wait3A_89 = tpu.memref_slice %arg7[%dma_wait3A_86, %dma_wait3A_87, %dma_wait3A_88] : memref<2x80x128xi32, #tpu.memory_space<vmem>> -> memref<1x80x128xi32, #tpu.memory_space<vmem>>
        %dma_wait3A_90 = tpu.memref_squeeze %dma_wait3A_89 : memref<1x80x128xi32, #tpu.memory_space<vmem>> -> memref<80x128xi32, #tpu.memory_space<vmem>>
        %dma_wait3A_91 = arith.constant 0 : i32
        %dma_wait3A_92 = tpu.memref_slice %arg4[%arg0, %add3A_85, %dma_wait3A_91] : memref<2x160000x128xi32, #tpu.memory_space<hbm>> -> memref<1x80x128xi32, #tpu.memory_space<hbm>>
        %dma_wait3A_93 = tpu.memref_squeeze %dma_wait3A_92 : memref<1x80x128xi32, #tpu.memory_space<hbm>> -> memref<80x128xi32, #tpu.memory_space<hbm>>
        %dma_wait3A_94 = arith.constant 0 : i32
        %dma_wait3A_95 = tpu.memref_slice %arg4[%arg0, %add3A_85, %dma_wait3A_94] : memref<2x160000x128xi32, #tpu.memory_space<hbm>> -> memref<1x80x128xi32, #tpu.memory_space<hbm>>
        %dma_wait3A_96 = tpu.memref_squeeze %dma_wait3A_95 : memref<1x80x128xi32, #tpu.memory_space<hbm>> -> memref<80x128xi32, #tpu.memory_space<hbm>>
        %dma_wait3A_97 = arith.constant 0 : i32
        %dma_wait3A_98 = arith.constant 0 : i32
        %dma_wait3A_99 = tpu.memref_slice %arg7[%dma_wait3A_86, %dma_wait3A_97, %dma_wait3A_98] : memref<2x80x128xi32, #tpu.memory_space<vmem>> -> memref<1x80x128xi32, #tpu.memory_space<vmem>>
        %dma_wait3A_100 = tpu.memref_squeeze %dma_wait3A_99 : memref<1x80x128xi32, #tpu.memory_space<vmem>> -> memref<80x128xi32, #tpu.memory_space<vmem>>
        tpu.wait_dma2 semaphore(%arg13 : memref<!tpu.dma_semaphore, #tpu.memory_space<semaphore_mem>>) src(%dma_wait3A_100 : memref<80x128xi32, #tpu.memory_space<vmem>>) dst(%dma_wait3A_96 : memref<80x128xi32, #tpu.memory_space<hbm>>)
        %add3A_101 = arith.constant 2 : i32
        %add3A_102 = arith.addi %add3A_48, %add3A_101 : i32
        %lt3A_103 = arith.constant 125 : i32
        %lt3A_104 = arith.cmpi slt, %add3A_102, %lt3A_103 : i32
        %convert_element_type3A_105 = arith.extui %lt3A_104 : i1 to i32
        %cond3A_106 = arith.constant 0 : i32
        %cond3A_107 = arith.cmpi ne, %convert_element_type3A_105, %cond3A_106 : i32
        scf.if %cond3A_107 {
          %add3A_108 = arith.constant 2 : i32
          %add3A_109 = arith.addi %add3A_48, %add3A_108 : i32
          %mul3A_110 = arith.constant 10000 : i32
          %mul3A_111 = arith.muli %arg1, %mul3A_110 : i32
          %mul3A_112 = arith.constant 80 : i32
          %mul3A_113 = arith.muli %add3A_109, %mul3A_112 : i32
          %add3A_114 = arith.addi %mul3A_111, %mul3A_113 : i32
          %mul3A_115 = arith.constant 160000 : i32
          %mul3A_116 = arith.muli %arg0, %mul3A_115 : i32
          %add3A_117 = arith.addi %mul3A_116, %add3A_114 : i32
          "tpu.region"() ({
            %run_scoped3A = tpu.sem_alloc : memref<!tpu.dma_semaphore, #tpu.memory_space<semaphore_mem>>
            %dma_start3A_126 = tpu.memref_slice %arg3[%add3A_117] : memref<320000xi32, #tpu.memory_space<hbm>> -> memref<80xi32, #tpu.memory_space<hbm>>
            %dma_start3A_127 = tpu.memref_slice %arg3[%add3A_117] : memref<320000xi32, #tpu.memory_space<hbm>> -> memref<80xi32, #tpu.memory_space<hbm>>
            tpu.enqueue_dma source(%dma_start3A_127 : memref<80xi32, #tpu.memory_space<hbm>>) target(%arg6 : memref<80xi32, #tpu.memory_space<vmem>>) target_semaphore(%run_scoped3A : memref<!tpu.dma_semaphore, #tpu.memory_space<semaphore_mem>>)
            %dma_wait3A_128 = tpu.memref_slice %arg3[%add3A_117] : memref<320000xi32, #tpu.memory_space<hbm>> -> memref<80xi32, #tpu.memory_space<hbm>>
            %dma_wait3A_129 = tpu.memref_slice %arg3[%add3A_117] : memref<320000xi32, #tpu.memory_space<hbm>> -> memref<80xi32, #tpu.memory_space<hbm>>
            tpu.wait_dma2 semaphore(%run_scoped3A : memref<!tpu.dma_semaphore, #tpu.memory_space<semaphore_mem>>) src(%dma_wait3A_129 : memref<80xi32, #tpu.memory_space<hbm>>) dst(%arg6 : memref<80xi32, #tpu.memory_space<vmem>>)
            tpu.yield
          }) : () -> ()
          %dma_start3A_118 = arith.constant 1 : i32
          %dma_start3A_119 = arith.constant 0 : i32
          %dma_start3A_120 = arith.constant 0 : i32
          %dma_start3A_121 = tpu.memref_slice %arg7[%dma_start3A_118, %dma_start3A_119, %dma_start3A_120] : memref<2x80x128xi32, #tpu.memory_space<vmem>> -> memref<1x80x128xi32, #tpu.memory_space<vmem>>
          %dma_start3A_122 = tpu.memref_squeeze %dma_start3A_121 : memref<1x80x128xi32, #tpu.memory_space<vmem>> -> memref<80x128xi32, #tpu.memory_space<vmem>>
          %dma_start3A_123 = arith.constant 0 : i32
          %dma_start3A_124 = arith.constant 0 : i32
          %dma_start3A_125 = tpu.memref_slice %arg9[%dma_start3A_123, %dma_start3A_124] : memref<10240x128xi32, #tpu.memory_space<vmem_shared>> -> memref<10240x128xi32, #tpu.memory_space<vmem_shared>>
          tpu.enqueue_indirect_dma source(%dma_start3A_125 : memref<10240x128xi32, #tpu.memory_space<vmem_shared>>) target(%dma_start3A_122 : memref<80x128xi32, #tpu.memory_space<vmem>>) offsets(%arg6 : memref<80xi32, #tpu.memory_space<vmem>>) semaphore(%arg11 : memref<!tpu.dma_semaphore, #tpu.memory_space<semaphore_mem>>)
        } else {
        }
      } else {
      }
    }
    %scan3A_37 = arith.constant 63 : i32
    return
  }
}

#map = affine_map<(d0, d1) -> (0, 0)>
#map1 = affine_map<(d0, d1) -> (0)>
#map2 = affine_map<(d0, d1) -> (0, 0, 0)>
module attributes {stable_mosaic.version = 14 : i64} {
  func.func @k(%arg0: i32, %arg1: i32, %arg2: memref<160000x128xf32, #tpu.memory_space<hbm>>, %arg3: memref<160000xi32, #tpu.memory_space<hbm>>, %arg4: memref<2x10240x128xf32, #tpu.memory_space<hbm>>, %arg5: memref<40xi32, #tpu.memory_space<vmem>>, %arg6: memref<40xi32, #tpu.memory_space<vmem>>, %arg7: memref<2x40x128xf32, #tpu.memory_space<vmem>>, %arg8: memref<80x128xf32, #tpu.memory_space<vmem>>, %arg9: memref<10240x128xf32, #tpu.memory_space<vmem_shared>>, %arg10: memref<!tpu.dma_semaphore, #tpu.memory_space<semaphore_mem>>, %arg11: memref<!tpu.dma_semaphore, #tpu.memory_space<semaphore_mem>>) attributes {dimension_semantics = [#tpu.dimension_semantics<core_parallel>, #tpu.dimension_semantics<subcore_parallel>], iteration_bounds = array<i64: 2, 16>, scalar_prefetch = 0 : i64, scratch_operands = 7 : i64, tpu.core_type = #tpu.core_type<sc_vector_subcore>, window_params = [{transform_indices = #map}, {transform_indices = #map1}, {transform_indices = #map2}]} {
    %mul3A = arith.constant 2 : i32
    %mul3A_0 = arith.muli %arg1, %mul3A : i32
    %add3A = arith.addi %mul3A_0, %arg0 : i32
    %scan3A = arith.constant 0 : i32
    %scan3A_1 = arith.constant 0 : i32
    %scan3A_2 = arith.constant 80 : i32
    %scan3A_3 = arith.addi %scan3A_1, %scan3A_2 : i32
    %scan3A_4 = arith.constant 1 : i32
    scf.for %scan3A_62 = %scan3A_1 to %scan3A_3 step %scan3A_4  : i32 {
      %broadcast_in_dim3A = arith.constant 0.000000e+00 : f32
      %broadcast_in_dim3A_63 = vector.broadcast %broadcast_in_dim3A : f32 to vector<16xf32>
      %swap3A = arith.index_cast %scan3A_62 : i32 to index
      %swap3A_64 = arith.constant 0 : index
      %swap3A_65 = tpu.vector_load %arg8[%swap3A, %swap3A_64] {strides = array<i32>} : memref<80x128xf32, #tpu.memory_space<vmem>>, vector<1x16xf32>,
      %swap3A_66 = vector.shape_cast %swap3A_65 : vector<1x16xf32> to vector<16xf32>
      %swap3A_67 = vector.shape_cast %broadcast_in_dim3A_63 : vector<16xf32> to vector<1x16xf32>
      tpu.vector_store %arg8[%swap3A, %swap3A_64], %swap3A_67 {strides = array<i32>} : memref<80x128xf32, #tpu.memory_space<vmem>>, vector<1x16xf32>,
      %broadcast_in_dim3A_68 = arith.constant 0.000000e+00 : f32
      %broadcast_in_dim3A_69 = vector.broadcast %broadcast_in_dim3A_68 : f32 to vector<16xf32>
      %swap3A_70 = arith.index_cast %scan3A_62 : i32 to index
      %swap3A_71 = arith.constant 16 : index
      %swap3A_72 = tpu.vector_load %arg8[%swap3A_70, %swap3A_71] {strides = array<i32>} : memref<80x128xf32, #tpu.memory_space<vmem>>, vector<1x16xf32>,
      %swap3A_73 = vector.shape_cast %swap3A_72 : vector<1x16xf32> to vector<16xf32>
      %swap3A_74 = vector.shape_cast %broadcast_in_dim3A_69 : vector<16xf32> to vector<1x16xf32>
      tpu.vector_store %arg8[%swap3A_70, %swap3A_71], %swap3A_74 {strides = array<i32>} : memref<80x128xf32, #tpu.memory_space<vmem>>, vector<1x16xf32>,
      %broadcast_in_dim3A_75 = arith.constant 0.000000e+00 : f32
      %broadcast_in_dim3A_76 = vector.broadcast %broadcast_in_dim3A_75 : f32 to vector<16xf32>
      %swap3A_77 = arith.index_cast %scan3A_62 : i32 to index
      %swap3A_78 = arith.constant 32 : index
      %swap3A_79 = tpu.vector_load %arg8[%swap3A_77, %swap3A_78] {strides = array<i32>} : memref<80x128xf32, #tpu.memory_space<vmem>>, vector<1x16xf32>,
      %swap3A_80 = vector.shape_cast %swap3A_79 : vector<1x16xf32> to vector<16xf32>
      %swap3A_81 = vector.shape_cast %broadcast_in_dim3A_76 : vector<16xf32> to vector<1x16xf32>
      tpu.vector_store %arg8[%swap3A_77, %swap3A_78], %swap3A_81 {strides = array<i32>} : memref<80x128xf32, #tpu.memory_space<vmem>>, vector<1x16xf32>,
      %broadcast_in_dim3A_82 = arith.constant 0.000000e+00 : f32
      %broadcast_in_dim3A_83 = vector.broadcast %broadcast_in_dim3A_82 : f32 to vector<16xf32>
      %swap3A_84 = arith.index_cast %scan3A_62 : i32 to index
      %swap3A_85 = arith.constant 48 : index
      %swap3A_86 = tpu.vector_load %arg8[%swap3A_84, %swap3A_85] {strides = array<i32>} : memref<80x128xf32, #tpu.memory_space<vmem>>, vector<1x16xf32>,
      %swap3A_87 = vector.shape_cast %swap3A_86 : vector<1x16xf32> to vector<16xf32>
      %swap3A_88 = vector.shape_cast %broadcast_in_dim3A_83 : vector<16xf32> to vector<1x16xf32>
      tpu.vector_store %arg8[%swap3A_84, %swap3A_85], %swap3A_88 {strides = array<i32>} : memref<80x128xf32, #tpu.memory_space<vmem>>, vector<1x16xf32>,
      %broadcast_in_dim3A_89 = arith.constant 0.000000e+00 : f32
      %broadcast_in_dim3A_90 = vector.broadcast %broadcast_in_dim3A_89 : f32 to vector<16xf32>
      %swap3A_91 = arith.index_cast %scan3A_62 : i32 to index
      %swap3A_92 = arith.constant 64 : index
      %swap3A_93 = tpu.vector_load %arg8[%swap3A_91, %swap3A_92] {strides = array<i32>} : memref<80x128xf32, #tpu.memory_space<vmem>>, vector<1x16xf32>,
      %swap3A_94 = vector.shape_cast %swap3A_93 : vector<1x16xf32> to vector<16xf32>
      %swap3A_95 = vector.shape_cast %broadcast_in_dim3A_90 : vector<16xf32> to vector<1x16xf32>
      tpu.vector_store %arg8[%swap3A_91, %swap3A_92], %swap3A_95 {strides = array<i32>} : memref<80x128xf32, #tpu.memory_space<vmem>>, vector<1x16xf32>,
      %broadcast_in_dim3A_96 = arith.constant 0.000000e+00 : f32
      %broadcast_in_dim3A_97 = vector.broadcast %broadcast_in_dim3A_96 : f32 to vector<16xf32>
      %swap3A_98 = arith.index_cast %scan3A_62 : i32 to index
      %swap3A_99 = arith.constant 80 : index
      %swap3A_100 = tpu.vector_load %arg8[%swap3A_98, %swap3A_99] {strides = array<i32>} : memref<80x128xf32, #tpu.memory_space<vmem>>, vector<1x16xf32>,
      %swap3A_101 = vector.shape_cast %swap3A_100 : vector<1x16xf32> to vector<16xf32>
      %swap3A_102 = vector.shape_cast %broadcast_in_dim3A_97 : vector<16xf32> to vector<1x16xf32>
      tpu.vector_store %arg8[%swap3A_98, %swap3A_99], %swap3A_102 {strides = array<i32>} : memref<80x128xf32, #tpu.memory_space<vmem>>, vector<1x16xf32>,
      %broadcast_in_dim3A_103 = arith.constant 0.000000e+00 : f32
      %broadcast_in_dim3A_104 = vector.broadcast %broadcast_in_dim3A_103 : f32 to vector<16xf32>
      %swap3A_105 = arith.index_cast %scan3A_62 : i32 to index
      %swap3A_106 = arith.constant 96 : index
      %swap3A_107 = tpu.vector_load %arg8[%swap3A_105, %swap3A_106] {strides = array<i32>} : memref<80x128xf32, #tpu.memory_space<vmem>>, vector<1x16xf32>,
      %swap3A_108 = vector.shape_cast %swap3A_107 : vector<1x16xf32> to vector<16xf32>
      %swap3A_109 = vector.shape_cast %broadcast_in_dim3A_104 : vector<16xf32> to vector<1x16xf32>
      tpu.vector_store %arg8[%swap3A_105, %swap3A_106], %swap3A_109 {strides = array<i32>} : memref<80x128xf32, #tpu.memory_space<vmem>>, vector<1x16xf32>,
      %broadcast_in_dim3A_110 = arith.constant 0.000000e+00 : f32
      %broadcast_in_dim3A_111 = vector.broadcast %broadcast_in_dim3A_110 : f32 to vector<16xf32>
      %swap3A_112 = arith.index_cast %scan3A_62 : i32 to index
      %swap3A_113 = arith.constant 112 : index
      %swap3A_114 = tpu.vector_load %arg8[%swap3A_112, %swap3A_113] {strides = array<i32>} : memref<80x128xf32, #tpu.memory_space<vmem>>, vector<1x16xf32>,
      %swap3A_115 = vector.shape_cast %swap3A_114 : vector<1x16xf32> to vector<16xf32>
      %swap3A_116 = vector.shape_cast %broadcast_in_dim3A_111 : vector<16xf32> to vector<1x16xf32>
      tpu.vector_store %arg8[%swap3A_112, %swap3A_113], %swap3A_116 {strides = array<i32>} : memref<80x128xf32, #tpu.memory_space<vmem>>, vector<1x16xf32>,
    }
    %scan3A_5 = arith.constant 80 : i32
    %scan3A_6 = arith.constant 0 : i32
    %scan3A_7 = arith.constant 0 : i32
    %scan3A_8 = arith.constant 8 : i32
    %scan3A_9 = arith.addi %scan3A_7, %scan3A_8 : i32
    %scan3A_10 = arith.constant 1 : i32
    scf.for %scan3A_62 = %scan3A_7 to %scan3A_9 step %scan3A_10  : i32 {
      %mul3A_63 = arith.constant 640 : i32
      %mul3A_64 = arith.muli %arg1, %mul3A_63 : i32
      %mul3A_65 = arith.constant 80 : i32
      %mul3A_66 = arith.muli %scan3A_62, %mul3A_65 : i32
      %add3A_67 = arith.addi %mul3A_64, %mul3A_66 : i32
      "tpu.region"() ({
        %run_scoped3A = tpu.sem_alloc : memref<!tpu.dma_semaphore, #tpu.memory_space<semaphore_mem>>
        %dma_start3A_68 = arith.constant 0 : i32
        %dma_start3A_69 = tpu.memref_slice %arg9[%add3A_67, %dma_start3A_68] : memref<10240x128xf32, #tpu.memory_space<vmem_shared>> -> memref<80x128xf32, #tpu.memory_space<vmem_shared>>
        %dma_start3A_70 = arith.constant 0 : i32
        %dma_start3A_71 = tpu.memref_slice %arg9[%add3A_67, %dma_start3A_70] : memref<10240x128xf32, #tpu.memory_space<vmem_shared>> -> memref<80x128xf32, #tpu.memory_space<vmem_shared>>
        tpu.enqueue_dma source(%arg8 : memref<80x128xf32, #tpu.memory_space<vmem>>) target(%dma_start3A_71 : memref<80x128xf32, #tpu.memory_space<vmem_shared>>) target_semaphore(%run_scoped3A : memref<!tpu.dma_semaphore, #tpu.memory_space<semaphore_mem>>)
        %dma_wait3A = arith.constant 0 : i32
        %dma_wait3A_72 = tpu.memref_slice %arg9[%add3A_67, %dma_wait3A] : memref<10240x128xf32, #tpu.memory_space<vmem_shared>> -> memref<80x128xf32, #tpu.memory_space<vmem_shared>>
        %dma_wait3A_73 = arith.constant 0 : i32
        %dma_wait3A_74 = tpu.memref_slice %arg9[%add3A_67, %dma_wait3A_73] : memref<10240x128xf32, #tpu.memory_space<vmem_shared>> -> memref<80x128xf32, #tpu.memory_space<vmem_shared>>
        tpu.wait_dma2 semaphore(%run_scoped3A : memref<!tpu.dma_semaphore, #tpu.memory_space<semaphore_mem>>) src(%arg8 : memref<80x128xf32, #tpu.memory_space<vmem>>) dst(%dma_wait3A_74 : memref<80x128xf32, #tpu.memory_space<vmem_shared>>)
        tpu.yield
      }) : () -> ()
    }
    %scan3A_11 = arith.constant 8 : i32
    %barrier3A = arith.constant 0 : index
    tpu.barrier barrier_id(%barrier3A)
    %mul3A_12 = arith.constant 5000 : i32
    %mul3A_13 = arith.muli %add3A, %mul3A_12 : i32
    %add3A_14 = arith.constant 0 : i32
    %add3A_15 = arith.addi %mul3A_13, %add3A_14 : i32
    %dma_start3A = tpu.memref_slice %arg3[%add3A_15] : memref<160000xi32, #tpu.memory_space<hbm>> -> memref<40xi32, #tpu.memory_space<hbm>>
    %dma_start3A_16 = tpu.memref_slice %arg3[%add3A_15] : memref<160000xi32, #tpu.memory_space<hbm>> -> memref<40xi32, #tpu.memory_space<hbm>>
    tpu.enqueue_dma source(%dma_start3A_16 : memref<40xi32, #tpu.memory_space<hbm>>) target(%arg5 : memref<40xi32, #tpu.memory_space<vmem>>) target_semaphore(%arg10 : memref<!tpu.dma_semaphore, #tpu.memory_space<semaphore_mem>>)
    %dma_start3A_17 = arith.constant 0 : i32
    %dma_start3A_18 = arith.constant 0 : i32
    %dma_start3A_19 = arith.constant 0 : i32
    %dma_start3A_20 = tpu.memref_slice %arg7[%dma_start3A_17, %dma_start3A_18, %dma_start3A_19] : memref<2x40x128xf32, #tpu.memory_space<vmem>> -> memref<1x40x128xf32, #tpu.memory_space<vmem>>
    %dma_start3A_21 = tpu.memref_squeeze %dma_start3A_20 : memref<1x40x128xf32, #tpu.memory_space<vmem>> -> memref<40x128xf32, #tpu.memory_space<vmem>>
    %dma_start3A_22 = arith.constant 0 : i32
    %dma_start3A_23 = tpu.memref_slice %arg2[%add3A_15, %dma_start3A_22] : memref<160000x128xf32, #tpu.memory_space<hbm>> -> memref<40x128xf32, #tpu.memory_space<hbm>>
    %dma_start3A_24 = arith.constant 0 : i32
    %dma_start3A_25 = arith.constant 0 : i32
    %dma_start3A_26 = tpu.memref_slice %arg7[%dma_start3A_17, %dma_start3A_24, %dma_start3A_25] : memref<2x40x128xf32, #tpu.memory_space<vmem>> -> memref<1x40x128xf32, #tpu.memory_space<vmem>>
    %dma_start3A_27 = tpu.memref_squeeze %dma_start3A_26 : memref<1x40x128xf32, #tpu.memory_space<vmem>> -> memref<40x128xf32, #tpu.memory_space<vmem>>
    %dma_start3A_28 = arith.constant 0 : i32
    %dma_start3A_29 = tpu.memref_slice %arg2[%add3A_15, %dma_start3A_28] : memref<160000x128xf32, #tpu.memory_space<hbm>> -> memref<40x128xf32, #tpu.memory_space<hbm>>
    tpu.enqueue_dma source(%dma_start3A_29 : memref<40x128xf32, #tpu.memory_space<hbm>>) target(%dma_start3A_27 : memref<40x128xf32, #tpu.memory_space<vmem>>) target_semaphore(%arg10 : memref<!tpu.dma_semaphore, #tpu.memory_space<semaphore_mem>>)
    %mul3A_30 = arith.constant 5000 : i32
    %mul3A_31 = arith.muli %add3A, %mul3A_30 : i32
    %add3A_32 = arith.constant 40 : i32
    %add3A_33 = arith.addi %mul3A_31, %add3A_32 : i32
    %dma_start3A_34 = tpu.memref_slice %arg3[%add3A_33] : memref<160000xi32, #tpu.memory_space<hbm>> -> memref<40xi32, #tpu.memory_space<hbm>>
    %dma_start3A_35 = tpu.memref_slice %arg3[%add3A_33] : memref<160000xi32, #tpu.memory_space<hbm>> -> memref<40xi32, #tpu.memory_space<hbm>>
    tpu.enqueue_dma source(%dma_start3A_35 : memref<40xi32, #tpu.memory_space<hbm>>) target(%arg6 : memref<40xi32, #tpu.memory_space<vmem>>) target_semaphore(%arg11 : memref<!tpu.dma_semaphore, #tpu.memory_space<semaphore_mem>>)
    %dma_start3A_36 = arith.constant 1 : i32
    %dma_start3A_37 = arith.constant 0 : i32
    %dma_start3A_38 = arith.constant 0 : i32
    %dma_start3A_39 = tpu.memref_slice %arg7[%dma_start3A_36, %dma_start3A_37, %dma_start3A_38] : memref<2x40x128xf32, #tpu.memory_space<vmem>> -> memref<1x40x128xf32, #tpu.memory_space<vmem>>
    %dma_start3A_40 = tpu.memref_squeeze %dma_start3A_39 : memref<1x40x128xf32, #tpu.memory_space<vmem>> -> memref<40x128xf32, #tpu.memory_space<vmem>>
    %dma_start3A_41 = arith.constant 0 : i32
    %dma_start3A_42 = tpu.memref_slice %arg2[%add3A_33, %dma_start3A_41] : memref<160000x128xf32, #tpu.memory_space<hbm>> -> memref<40x128xf32, #tpu.memory_space<hbm>>
    %dma_start3A_43 = arith.constant 0 : i32
    %dma_start3A_44 = arith.constant 0 : i32
    %dma_start3A_45 = tpu.memref_slice %arg7[%dma_start3A_36, %dma_start3A_43, %dma_start3A_44] : memref<2x40x128xf32, #tpu.memory_space<vmem>> -> memref<1x40x128xf32, #tpu.memory_space<vmem>>
    %dma_start3A_46 = tpu.memref_squeeze %dma_start3A_45 : memref<1x40x128xf32, #tpu.memory_space<vmem>> -> memref<40x128xf32, #tpu.memory_space<vmem>>
    %dma_start3A_47 = arith.constant 0 : i32
    %dma_start3A_48 = tpu.memref_slice %arg2[%add3A_33, %dma_start3A_47] : memref<160000x128xf32, #tpu.memory_space<hbm>> -> memref<40x128xf32, #tpu.memory_space<hbm>>
    tpu.enqueue_dma source(%dma_start3A_48 : memref<40x128xf32, #tpu.memory_space<hbm>>) target(%dma_start3A_46 : memref<40x128xf32, #tpu.memory_space<vmem>>) target_semaphore(%arg11 : memref<!tpu.dma_semaphore, #tpu.memory_space<semaphore_mem>>)
    %scan3A_49 = arith.constant 0 : i32
    %scan3A_50 = arith.constant 0 : i32
    %scan3A_51 = arith.constant 63 : i32
    %scan3A_52 = arith.addi %scan3A_50, %scan3A_51 : i32
    %scan3A_53 = arith.constant 1 : i32
    scf.for %scan3A_62 = %scan3A_50 to %scan3A_52 step %scan3A_53  : i32 {
      %mul3A_63 = arith.constant 2 : i32
      %mul3A_64 = arith.muli %mul3A_63, %scan3A_62 : i32
      %add3A_65 = arith.constant 0 : i32
      %add3A_66 = arith.addi %mul3A_64, %add3A_65 : i32
      %lt3A = arith.constant 125 : i32
      %lt3A_67 = arith.cmpi slt, %add3A_66, %lt3A : i32
      %convert_element_type3A = arith.extui %lt3A_67 : i1 to i32
      %cond3A = arith.constant 0 : i32
      %cond3A_68 = arith.cmpi ne, %convert_element_type3A, %cond3A : i32
      scf.if %cond3A_68 {
        %mul3A_78 = arith.constant 5000 : i32
        %mul3A_79 = arith.muli %add3A, %mul3A_78 : i32
        %mul3A_80 = arith.constant 40 : i32
        %mul3A_81 = arith.muli %add3A_66, %mul3A_80 : i32
        %add3A_82 = arith.addi %mul3A_79, %mul3A_81 : i32
        %dma_wait3A = tpu.memref_slice %arg3[%add3A_82] : memref<160000xi32, #tpu.memory_space<hbm>> -> memref<40xi32, #tpu.memory_space<hbm>>
        %dma_wait3A_83 = tpu.memref_slice %arg3[%add3A_82] : memref<160000xi32, #tpu.memory_space<hbm>> -> memref<40xi32, #tpu.memory_space<hbm>>
        tpu.wait_dma2 semaphore(%arg10 : memref<!tpu.dma_semaphore, #tpu.memory_space<semaphore_mem>>) src(%dma_wait3A_83 : memref<40xi32, #tpu.memory_space<hbm>>) dst(%arg5 : memref<40xi32, #tpu.memory_space<vmem>>)
        %dma_wait3A_84 = arith.constant 0 : i32
        %dma_wait3A_85 = arith.constant 0 : i32
        %dma_wait3A_86 = arith.constant 0 : i32
        %dma_wait3A_87 = tpu.memref_slice %arg7[%dma_wait3A_84, %dma_wait3A_85, %dma_wait3A_86] : memref<2x40x128xf32, #tpu.memory_space<vmem>> -> memref<1x40x128xf32, #tpu.memory_space<vmem>>
        %dma_wait3A_88 = tpu.memref_squeeze %dma_wait3A_87 : memref<1x40x128xf32, #tpu.memory_space<vmem>> -> memref<40x128xf32, #tpu.memory_space<vmem>>
        %dma_wait3A_89 = arith.constant 0 : i32
        %dma_wait3A_90 = tpu.memref_slice %arg2[%add3A_82, %dma_wait3A_89] : memref<160000x128xf32, #tpu.memory_space<hbm>> -> memref<40x128xf32, #tpu.memory_space<hbm>>
        %dma_wait3A_91 = arith.constant 0 : i32
        %dma_wait3A_92 = arith.constant 0 : i32
        %dma_wait3A_93 = tpu.memref_slice %arg7[%dma_wait3A_84, %dma_wait3A_91, %dma_wait3A_92] : memref<2x40x128xf32, #tpu.memory_space<vmem>> -> memref<1x40x128xf32, #tpu.memory_space<vmem>>
        %dma_wait3A_94 = tpu.memref_squeeze %dma_wait3A_93 : memref<1x40x128xf32, #tpu.memory_space<vmem>> -> memref<40x128xf32, #tpu.memory_space<vmem>>
        %dma_wait3A_95 = arith.constant 0 : i32
        %dma_wait3A_96 = tpu.memref_slice %arg2[%add3A_82, %dma_wait3A_95] : memref<160000x128xf32, #tpu.memory_space<hbm>> -> memref<40x128xf32, #tpu.memory_space<hbm>>
        tpu.wait_dma2 semaphore(%arg10 : memref<!tpu.dma_semaphore, #tpu.memory_space<semaphore_mem>>) src(%dma_wait3A_96 : memref<40x128xf32, #tpu.memory_space<hbm>>) dst(%dma_wait3A_94 : memref<40x128xf32, #tpu.memory_space<vmem>>)
        %run_scoped3A = arith.constant 0 : i32
        "tpu.region"() ({
          %run_scoped3A_104 = tpu.sem_alloc : memref<!tpu.dma_semaphore, #tpu.memory_space<semaphore_mem>>
          %dma_start3A_105 = arith.constant 0 : i32
          %dma_start3A_106 = arith.constant 0 : i32
          %dma_start3A_107 = tpu.memref_slice %arg7[%run_scoped3A, %dma_start3A_105, %dma_start3A_106] : memref<2x40x128xf32, #tpu.memory_space<vmem>> -> memref<1x40x128xf32, #tpu.memory_space<vmem>>
          %dma_start3A_108 = tpu.memref_squeeze %dma_start3A_107 : memref<1x40x128xf32, #tpu.memory_space<vmem>> -> memref<40x128xf32, #tpu.memory_space<vmem>>
          %dma_start3A_109 = arith.constant 0 : i32
          %dma_start3A_110 = arith.constant 0 : i32
          %dma_start3A_111 = tpu.memref_slice %arg9[%dma_start3A_109, %dma_start3A_110] : memref<10240x128xf32, #tpu.memory_space<vmem_shared>> -> memref<10240x128xf32, #tpu.memory_space<vmem_shared>>
          tpu.enqueue_indirect_dma source(%dma_start3A_108 : memref<40x128xf32, #tpu.memory_space<vmem>>) target(%dma_start3A_111 : memref<10240x128xf32, #tpu.memory_space<vmem_shared>>) offsets(%arg5 : memref<40xi32, #tpu.memory_space<vmem>>) semaphore(%run_scoped3A_104 : memref<!tpu.dma_semaphore, #tpu.memory_space<semaphore_mem>>) {add = true}
          %dma_wait3A_112 = arith.constant 0 : i32
          %dma_wait3A_113 = arith.constant 0 : i32
          %dma_wait3A_114 = tpu.memref_slice %arg7[%run_scoped3A, %dma_wait3A_112, %dma_wait3A_113] : memref<2x40x128xf32, #tpu.memory_space<vmem>> -> memref<1x40x128xf32, #tpu.memory_space<vmem>>
          %dma_wait3A_115 = tpu.memref_squeeze %dma_wait3A_114 : memref<1x40x128xf32, #tpu.memory_space<vmem>> -> memref<40x128xf32, #tpu.memory_space<vmem>>
          %dma_wait3A_116 = arith.constant 0 : i32
          %dma_wait3A_117 = arith.constant 0 : i32
          %dma_wait3A_118 = tpu.memref_slice %arg9[%dma_wait3A_116, %dma_wait3A_117] : memref<10240x128xf32, #tpu.memory_space<vmem_shared>> -> memref<10240x128xf32, #tpu.memory_space<vmem_shared>>
          tpu.wait_indirect_dma semaphore(%run_scoped3A_104 : memref<!tpu.dma_semaphore, #tpu.memory_space<semaphore_mem>>) src(%dma_wait3A_115 : memref<40x128xf32, #tpu.memory_space<vmem>>) dst(%dma_wait3A_118 : memref<10240x128xf32, #tpu.memory_space<vmem_shared>>)
          tpu.yield
        }) : () -> ()
        %add3A_97 = arith.constant 2 : i32
        %add3A_98 = arith.addi %add3A_66, %add3A_97 : i32
        %lt3A_99 = arith.constant 125 : i32
        %lt3A_100 = arith.cmpi slt, %add3A_98, %lt3A_99 : i32
        %convert_element_type3A_101 = arith.extui %lt3A_100 : i1 to i32
        %cond3A_102 = arith.constant 0 : i32
        %cond3A_103 = arith.cmpi ne, %convert_element_type3A_101, %cond3A_102 : i32
        scf.if %cond3A_103 {
          %add3A_104 = arith.constant 2 : i32
          %add3A_105 = arith.addi %add3A_66, %add3A_104 : i32
          %mul3A_106 = arith.constant 5000 : i32
          %mul3A_107 = arith.muli %add3A, %mul3A_106 : i32
          %mul3A_108 = arith.constant 40 : i32
          %mul3A_109 = arith.muli %add3A_105, %mul3A_108 : i32
          %add3A_110 = arith.addi %mul3A_107, %mul3A_109 : i32
          %dma_start3A_111 = tpu.memref_slice %arg3[%add3A_110] : memref<160000xi32, #tpu.memory_space<hbm>> -> memref<40xi32, #tpu.memory_space<hbm>>
          %dma_start3A_112 = tpu.memref_slice %arg3[%add3A_110] : memref<160000xi32, #tpu.memory_space<hbm>> -> memref<40xi32, #tpu.memory_space<hbm>>
          tpu.enqueue_dma source(%dma_start3A_112 : memref<40xi32, #tpu.memory_space<hbm>>) target(%arg5 : memref<40xi32, #tpu.memory_space<vmem>>) target_semaphore(%arg10 : memref<!tpu.dma_semaphore, #tpu.memory_space<semaphore_mem>>)
          %dma_start3A_113 = arith.constant 0 : i32
          %dma_start3A_114 = arith.constant 0 : i32
          %dma_start3A_115 = arith.constant 0 : i32
          %dma_start3A_116 = tpu.memref_slice %arg7[%dma_start3A_113, %dma_start3A_114, %dma_start3A_115] : memref<2x40x128xf32, #tpu.memory_space<vmem>> -> memref<1x40x128xf32, #tpu.memory_space<vmem>>
          %dma_start3A_117 = tpu.memref_squeeze %dma_start3A_116 : memref<1x40x128xf32, #tpu.memory_space<vmem>> -> memref<40x128xf32, #tpu.memory_space<vmem>>
          %dma_start3A_118 = arith.constant 0 : i32
          %dma_start3A_119 = tpu.memref_slice %arg2[%add3A_110, %dma_start3A_118] : memref<160000x128xf32, #tpu.memory_space<hbm>> -> memref<40x128xf32, #tpu.memory_space<hbm>>
          %dma_start3A_120 = arith.constant 0 : i32
          %dma_start3A_121 = arith.constant 0 : i32
          %dma_start3A_122 = tpu.memref_slice %arg7[%dma_start3A_113, %dma_start3A_120, %dma_start3A_121] : memref<2x40x128xf32, #tpu.memory_space<vmem>> -> memref<1x40x128xf32, #tpu.memory_space<vmem>>
          %dma_start3A_123 = tpu.memref_squeeze %dma_start3A_122 : memref<1x40x128xf32, #tpu.memory_space<vmem>> -> memref<40x128xf32, #tpu.memory_space<vmem>>
          %dma_start3A_124 = arith.constant 0 : i32
          %dma_start3A_125 = tpu.memref_slice %arg2[%add3A_110, %dma_start3A_124] : memref<160000x128xf32, #tpu.memory_space<hbm>> -> memref<40x128xf32, #tpu.memory_space<hbm>>
          tpu.enqueue_dma source(%dma_start3A_125 : memref<40x128xf32, #tpu.memory_space<hbm>>) target(%dma_start3A_123 : memref<40x128xf32, #tpu.memory_space<vmem>>) target_semaphore(%arg10 : memref<!tpu.dma_semaphore, #tpu.memory_space<semaphore_mem>>)
        } else {
        }
      } else {
      }
      %mul3A_69 = arith.constant 2 : i32
      %mul3A_70 = arith.muli %mul3A_69, %scan3A_62 : i32
      %add3A_71 = arith.constant 1 : i32
      %add3A_72 = arith.addi %mul3A_70, %add3A_71 : i32
      %lt3A_73 = arith.constant 125 : i32
      %lt3A_74 = arith.cmpi slt, %add3A_72, %lt3A_73 : i32
      %convert_element_type3A_75 = arith.extui %lt3A_74 : i1 to i32
      %cond3A_76 = arith.constant 0 : i32
      %cond3A_77 = arith.cmpi ne, %convert_element_type3A_75, %cond3A_76 : i32
      scf.if %cond3A_77 {
        %mul3A_78 = arith.constant 5000 : i32
        %mul3A_79 = arith.muli %add3A, %mul3A_78 : i32
        %mul3A_80 = arith.constant 40 : i32
        %mul3A_81 = arith.muli %add3A_72, %mul3A_80 : i32
        %add3A_82 = arith.addi %mul3A_79, %mul3A_81 : i32
        %dma_wait3A = tpu.memref_slice %arg3[%add3A_82] : memref<160000xi32, #tpu.memory_space<hbm>> -> memref<40xi32, #tpu.memory_space<hbm>>
        %dma_wait3A_83 = tpu.memref_slice %arg3[%add3A_82] : memref<160000xi32, #tpu.memory_space<hbm>> -> memref<40xi32, #tpu.memory_space<hbm>>
        tpu.wait_dma2 semaphore(%arg11 : memref<!tpu.dma_semaphore, #tpu.memory_space<semaphore_mem>>) src(%dma_wait3A_83 : memref<40xi32, #tpu.memory_space<hbm>>) dst(%arg6 : memref<40xi32, #tpu.memory_space<vmem>>)
        %dma_wait3A_84 = arith.constant 1 : i32
        %dma_wait3A_85 = arith.constant 0 : i32
        %dma_wait3A_86 = arith.constant 0 : i32
        %dma_wait3A_87 = tpu.memref_slice %arg7[%dma_wait3A_84, %dma_wait3A_85, %dma_wait3A_86] : memref<2x40x128xf32, #tpu.memory_space<vmem>> -> memref<1x40x128xf32, #tpu.memory_space<vmem>>
        %dma_wait3A_88 = tpu.memref_squeeze %dma_wait3A_87 : memref<1x40x128xf32, #tpu.memory_space<vmem>> -> memref<40x128xf32, #tpu.memory_space<vmem>>
        %dma_wait3A_89 = arith.constant 0 : i32
        %dma_wait3A_90 = tpu.memref_slice %arg2[%add3A_82, %dma_wait3A_89] : memref<160000x128xf32, #tpu.memory_space<hbm>> -> memref<40x128xf32, #tpu.memory_space<hbm>>
        %dma_wait3A_91 = arith.constant 0 : i32
        %dma_wait3A_92 = arith.constant 0 : i32
        %dma_wait3A_93 = tpu.memref_slice %arg7[%dma_wait3A_84, %dma_wait3A_91, %dma_wait3A_92] : memref<2x40x128xf32, #tpu.memory_space<vmem>> -> memref<1x40x128xf32, #tpu.memory_space<vmem>>
        %dma_wait3A_94 = tpu.memref_squeeze %dma_wait3A_93 : memref<1x40x128xf32, #tpu.memory_space<vmem>> -> memref<40x128xf32, #tpu.memory_space<vmem>>
        %dma_wait3A_95 = arith.constant 0 : i32
        %dma_wait3A_96 = tpu.memref_slice %arg2[%add3A_82, %dma_wait3A_95] : memref<160000x128xf32, #tpu.memory_space<hbm>> -> memref<40x128xf32, #tpu.memory_space<hbm>>
        tpu.wait_dma2 semaphore(%arg11 : memref<!tpu.dma_semaphore, #tpu.memory_space<semaphore_mem>>) src(%dma_wait3A_96 : memref<40x128xf32, #tpu.memory_space<hbm>>) dst(%dma_wait3A_94 : memref<40x128xf32, #tpu.memory_space<vmem>>)
        %run_scoped3A = arith.constant 1 : i32
        "tpu.region"() ({
          %run_scoped3A_104 = tpu.sem_alloc : memref<!tpu.dma_semaphore, #tpu.memory_space<semaphore_mem>>
          %dma_start3A_105 = arith.constant 0 : i32
          %dma_start3A_106 = arith.constant 0 : i32
          %dma_start3A_107 = tpu.memref_slice %arg7[%run_scoped3A, %dma_start3A_105, %dma_start3A_106] : memref<2x40x128xf32, #tpu.memory_space<vmem>> -> memref<1x40x128xf32, #tpu.memory_space<vmem>>
          %dma_start3A_108 = tpu.memref_squeeze %dma_start3A_107 : memref<1x40x128xf32, #tpu.memory_space<vmem>> -> memref<40x128xf32, #tpu.memory_space<vmem>>
          %dma_start3A_109 = arith.constant 0 : i32
          %dma_start3A_110 = arith.constant 0 : i32
          %dma_start3A_111 = tpu.memref_slice %arg9[%dma_start3A_109, %dma_start3A_110] : memref<10240x128xf32, #tpu.memory_space<vmem_shared>> -> memref<10240x128xf32, #tpu.memory_space<vmem_shared>>
          tpu.enqueue_indirect_dma source(%dma_start3A_108 : memref<40x128xf32, #tpu.memory_space<vmem>>) target(%dma_start3A_111 : memref<10240x128xf32, #tpu.memory_space<vmem_shared>>) offsets(%arg6 : memref<40xi32, #tpu.memory_space<vmem>>) semaphore(%run_scoped3A_104 : memref<!tpu.dma_semaphore, #tpu.memory_space<semaphore_mem>>) {add = true}
          %dma_wait3A_112 = arith.constant 0 : i32
          %dma_wait3A_113 = arith.constant 0 : i32
          %dma_wait3A_114 = tpu.memref_slice %arg7[%run_scoped3A, %dma_wait3A_112, %dma_wait3A_113] : memref<2x40x128xf32, #tpu.memory_space<vmem>> -> memref<1x40x128xf32, #tpu.memory_space<vmem>>
          %dma_wait3A_115 = tpu.memref_squeeze %dma_wait3A_114 : memref<1x40x128xf32, #tpu.memory_space<vmem>> -> memref<40x128xf32, #tpu.memory_space<vmem>>
          %dma_wait3A_116 = arith.constant 0 : i32
          %dma_wait3A_117 = arith.constant 0 : i32
          %dma_wait3A_118 = tpu.memref_slice %arg9[%dma_wait3A_116, %dma_wait3A_117] : memref<10240x128xf32, #tpu.memory_space<vmem_shared>> -> memref<10240x128xf32, #tpu.memory_space<vmem_shared>>
          tpu.wait_indirect_dma semaphore(%run_scoped3A_104 : memref<!tpu.dma_semaphore, #tpu.memory_space<semaphore_mem>>) src(%dma_wait3A_115 : memref<40x128xf32, #tpu.memory_space<vmem>>) dst(%dma_wait3A_118 : memref<10240x128xf32, #tpu.memory_space<vmem_shared>>)
          tpu.yield
        }) : () -> ()
        %add3A_97 = arith.constant 2 : i32
        %add3A_98 = arith.addi %add3A_72, %add3A_97 : i32
        %lt3A_99 = arith.constant 125 : i32
        %lt3A_100 = arith.cmpi slt, %add3A_98, %lt3A_99 : i32
        %convert_element_type3A_101 = arith.extui %lt3A_100 : i1 to i32
        %cond3A_102 = arith.constant 0 : i32
        %cond3A_103 = arith.cmpi ne, %convert_element_type3A_101, %cond3A_102 : i32
        scf.if %cond3A_103 {
          %add3A_104 = arith.constant 2 : i32
          %add3A_105 = arith.addi %add3A_72, %add3A_104 : i32
          %mul3A_106 = arith.constant 5000 : i32
          %mul3A_107 = arith.muli %add3A, %mul3A_106 : i32
          %mul3A_108 = arith.constant 40 : i32
          %mul3A_109 = arith.muli %add3A_105, %mul3A_108 : i32
          %add3A_110 = arith.addi %mul3A_107, %mul3A_109 : i32
          %dma_start3A_111 = tpu.memref_slice %arg3[%add3A_110] : memref<160000xi32, #tpu.memory_space<hbm>> -> memref<40xi32, #tpu.memory_space<hbm>>
          %dma_start3A_112 = tpu.memref_slice %arg3[%add3A_110] : memref<160000xi32, #tpu.memory_space<hbm>> -> memref<40xi32, #tpu.memory_space<hbm>>
          tpu.enqueue_dma source(%dma_start3A_112 : memref<40xi32, #tpu.memory_space<hbm>>) target(%arg6 : memref<40xi32, #tpu.memory_space<vmem>>) target_semaphore(%arg11 : memref<!tpu.dma_semaphore, #tpu.memory_space<semaphore_mem>>)
          %dma_start3A_113 = arith.constant 1 : i32
          %dma_start3A_114 = arith.constant 0 : i32
          %dma_start3A_115 = arith.constant 0 : i32
          %dma_start3A_116 = tpu.memref_slice %arg7[%dma_start3A_113, %dma_start3A_114, %dma_start3A_115] : memref<2x40x128xf32, #tpu.memory_space<vmem>> -> memref<1x40x128xf32, #tpu.memory_space<vmem>>
          %dma_start3A_117 = tpu.memref_squeeze %dma_start3A_116 : memref<1x40x128xf32, #tpu.memory_space<vmem>> -> memref<40x128xf32, #tpu.memory_space<vmem>>
          %dma_start3A_118 = arith.constant 0 : i32
          %dma_start3A_119 = tpu.memref_slice %arg2[%add3A_110, %dma_start3A_118] : memref<160000x128xf32, #tpu.memory_space<hbm>> -> memref<40x128xf32, #tpu.memory_space<hbm>>
          %dma_start3A_120 = arith.constant 0 : i32
          %dma_start3A_121 = arith.constant 0 : i32
          %dma_start3A_122 = tpu.memref_slice %arg7[%dma_start3A_113, %dma_start3A_120, %dma_start3A_121] : memref<2x40x128xf32, #tpu.memory_space<vmem>> -> memref<1x40x128xf32, #tpu.memory_space<vmem>>
          %dma_start3A_123 = tpu.memref_squeeze %dma_start3A_122 : memref<1x40x128xf32, #tpu.memory_space<vmem>> -> memref<40x128xf32, #tpu.memory_space<vmem>>
          %dma_start3A_124 = arith.constant 0 : i32
          %dma_start3A_125 = tpu.memref_slice %arg2[%add3A_110, %dma_start3A_124] : memref<160000x128xf32, #tpu.memory_space<hbm>> -> memref<40x128xf32, #tpu.memory_space<hbm>>
          tpu.enqueue_dma source(%dma_start3A_125 : memref<40x128xf32, #tpu.memory_space<hbm>>) target(%dma_start3A_123 : memref<40x128xf32, #tpu.memory_space<vmem>>) target_semaphore(%arg11 : memref<!tpu.dma_semaphore, #tpu.memory_space<semaphore_mem>>)
        } else {
        }
      } else {
      }
    }
    %scan3A_54 = arith.constant 63 : i32
    %barrier3A_55 = arith.constant 0 : index
    tpu.barrier barrier_id(%barrier3A_55)
    %scan3A_56 = arith.constant 0 : i32
    %scan3A_57 = arith.constant 0 : i32
    %scan3A_58 = arith.constant 8 : i32
    %scan3A_59 = arith.addi %scan3A_57, %scan3A_58 : i32
    %scan3A_60 = arith.constant 1 : i32
    scf.for %scan3A_62 = %scan3A_57 to %scan3A_59 step %scan3A_60  : i32 {
      %mul3A_63 = arith.constant 640 : i32
      %mul3A_64 = arith.muli %arg1, %mul3A_63 : i32
      %mul3A_65 = arith.constant 80 : i32
      %mul3A_66 = arith.muli %scan3A_62, %mul3A_65 : i32
      %add3A_67 = arith.addi %mul3A_64, %mul3A_66 : i32
      "tpu.region"() ({
        %run_scoped3A = tpu.sem_alloc : memref<!tpu.dma_semaphore, #tpu.memory_space<semaphore_mem>>
        %dma_start3A_68 = arith.constant 0 : i32
        %dma_start3A_69 = tpu.memref_slice %arg9[%add3A_67, %dma_start3A_68] : memref<10240x128xf32, #tpu.memory_space<vmem_shared>> -> memref<80x128xf32, #tpu.memory_space<vmem_shared>>
        %dma_start3A_70 = arith.constant 0 : i32
        %dma_start3A_71 = tpu.memref_slice %arg9[%add3A_67, %dma_start3A_70] : memref<10240x128xf32, #tpu.memory_space<vmem_shared>> -> memref<80x128xf32, #tpu.memory_space<vmem_shared>>
        tpu.enqueue_dma source(%dma_start3A_71 : memref<80x128xf32, #tpu.memory_space<vmem_shared>>) target(%arg8 : memref<80x128xf32, #tpu.memory_space<vmem>>) target_semaphore(%run_scoped3A : memref<!tpu.dma_semaphore, #tpu.memory_space<semaphore_mem>>)
        %dma_wait3A = arith.constant 0 : i32
        %dma_wait3A_72 = tpu.memref_slice %arg9[%add3A_67, %dma_wait3A] : memref<10240x128xf32, #tpu.memory_space<vmem_shared>> -> memref<80x128xf32, #tpu.memory_space<vmem_shared>>
        %dma_wait3A_73 = arith.constant 0 : i32
        %dma_wait3A_74 = tpu.memref_slice %arg9[%add3A_67, %dma_wait3A_73] : memref<10240x128xf32, #tpu.memory_space<vmem_shared>> -> memref<80x128xf32, #tpu.memory_space<vmem_shared>>
        tpu.wait_dma2 semaphore(%run_scoped3A : memref<!tpu.dma_semaphore, #tpu.memory_space<semaphore_mem>>) src(%dma_wait3A_74 : memref<80x128xf32, #tpu.memory_space<vmem_shared>>) dst(%arg8 : memref<80x128xf32, #tpu.memory_space<vmem>>)
        tpu.yield
      }) : () -> ()
      "tpu.region"() ({
        %run_scoped3A = tpu.sem_alloc : memref<!tpu.dma_semaphore, #tpu.memory_space<semaphore_mem>>
        %dma_start3A_68 = arith.constant 0 : i32
        %dma_start3A_69 = tpu.memref_slice %arg4[%arg0, %add3A_67, %dma_start3A_68] : memref<2x10240x128xf32, #tpu.memory_space<hbm>> -> memref<1x80x128xf32, #tpu.memory_space<hbm>>
        %dma_start3A_70 = tpu.memref_squeeze %dma_start3A_69 : memref<1x80x128xf32, #tpu.memory_space<hbm>> -> memref<80x128xf32, #tpu.memory_space<hbm>>
        %dma_start3A_71 = arith.constant 0 : i32
        %dma_start3A_72 = tpu.memref_slice %arg4[%arg0, %add3A_67, %dma_start3A_71] : memref<2x10240x128xf32, #tpu.memory_space<hbm>> -> memref<1x80x128xf32, #tpu.memory_space<hbm>>
        %dma_start3A_73 = tpu.memref_squeeze %dma_start3A_72 : memref<1x80x128xf32, #tpu.memory_space<hbm>> -> memref<80x128xf32, #tpu.memory_space<hbm>>
        tpu.enqueue_dma source(%arg8 : memref<80x128xf32, #tpu.memory_space<vmem>>) target(%dma_start3A_73 : memref<80x128xf32, #tpu.memory_space<hbm>>) target_semaphore(%run_scoped3A : memref<!tpu.dma_semaphore, #tpu.memory_space<semaphore_mem>>)
        %dma_wait3A = arith.constant 0 : i32
        %dma_wait3A_74 = tpu.memref_slice %arg4[%arg0, %add3A_67, %dma_wait3A] : memref<2x10240x128xf32, #tpu.memory_space<hbm>> -> memref<1x80x128xf32, #tpu.memory_space<hbm>>
        %dma_wait3A_75 = tpu.memref_squeeze %dma_wait3A_74 : memref<1x80x128xf32, #tpu.memory_space<hbm>> -> memref<80x128xf32, #tpu.memory_space<hbm>>
        %dma_wait3A_76 = arith.constant 0 : i32
        %dma_wait3A_77 = tpu.memref_slice %arg4[%arg0, %add3A_67, %dma_wait3A_76] : memref<2x10240x128xf32, #tpu.memory_space<hbm>> -> memref<1x80x128xf32, #tpu.memory_space<hbm>>
        %dma_wait3A_78 = tpu.memref_squeeze %dma_wait3A_77 : memref<1x80x128xf32, #tpu.memory_space<hbm>> -> memref<80x128xf32, #tpu.memory_space<hbm>>
        tpu.wait_dma2 semaphore(%run_scoped3A : memref<!tpu.dma_semaphore, #tpu.memory_space<semaphore_mem>>) src(%arg8 : memref<80x128xf32, #tpu.memory_space<vmem>>) dst(%dma_wait3A_78 : memref<80x128xf32, #tpu.memory_space<hbm>>)
        tpu.yield
      }) : () -> ()
    }
    %scan3A_61 = arith.constant 8 : i32
    return
  }
}

module attributes {stable_mosaic.version = 14 : i64} {
  func.func @_pq_body(%arg0: i32, %arg1: memref<2048x128xf32, #tpu.memory_space<vmem>>, %arg2: memref<128x256xf32, #tpu.memory_space<vmem>>, %arg3: memref<128x256xf32, #tpu.memory_space<vmem>>, %arg4: memref<2x2048x128xi32, #tpu.memory_space<vmem>>) attributes {dimension_semantics = [#tpu.dimension_semantics<arbitrary>], iteration_bounds = array<i64: 5>, scalar_prefetch = 0 : i64, scratch_operands = 0 : i64, tpu.core_type = #tpu.core_type<tc>, window_params = [{transform_indices = @transform_0, window_bounds = array<i64: 2048, 128>}, {pipeline_mode = #tpu.pipeline_mode<synchronous>, transform_indices = @transform_1, window_bounds = array<i64: 128, 256>}, {pipeline_mode = #tpu.pipeline_mode<synchronous>, transform_indices = @transform_2, window_bounds = array<i64: 128, 256>}, {transform_indices = @transform_3, window_bounds = array<i64: 2, 2048, 128>}]} {
    %get3A = arith.constant 0 : index
    %get3A_0 = arith.constant 0 : index
    %get3A_1 = vector.load %arg1[%get3A, %get3A_0] : memref<2048x128xf32, #tpu.memory_space<vmem>>, vector<2048x128xf32>
    %get3A_2 = arith.constant 0 : index
    %get3A_3 = arith.constant 0 : index
    %get3A_4 = vector.load %arg2[%get3A_2, %get3A_3] : memref<128x256xf32, #tpu.memory_space<vmem>>, vector<128x256xf32>
    %dot_general3A = arith.constant dense<0.000000e+00> : vector<2048x256xf32>
    %dot_general3A_5 = tpu.matmul %get3A_1, %get3A_4, %dot_general3A {dimension_numbers = #tpu.dot_dimension_numbers<[1], [0], [0], [1], [0, 0, 1, 1], [], []>, transpose_lhs_hint = false} : vector<2048x128xf32>, vector<128x256xf32>, vector<2048x256xf32> -> vector<2048x256xf32>
    %get3A_6 = arith.constant 0 : index
    %get3A_7 = arith.constant 0 : index
    %get3A_8 = vector.load %arg3[%get3A_6, %get3A_7] : memref<128x256xf32, #tpu.memory_space<vmem>>, vector<128x256xf32>
    %dot_general3A_9 = arith.constant dense<0.000000e+00> : vector<2048x256xf32>
    %dot_general3A_10 = tpu.matmul %get3A_1, %get3A_8, %dot_general3A_9 {dimension_numbers = #tpu.dot_dimension_numbers<[1], [0], [0], [1], [0, 0, 1, 1], [], []>, transpose_lhs_hint = false} : vector<2048x128xf32>, vector<128x256xf32>, vector<2048x256xf32> -> vector<2048x256xf32>
    %slice3A = vector.extract_strided_slice %dot_general3A_5 {offsets = [0, 0], sizes = [2048, 128], strides = [1, 1]} : vector<2048x256xf32> to vector<2048x128xf32>
    %slice3A_11 = vector.extract_strided_slice %dot_general3A_5 {offsets = [0, 128], sizes = [2048, 128], strides = [1, 1]} : vector<2048x256xf32> to vector<2048x128xf32>
    %bitcast_convert_type3A = tpu.bitcast %slice3A : vector<2048x128xf32> -> vector<2048x128xi32>
    %bitcast_convert_type3A_12 = tpu.bitcast %slice3A_11 : vector<2048x128xf32> -> vector<2048x128xi32>
    %add3A = arith.constant 32768 : i32
    %add3A_13 = vector.broadcast %add3A : i32 to vector<2048x128xi32>
    %add3A_14 = arith.addi %bitcast_convert_type3A, %add3A_13 : vector<2048x128xi32>
    %and3A = arith.constant -65536 : i32
    %and3A_15 = vector.broadcast %and3A : i32 to vector<2048x128xi32>
    %and3A_16 = arith.andi %add3A_14, %and3A_15 : vector<2048x128xi32>
    %add3A_17 = arith.constant 32768 : i32
    %add3A_18 = vector.broadcast %add3A_17 : i32 to vector<2048x128xi32>
    %add3A_19 = arith.addi %bitcast_convert_type3A_12, %add3A_18 : vector<2048x128xi32>
    %shift_right_logical3A = arith.constant 16 : i32
    %shift_right_logical3A_20 = vector.broadcast %shift_right_logical3A : i32 to vector<2048x128xi32>
    %shift_right_logical3A_21 = arith.shrui %add3A_19, %shift_right_logical3A_20 : vector<2048x128xi32>
    %or3A = arith.ori %and3A_16, %shift_right_logical3A_21 : vector<2048x128xi32>
    %swap3A = arith.constant 1 : index
    %swap3A_22 = arith.constant 0 : index
    %swap3A_23 = arith.constant 0 : index
    %swap3A_24 = vector.load %arg4[%swap3A, %swap3A_22, %swap3A_23] : memref<2x2048x128xi32, #tpu.memory_space<vmem>>, vector<1x2048x128xi32>
    %swap3A_25 = vector.shape_cast %swap3A_24 : vector<1x2048x128xi32> to vector<2048x128xi32>
    %swap3A_26 = vector.shape_cast %or3A : vector<2048x128xi32> to vector<1x2048x128xi32>
    tpu.vector_store %arg4[%swap3A, %swap3A_22, %swap3A_23], %swap3A_26 {strides = array<i32>} : memref<2x2048x128xi32, #tpu.memory_space<vmem>>, vector<1x2048x128xi32>,
    %slice3A_27 = vector.extract_strided_slice %dot_general3A_10 {offsets = [0, 0], sizes = [2048, 128], strides = [1, 1]} : vector<2048x256xf32> to vector<2048x128xf32>
    %slice3A_28 = vector.extract_strided_slice %dot_general3A_10 {offsets = [0, 128], sizes = [2048, 128], strides = [1, 1]} : vector<2048x256xf32> to vector<2048x128xf32>
    %bitcast_convert_type3A_29 = tpu.bitcast %slice3A_27 : vector<2048x128xf32> -> vector<2048x128xi32>
    %bitcast_convert_type3A_30 = tpu.bitcast %slice3A_28 : vector<2048x128xf32> -> vector<2048x128xi32>
    %add3A_31 = arith.constant 32768 : i32
    %add3A_32 = vector.broadcast %add3A_31 : i32 to vector<2048x128xi32>
    %add3A_33 = arith.addi %bitcast_convert_type3A_29, %add3A_32 : vector<2048x128xi32>
    %and3A_34 = arith.constant -65536 : i32
    %and3A_35 = vector.broadcast %and3A_34 : i32 to vector<2048x128xi32>
    %and3A_36 = arith.andi %add3A_33, %and3A_35 : vector<2048x128xi32>
    %add3A_37 = arith.constant 32768 : i32
    %add3A_38 = vector.broadcast %add3A_37 : i32 to vector<2048x128xi32>
    %add3A_39 = arith.addi %bitcast_convert_type3A_30, %add3A_38 : vector<2048x128xi32>
    %shift_right_logical3A_40 = arith.constant 16 : i32
    %shift_right_logical3A_41 = vector.broadcast %shift_right_logical3A_40 : i32 to vector<2048x128xi32>
    %shift_right_logical3A_42 = arith.shrui %add3A_39, %shift_right_logical3A_41 : vector<2048x128xi32>
    %or3A_43 = arith.ori %and3A_36, %shift_right_logical3A_42 : vector<2048x128xi32>
    %swap3A_44 = arith.constant 0 : index
    %swap3A_45 = arith.constant 0 : index
    %swap3A_46 = arith.constant 0 : index
    %swap3A_47 = vector.load %arg4[%swap3A_44, %swap3A_45, %swap3A_46] : memref<2x2048x128xi32, #tpu.memory_space<vmem>>, vector<1x2048x128xi32>
    %swap3A_48 = vector.shape_cast %swap3A_47 : vector<1x2048x128xi32> to vector<2048x128xi32>
    %swap3A_49 = vector.shape_cast %or3A_43 : vector<2048x128xi32> to vector<1x2048x128xi32>
    tpu.vector_store %arg4[%swap3A_44, %swap3A_45, %swap3A_46], %swap3A_49 {strides = array<i32>} : memref<2x2048x128xi32, #tpu.memory_space<vmem>>, vector<1x2048x128xi32>,
    return
  }
  func.func @transform_0(%arg0: i32) -> (i32, i32) {
    %c0_i32 = arith.constant 0 : i32
    %c0_i32_0 = arith.constant 0 : i32
    return %arg0, %c0_i32 : i32, i32
  }
  func.func @transform_1(%arg0: i32) -> (i32, i32) {
    %c0_i32 = arith.constant 0 : i32
    %c0_i32_0 = arith.constant 0 : i32
    %c0_i32_1 = arith.constant 0 : i32
    return %c0_i32, %c0_i32_0 : i32, i32
  }
  func.func @transform_2(%arg0: i32) -> (i32, i32) {
    %c0_i32 = arith.constant 0 : i32
    %c0_i32_0 = arith.constant 0 : i32
    %c0_i32_1 = arith.constant 0 : i32
    return %c0_i32, %c0_i32_0 : i32, i32
  }
  func.func @transform_3(%arg0: i32) -> (i32, i32, i32) {
    %c0_i32 = arith.constant 0 : i32
    %c0_i32_0 = arith.constant 0 : i32
    %c0_i32_1 = arith.constant 0 : i32
    return %c0_i32, %arg0, %c0_i32_0 : i32, i32, i32
  }
}

module attributes {stable_mosaic.version = 14 : i64} {
  func.func @_edge_body(%arg0: i32, %arg1: memref<1x2000x128xi32, #tpu.memory_space<vmem>>, %arg2: memref<1x2000x128xi32, #tpu.memory_space<vmem>>, %arg3: memref<2000x16xf32, #tpu.memory_space<vmem>>, %arg4: memref<16x256xf32, #tpu.memory_space<vmem>>, %arg5: memref<1x256xf32, #tpu.memory_space<vmem>>, %arg6: memref<2000x128xf32, #tpu.memory_space<vmem>>) attributes {dimension_semantics = [#tpu.dimension_semantics<arbitrary>], iteration_bounds = array<i64: 80>, scalar_prefetch = 0 : i64, scratch_operands = 0 : i64, tpu.core_type = #tpu.core_type<tc>, window_params = [{transform_indices = @transform_0, window_bounds = array<i64: 1, 2000, 128>}, {transform_indices = @transform_1, window_bounds = array<i64: 1, 2000, 128>}, {transform_indices = @transform_2, window_bounds = array<i64: 2000, 16>}, {pipeline_mode = #tpu.pipeline_mode<synchronous>, transform_indices = @transform_3, window_bounds = array<i64: 16, 256>}, {pipeline_mode = #tpu.pipeline_mode<synchronous>, transform_indices = @transform_4, window_bounds = array<i64: 1, 256>}, {transform_indices = @transform_5, window_bounds = array<i64: 2000, 128>}]} {
    %get3A = arith.constant 0 : index
    %get3A_0 = arith.constant 0 : index
    %get3A_1 = arith.constant 0 : index
    %get3A_2 = vector.load %arg1[%get3A, %get3A_0, %get3A_1] : memref<1x2000x128xi32, #tpu.memory_space<vmem>>, vector<1x2000x128xi32>
    %get3A_3 = vector.shape_cast %get3A_2 : vector<1x2000x128xi32> to vector<2000x128xi32>
    %get3A_4 = arith.constant 0 : index
    %get3A_5 = arith.constant 0 : index
    %get3A_6 = arith.constant 0 : index
    %get3A_7 = vector.load %arg2[%get3A_4, %get3A_5, %get3A_6] : memref<1x2000x128xi32, #tpu.memory_space<vmem>>, vector<1x2000x128xi32>
    %get3A_8 = vector.shape_cast %get3A_7 : vector<1x2000x128xi32> to vector<2000x128xi32>
    %get3A_9 = arith.constant 0 : index
    %get3A_10 = arith.constant 0 : index
    %get3A_11 = vector.load %arg3[%get3A_9, %get3A_10] : memref<2000x16xf32, #tpu.memory_space<vmem>>, vector<2000x16xf32>
    %get3A_12 = arith.constant 0 : index
    %get3A_13 = arith.constant 0 : index
    %get3A_14 = vector.load %arg4[%get3A_12, %get3A_13] : memref<16x256xf32, #tpu.memory_space<vmem>>, vector<16x256xf32>
    %dot_general3A = arith.constant dense<0.000000e+00> : vector<2000x256xf32>
    %dot_general3A_15 = tpu.matmul %get3A_11, %get3A_14, %dot_general3A {dimension_numbers = #tpu.dot_dimension_numbers<[1], [0], [0], [1], [0, 0, 1, 1], [], []>, transpose_lhs_hint = false} : vector<2000x16xf32>, vector<16x256xf32>, vector<2000x256xf32> -> vector<2000x256xf32>
    %get3A_16 = arith.constant 0 : index
    %get3A_17 = arith.constant 0 : index
    %get3A_18 = vector.load %arg5[%get3A_16, %get3A_17] : memref<1x256xf32, #tpu.memory_space<vmem>>, vector<1x256xf32>
    %add3A = vector.broadcast %get3A_18 : vector<1x256xf32> to vector<2000x256xf32>
    %add3A_19 = arith.addf %dot_general3A_15, %add3A : vector<2000x256xf32>
    %and3A = arith.constant -65536 : i32
    %and3A_20 = vector.broadcast %and3A : i32 to vector<2000x128xi32>
    %and3A_21 = arith.andi %get3A_3, %and3A_20 : vector<2000x128xi32>
    %bitcast_convert_type3A = tpu.bitcast %and3A_21 : vector<2000x128xi32> -> vector<2000x128xf32>
    %and3A_22 = arith.constant -65536 : i32
    %and3A_23 = vector.broadcast %and3A_22 : i32 to vector<2000x128xi32>
    %and3A_24 = arith.andi %get3A_8, %and3A_23 : vector<2000x128xi32>
    %bitcast_convert_type3A_25 = tpu.bitcast %and3A_24 : vector<2000x128xi32> -> vector<2000x128xf32>
    %add3A_26 = arith.addf %bitcast_convert_type3A, %bitcast_convert_type3A_25 : vector<2000x128xf32>
    %slice3A = vector.extract_strided_slice %add3A_19 {offsets = [0, 0], sizes = [2000, 128], strides = [1, 1]} : vector<2000x256xf32> to vector<2000x128xf32>
    %add3A_27 = arith.addf %add3A_26, %slice3A : vector<2000x128xf32>
    %shift_left3A = arith.constant 16 : i32
    %shift_left3A_28 = vector.broadcast %shift_left3A : i32 to vector<2000x128xi32>
    %shift_left3A_29 = arith.shli %get3A_3, %shift_left3A_28 : vector<2000x128xi32>
    %bitcast_convert_type3A_30 = tpu.bitcast %shift_left3A_29 : vector<2000x128xi32> -> vector<2000x128xf32>
    %shift_left3A_31 = arith.constant 16 : i32
    %shift_left3A_32 = vector.broadcast %shift_left3A_31 : i32 to vector<2000x128xi32>
    %shift_left3A_33 = arith.shli %get3A_8, %shift_left3A_32 : vector<2000x128xi32>
    %bitcast_convert_type3A_34 = tpu.bitcast %shift_left3A_33 : vector<2000x128xi32> -> vector<2000x128xf32>
    %add3A_35 = arith.addf %bitcast_convert_type3A_30, %bitcast_convert_type3A_34 : vector<2000x128xf32>
    %slice3A_36 = vector.extract_strided_slice %add3A_19 {offsets = [0, 128], sizes = [2000, 128], strides = [1, 1]} : vector<2000x256xf32> to vector<2000x128xf32>
    %add3A_37 = arith.addf %add3A_35, %slice3A_36 : vector<2000x128xf32>
    %neg3A = arith.constant 0.000000e+00 : f32
    %neg3A_38 = vector.broadcast %neg3A : f32 to vector<2000x128xf32>
    %neg3A_39 = arith.subf %neg3A_38, %add3A_27 : vector<2000x128xf32>
    %exp3A = math.exp %neg3A_39 : vector<2000x128xf32>
    %add3A_40 = arith.constant 1.000000e+00 : f32
    %add3A_41 = vector.broadcast %add3A_40 : f32 to vector<2000x128xf32>
    %add3A_42 = arith.addf %add3A_41, %exp3A : vector<2000x128xf32>
    %div3A = arith.constant 1.000000e+00 : f32
    %div3A_43 = vector.broadcast %div3A : f32 to vector<2000x128xf32>
    %div3A_44 = arith.divf %div3A_43, %add3A_42 : vector<2000x128xf32>
    %max3A = arith.constant 0.000000e+00 : f32
    %max3A_45 = vector.broadcast %max3A : f32 to vector<2000x128xf32>
    %max3A_46 = arith.maximumf %add3A_37, %max3A_45 : vector<2000x128xf32>
    %abs3A = math.absf %add3A_37 : vector<2000x128xf32>
    %neg3A_47 = arith.constant 0.000000e+00 : f32
    %neg3A_48 = vector.broadcast %neg3A_47 : f32 to vector<2000x128xf32>
    %neg3A_49 = arith.subf %neg3A_48, %abs3A : vector<2000x128xf32>
    %exp3A_50 = math.exp %neg3A_49 : vector<2000x128xf32>
    %add3A_51 = arith.constant 1.000000e+00 : f32
    %add3A_52 = vector.broadcast %add3A_51 : f32 to vector<2000x128xf32>
    %add3A_53 = arith.addf %add3A_52, %exp3A_50 : vector<2000x128xf32>
    %log3A = math.log %add3A_53 : vector<2000x128xf32>
    %add3A_54 = arith.addf %max3A_46, %log3A : vector<2000x128xf32>
    %mul3A = arith.mulf %div3A_44, %add3A_54 : vector<2000x128xf32>
    %swap3A = arith.constant 0 : index
    %swap3A_55 = arith.constant 0 : index
    %swap3A_56 = vector.load %arg6[%swap3A, %swap3A_55] : memref<2000x128xf32, #tpu.memory_space<vmem>>, vector<2000x128xf32>
    tpu.vector_store %arg6[%swap3A, %swap3A_55], %mul3A {strides = array<i32>} : memref<2000x128xf32, #tpu.memory_space<vmem>>, vector<2000x128xf32>,
    return
  }
  func.func @transform_0(%arg0: i32) -> (i32, i32, i32) {
    %c1_i32 = arith.constant 1 : i32
    %c0_i32 = arith.constant 0 : i32
    %c0_i32_0 = arith.constant 0 : i32
    return %c1_i32, %arg0, %c0_i32 : i32, i32, i32
  }
  func.func @transform_1(%arg0: i32) -> (i32, i32, i32) {
    %c0_i32 = arith.constant 0 : i32
    %c0_i32_0 = arith.constant 0 : i32
    %c0_i32_1 = arith.constant 0 : i32
    return %c0_i32, %arg0, %c0_i32_0 : i32, i32, i32
  }
  func.func @transform_2(%arg0: i32) -> (i32, i32) {
    %c0_i32 = arith.constant 0 : i32
    %c0_i32_0 = arith.constant 0 : i32
    return %arg0, %c0_i32 : i32, i32
  }
  func.func @transform_3(%arg0: i32) -> (i32, i32) {
    %c0_i32 = arith.constant 0 : i32
    %c0_i32_0 = arith.constant 0 : i32
    %c0_i32_1 = arith.constant 0 : i32
    return %c0_i32, %c0_i32_0 : i32, i32
  }
  func.func @transform_4(%arg0: i32) -> (i32, i32) {
    %c0_i32 = arith.constant 0 : i32
    %c0_i32_0 = arith.constant 0 : i32
    %c0_i32_1 = arith.constant 0 : i32
    return %c0_i32, %c0_i32_0 : i32, i32
  }
  func.func @transform_5(%arg0: i32) -> (i32, i32) {
    %c0_i32 = arith.constant 0 : i32
    %c0_i32_0 = arith.constant 0 : i32
    return %arg0, %c0_i32 : i32, i32
  }
}

module attributes {stable_mosaic.version = 14 : i64} {
  func.func @_final_body(%arg0: memref<2x10240x128xf32, #tpu.memory_space<vmem>>, %arg1: memref<2x10240x128xf32, #tpu.memory_space<vmem>>, %arg2: memref<10000x128xf32, #tpu.memory_space<vmem>>, %arg3: memref<1x10000xi32, #tpu.memory_space<vmem>>, %arg4: memref<128x10xf32, #tpu.memory_space<vmem>>, %arg5: memref<1x10xf32, #tpu.memory_space<vmem>>, %arg6: memref<64x10xf32, #tpu.memory_space<vmem>>) attributes {dimension_semantics = [], scalar_prefetch = 0 : i64, scratch_operands = 0 : i64, tpu.core_type = #tpu.core_type<tc>} {
    %get3A = arith.constant 0 : index
    %get3A_0 = arith.constant 0 : index
    %get3A_1 = arith.constant 0 : index
    %get3A_2 = vector.load %arg0[%get3A, %get3A_0, %get3A_1] : memref<2x10240x128xf32, #tpu.memory_space<vmem>>, vector<1x10000x128xf32>
    %get3A_3 = vector.shape_cast %get3A_2 : vector<1x10000x128xf32> to vector<10000x128xf32>
    %get3A_4 = arith.constant 1 : index
    %get3A_5 = arith.constant 0 : index
    %get3A_6 = arith.constant 0 : index
    %get3A_7 = vector.load %arg0[%get3A_4, %get3A_5, %get3A_6] : memref<2x10240x128xf32, #tpu.memory_space<vmem>>, vector<1x10000x128xf32>
    %get3A_8 = vector.shape_cast %get3A_7 : vector<1x10000x128xf32> to vector<10000x128xf32>
    %add3A = arith.addf %get3A_3, %get3A_8 : vector<10000x128xf32>
    %get3A_9 = arith.constant 0 : index
    %get3A_10 = arith.constant 0 : index
    %get3A_11 = arith.constant 0 : index
    %get3A_12 = vector.load %arg1[%get3A_9, %get3A_10, %get3A_11] : memref<2x10240x128xf32, #tpu.memory_space<vmem>>, vector<1x10000x128xf32>
    %get3A_13 = vector.shape_cast %get3A_12 : vector<1x10000x128xf32> to vector<10000x128xf32>
    %add3A_14 = arith.addf %add3A, %get3A_13 : vector<10000x128xf32>
    %get3A_15 = arith.constant 1 : index
    %get3A_16 = arith.constant 0 : index
    %get3A_17 = arith.constant 0 : index
    %get3A_18 = vector.load %arg1[%get3A_15, %get3A_16, %get3A_17] : memref<2x10240x128xf32, #tpu.memory_space<vmem>>, vector<1x10000x128xf32>
    %get3A_19 = vector.shape_cast %get3A_18 : vector<1x10000x128xf32> to vector<10000x128xf32>
    %add3A_20 = arith.addf %add3A_14, %get3A_19 : vector<10000x128xf32>
    %get3A_21 = arith.constant 0 : index
    %get3A_22 = arith.constant 0 : index
    %get3A_23 = vector.load %arg2[%get3A_21, %get3A_22] : memref<10000x128xf32, #tpu.memory_space<vmem>>, vector<10000x128xf32>
    %add3A_24 = arith.addf %add3A_20, %get3A_23 : vector<10000x128xf32>
    %max3A = arith.constant 0.000000e+00 : f32
    %max3A_25 = vector.broadcast %max3A : f32 to vector<10000x128xf32>
    %max3A_26 = arith.maximumf %add3A_24, %max3A_25 : vector<10000x128xf32>
    %iota3A = tpu.iota {dimensions = array<i32: 0>} : vector<64x10000xi32>
    %get3A_27 = arith.constant 0 : index
    %get3A_28 = arith.constant 0 : index
    %get3A_29 = vector.load %arg3[%get3A_27, %get3A_28] : memref<1x10000xi32, #tpu.memory_space<vmem>>, vector<1x10000xi32>
    %eq3A = vector.broadcast %get3A_29 : vector<1x10000xi32> to vector<64x10000xi32>
    %eq3A_30 = arith.cmpi eq, %eq3A, %iota3A : vector<64x10000xi32>
    %convert_element_type3A = arith.extui %eq3A_30 : vector<64x10000xi1> to vector<64x10000xi32>
    %convert_element_type3A_31 = arith.sitofp %convert_element_type3A : vector<64x10000xi32> to vector<64x10000xf32>
    %dot_general3A = arith.constant dense<0.000000e+00> : vector<64x128xf32>
    %dot_general3A_32 = tpu.matmul %convert_element_type3A_31, %max3A_26, %dot_general3A {dimension_numbers = #tpu.dot_dimension_numbers<[1], [0], [0], [1], [0, 0, 1, 1], [], []>, transpose_lhs_hint = false} : vector<64x10000xf32>, vector<10000x128xf32>, vector<64x128xf32> -> vector<64x128xf32>
    %reduce_sum3A = arith.constant dense<0.000000e+00> : vector<64xf32>
    %reduce_sum3A_33 = vector.multi_reduction <add>, %convert_element_type3A_31, %reduce_sum3A [1] : vector<64x10000xf32> to vector<64xf32>
    %broadcast_in_dim3A = vector.shape_cast %reduce_sum3A_33 : vector<64xf32> to vector<64x1xf32>
    %max3A_34 = arith.constant 1.000000e+00 : f32
    %max3A_35 = vector.broadcast %max3A_34 : f32 to vector<64x1xf32>
    %max3A_36 = arith.maximumf %broadcast_in_dim3A, %max3A_35 : vector<64x1xf32>
    %div3A = vector.broadcast %max3A_36 : vector<64x1xf32> to vector<64x128xf32>
    %div3A_37 = arith.divf %dot_general3A_32, %div3A : vector<64x128xf32>
    %get3A_38 = arith.constant 0 : index
    %get3A_39 = arith.constant 0 : index
    %get3A_40 = vector.load %arg4[%get3A_38, %get3A_39] : memref<128x10xf32, #tpu.memory_space<vmem>>, vector<128x10xf32>
    %dot_general3A_41 = arith.constant dense<0.000000e+00> : vector<64x10xf32>
    %dot_general3A_42 = tpu.matmul %div3A_37, %get3A_40, %dot_general3A_41 {dimension_numbers = #tpu.dot_dimension_numbers<[1], [0], [0], [1], [0, 0, 1, 1], [], []>, transpose_lhs_hint = false} : vector<64x128xf32>, vector<128x10xf32>, vector<64x10xf32> -> vector<64x10xf32>
    %get3A_43 = arith.constant 0 : index
    %get3A_44 = arith.constant 0 : index
    %get3A_45 = vector.load %arg5[%get3A_43, %get3A_44] : memref<1x10xf32, #tpu.memory_space<vmem>>, vector<1x10xf32>
    %add3A_46 = vector.broadcast %get3A_45 : vector<1x10xf32> to vector<64x10xf32>
    %add3A_47 = arith.addf %dot_general3A_42, %add3A_46 : vector<64x10xf32>
    %swap3A = arith.constant 0 : index
    %swap3A_48 = arith.constant 0 : index
    %swap3A_49 = vector.load %arg6[%swap3A, %swap3A_48] : memref<64x10xf32, #tpu.memory_space<vmem>>, vector<64x10xf32>
    tpu.vector_store %arg6[%swap3A, %swap3A_48], %add3A_47 {strides = array<i32>} : memref<64x10xf32, #tpu.memory_space<vmem>>, vector<64x10xf32>,
    return
  }
}

</mosaic_0001>

<sc_bundles>
// kernel: kernel.10.cloned.1.call-start
scs
__scs_entry_jumppad:
0x0: {  	(pc) =	sbr.rel $0x88, $3  }
0x1: {  	(tag) =	ssettag $0x0;
	lr =	simm.s32 $0x1  }
0x2: {  	[smem:$0x3F97] =	sst lr;
	_ =	strace $0xD0000000  }
0x3: {  	_ = 	snop  }
0x4: {  	_ = 	snop  }
0x5: {  	_ = 	snop  }
0x6: {  	_ = 	snop  }
0x7: {  	_ = 	snop  }
__scs_overlays_trampoline_lowered:
0x8: {  	[smem:$0x3FA6] =	sst s0  }
0x9: {  	[smem:$0x3FA7] =	sst s1  }
0xa: {  	[smem:$0x3FA8] =	sst s2  }
0xb: {  	[smem:$0x3FA9] =	sst s3  }
0xc: {  	[smem:$0x3FAA] =	sst s4  }
0xd: {  	[smem:$0x3FAB] =	sst s5  }
0xe: {  	[smem:$0x3FAC] =	sst s6  }
0xf: {  	[smem:$0x3FAD] =	sst s7  }
0x10: {  	[smem:$0x3FAE] =	sst s8  }
0x11: {  	[smem:$0x3FAF] =	sst s9;
	s0 =	simm.s32 @!p0 $0x0  }
0x12: {  	s1 =	sld [smem:$0x3F95];
	s0 =	simm.s32 @p0 $0x1  }
0x13: {  	[smem:$0x3FB0] =	sst s0;
	s0 =	simm.s32 @!p1 $0x0  }
0x14: {  	s2 =	sld [smem:$0x3F94];
	s0 =	simm.s32 @p1 $0x1  }
0x15: {  	[smem:$0x3FB1] =	sst s0;
	s0 =	simm.s32 @!p2 $0x0  }
0x16: {  	s3 =	sld [smem:$0x3FDB];
	s0 =	simm.s32 @p2 $0x1  }
0x17: {  	s4 =	simm.s32 $0x1BF5;
	[smem:$0x3FB3] =	sst s0  }
0x18: {  	s0 =	sld [smem:$0x3F96];
	_ =	swait.ge [sflag:s4], $0x0  }
0x19: {  	s7 =	sld [smem:$0x3F97]  }
0x1a: {  	s8 =	sadd.s32 $0xFFFFE003, lr  }
0x1b: {  	s9 =	sadd.s32 $0xFFFFFEF7, lr;
	s5 =	simm.s32 $0xFFFFFFFF;
	p2 =	slt.u32 s8, $0xFFFFF086  }
0x1c: {  	p1 =	slt.u32 s9, $0xF7A;
	s5 =	simm.s32 @!p2 $0x0  }
0x1d: {  	s5 =	simm.s32 @p1 $0x1;
	p0 =	seq.s32 s7, s2  }
0x1e: {  	s7 =	smul.u32 @!p0 $0xF7A, s2;
	p2 =	seq.s32 @!p0 s5, $0x0  }
0x1f: {  	s9 =	smul.u32 $0xF7A, s1;
	s8 =	simm.s32 @!p0 $0x1BF5;
	p2 =	por !p2, p0  }
0x20: {  	[sflag:s8] =	ssyncset.s32 @!p0 $0xFFFFF086;
	s6 =	sadd.s32 @!p0 s3, s7;
	s7 =	simm.s32 @!p0 $0x108  }
0x21: {  	s3 =	sadd.s32 s3, s9;
	s6 =	sadd.s32 @!p0 $0x88, s6;
	s7 =	simm.s32 @p2 $0x1082  }
0x22: {  	[simem:s7], [sflag:s8] =	dma.local @!p0 [hbm:s6], $0xF7A  }
0x23: {  	s9 =	sor.u32 $0xD0000000, s2;
	s6 =	simm.s32 $0x108;
	_ =	swait.ge @!p0 [sflag:s8], $0x0  }
0x24: {  	s3 =	sadd.s32 $0x88, s3;
	s6 =	simm.s32 @!p1 $0x1082;
	[sflag:s4] =	ssyncset.s32 $0xFFFFF086  }
0x25: {  	[simem:s6], [sflag:s4] =	dma.local [hbm:s3], $0xF7A  }
0x26: {  	[smem:$0x3F97] =	sst s1;
	(tag) =	ssettag s2;
	_ =	strace s9  }
0x27: {  	s1 =	sld [smem:$0x3FA7]  }
0x28: {  	s2 =	sld [smem:$0x3FA8]  }
0x29: {  	s4 =	sld [smem:$0x3FAA]  }
0x2a: {  	p0 =	seq.s32 s5, $0x0;
	s5 =	sld [smem:$0x3FAB]  }
0x2b: {  	s6 =	sld [smem:$0x3FAC]  }
0x2c: {  	s7 =	sld [smem:$0x3FAD]  }
0x2d: {  	s3 =	simm.s32 $0x108;
	s8 =	sld [smem:$0x3FAE]  }
0x2e: {  	s3 =	simm.s32 @!p0 $0x1082;
	s9 =	sld [smem:$0x3FAF]  }
0x2f: {  	lr =	sadd.s32 s0, s3;
	s0 =	sld [smem:$0x3FA6]  }
0x30: {  	s3 =	sld [smem:$0x3FA9]  }
0x31: {  	[smem:$0x3FB2] =	sst s10  }
0x32: {  	s10 =	sld [smem:$0x3FB0];
	_ =	sdelay $0x3  }
0x33: {  	p0 =	seq.s32 s10, $0x1;
	s10 =	sld [smem:$0x3FB2];
	_ =	sdelay $0x3  }
0x34: {  	[smem:$0x3FB2] =	sst s10  }
0x35: {  	s10 =	sld [smem:$0x3FB1];
	_ =	sdelay $0x3  }
0x36: {  	p1 =	seq.s32 s10, $0x1;
	s10 =	sld [smem:$0x3FB2];
	_ =	sdelay $0x3  }
0x37: {  	[smem:$0x3FB2] =	sst s10  }
0x38: {  	s10 =	sld [smem:$0x3FB3]  }
0x39: {  	_ = 	snop;
	(pc) =	sbr.ind lr, $3  }
0x3a: {  	_ = 	snop  }
0x3b: {  	_ = 	snop  }
0x3c: {  	p2 =	seq.s32 s10, $0x1;
	s10 =	sld [smem:$0x3FB2]  }
0x3d: {  	_ =	shalt  }
0x3e: {  	_ =	shalt  }
0x3f: {  	_ =	shalt  }
0x40: {  	_ =	shalt  }
0x41: {  	_ =	shalt  }
0x42: {  	_ =	shalt  }
0x43: {  	_ =	shalt  }
0x44: {  	_ =	shalt  }
0x45: {  	_ =	shalt  }
0x46: {  	_ =	shalt  }
0x47: {  	_ =	shalt  }
0x48: {  	_ =	shalt  }
0x49: {  	_ =	shalt  }
0x4a: {  	_ =	shalt  }
0x4b: {  	_ =	shalt  }
0x4c: {  	_ =	shalt  }
0x4d: {  	_ =	shalt  }
0x4e: {  	_ =	shalt  }
0x4f: {  	_ =	shalt  }
0x50: {  	_ =	shalt  }
0x51: {  	_ =	shalt  }
0x52: {  	_ =	shalt  }
0x53: {  	_ =	shalt  }
0x54: {  	_ =	shalt  }
0x55: {  	_ =	shalt  }
0x56: {  	_ =	shalt  }
0x57: {  	_ =	shalt  }
0x58: {  	_ =	shalt  }
0x59: {  	_ =	shalt  }
0x5a: {  	_ =	shalt  }
0x5b: {  	_ =	shalt  }
0x5c: {  	_ =	shalt  }
0x5d: {  	_ =	shalt  }
0x5e: {  	_ =	shalt  }
0x5f: {  	_ =	shalt  }
0x60: {  	_ =	shalt  }
0x61: {  	_ =	shalt  }
0x62: {  	_ =	shalt  }
0x63: {  	_ =	shalt  }
0x64: {  	_ =	shalt  }
0x65: {  	_ =	shalt  }
0x66: {  	_ =	shalt  }
0x67: {  	_ =	shalt  }
0x68: {  	_ =	shalt  }
0x69: {  	_ =	shalt  }
0x6a: {  	_ =	shalt  }
0x6b: {  	_ =	shalt  }
0x6c: {  	_ =	shalt  }
0x6d: {  	_ =	shalt  }
0x6e: {  	_ =	shalt  }
0x6f: {  	_ =	shalt  }
0x70: {  	_ =	shalt  }
0x71: {  	_ =	shalt  }
0x72: {  	_ =	shalt  }
0x73: {  	_ =	shalt  }
0x74: {  	_ =	shalt  }
0x75: {  	_ =	shalt  }
0x76: {  	_ =	shalt  }
0x77: {  	_ =	shalt  }
0x78: {  	_ =	shalt  }
0x79: {  	_ =	shalt  }
0x7a: {  	_ =	shalt  }
0x7b: {  	_ =	shalt  }
0x7c: {  	_ =	shalt  }
0x7d: {  	_ =	shalt  }
0x7e: {  	_ =	shalt  }
0x7f: {  	_ =	shalt  }
0x80: {  	_ =	shalt  }
0x81: {  	_ =	shalt  }
0x82: {  	_ =	shalt  }
0x83: {  	_ =	shalt  }
0x84: {  	_ =	shalt  }
0x85: {  	_ =	shalt  }
0x86: {  	_ =	shalt  }
0x87: {  	_ =	shalt  }
.Lfunc_end0:
.L_simem_size_0:
called_computation_lowered:
.L_overlay_start_0:
0x88: {  	s2 =	sld [smem:$0x3FD9]  }
0x89: {  	s3 =	sld [smem:$0x3FFE];
	_ =	sdelay $0x1  }
0x8a: {  	s1 =	srdreg.scid  }
0x8b: {  	s0 =	sand.u32 $0x1, s1  }
0x8c: {  	s17 =	sshll.u32 s0, $0xA;
	s2 =	sadd.s32 s3, s2  }
0x8d: {  	s2 =	sadd.s32 s2, s17  }
0x8e: {  	[smem:$0x3FBE] =	sst s2  }
0x8f: {  	_ = 	snop  }
0x90: {  	(tm) =	ssettm $0x1  }
0x91: {  	s18 =	sld [smem:$0x3FFB];
	_ =	sdelay $0x3  }
0x92: {  	_ =	strace s18  }
0x93: {  	s2 =	sld [smem:$0x3FFC];
	_ =	sdelay $0x3  }
0x94: {  	_ =	strace s2  }
0x95: {  	s2 =	sld [smem:$0x3FFD];
	_ =	sdelay $0x3  }
0x96: {  	_ =	strace s2  }
0x97: {  	_ =	strace $0x8FFFFFFF  }
0x98: {  	s19 =	sld [smem:$0x3FDB];
	_ =	sdelay $0x1  }
0x99: {  	s20 =	simm.s32 $_scs_section_size  }
0x9a: {  	s4 =	simm.s32 $_size__tile_overlayer_lowered;
	s5 =	simm.s32 $_tile_overlayer_lowered  }
0x9b: {  	s6 =	simm.s32 $0x1BFF;
	s21 =	sshll.u32 s5, $0x1;
	s3 =	sadd.s32 s20, s19  }
0x9c: {  	s22 =	simm.s32 $0x0;
	s4 =	sshll.u32 s4, $0x1;
	s5 =	sadd.s32 s21, s3  }
0x9d: {  	[timem:s22], [sflag:s6] =	dma.local [hbm:s5], s4  }
0x9e: {  	_ =	swait.ge [sflag:s6], s4  }
0x9f: {  	s4 =	ssub.s32 $0x0, s4;
	[sflag:s6] =	ssyncset.done $0x0  }
0xa0: {  	[sflag:s6] =	ssyncadd.s32 s4;
	_ =	sdelay $0x1  }
0xa1: {  	s23 =	simm.s32 $0x1B8B  }
0xa2: {  	_ =	swait.ge [sflag:s23], $0x1  }
0xa3: {  	[sflag:s23] =	ssyncset.done $0x0  }
0xa4: {  	[sflag:s23] =	ssyncadd.s32 $0xFFFFFFFF  }
0xa5: {  	s4 =	sld [smem:$0x0]  }
0xa6: {  	s5 =	sand.u32 $0xFFFFFFFE, s1  }
0xa7: {  	p0 =	sne.s32 s1, s5  }
0xa8: {  	s5 =	sshll.u32 @p0 s5, $0xE  }
0xa9: {  	s5 =	sadd.s32 @p0 $0x11B8D, s5;
	s6 =	sshll.u32 @p0 s4, $0x11  }
0xaa: {  	s5 =	sor.u32 @p0 s6, s5  }
0xab: {  	[sflag:s5] =	ssyncadd.remote.s32 @p0 $0x1;
	_ =	sdelay $0x1  }
0xac: {  	s5 =	simm.s32 @p0 $0x1B8D  }
0xad: {  	_ =	swait.eq @p0 [sflag:s5], $0x1  }
0xae: {  	[sflag:s5] =	ssyncadd.s32 @p0 $0xFFFFFFFF  }
0xaf: {  	s6 =	sshll.u32 @!p0 s1, $0xE  }
0xb0: {  	s6 =	sor.u32 @!p0 $0x4000, s6;
	s5 =	simm.s32 @!p0 $0x1B8D  }
0xb1: {  	s4 =	sshll.u32 @!p0 s4, $0x11;
	s6 =	sadd.s32 @!p0 $0x11B8D, s6;
	_ =	swait.eq @!p0 [sflag:s5], $0x1  }
0xb2: {  	s4 =	sor.u32 @!p0 s4, s6;
	[sflag:s5] =	ssyncadd.s32 @!p0 $0xFFFFFFFF  }
0xb3: {  	s25 =	simm.s32 $0x1B8E;
	s24 =	sld [smem:$0x3FFE];
	[sflag:s4] =	ssyncadd.remote.s32 @!p0 $0x1  }
0xb4: {  	s26 =	simm.s32 $execute0_lowered;
	[smem:$0x3FD2] =	sst s25  }
0xb5: {  	s5 =	sshll.u32 s26, $0x1;
	_ =	strace $0x80000049;
	[dreg:$0x1] =	wrdreg $0xFFFFFFFF  }
0xb6: {  	s28 =	simm.s32 $_size_execute0_lowered;
	s3 =	sadd.s32 s3, s5;
	[dreg:$0x0] =	wrdreg $0x0  }
0xb7: {  	s5 =	sshll.u32 s28, $0x1;
	[dreg:$0x2] =	wrdreg s3  }
0xb8: {  	[dreg:$0x3] =	wrdreg s5  }
0xb9: {  	[dreg:$0x4] =	wrdreg $0xC0  }
0xba: {  	_ =	task [dreg:s22], $0x5FFFF  }
0xbb: {  	[dreg:$0x1] =	wrdreg $0xFFFFFFFF  }
0xbc: {  	[dreg:$0x0] =	wrdreg $0x60  }
0xbd: {  	[dreg:$0x2] =	wrdreg s24  }
0xbe: {  	[dreg:$0x3] =	wrdreg $0x91000  }
0xbf: {  	[dreg:$0x4] =	wrdreg $0x9  }
0xc0: {  	_ =	task.clear_ibuf [dreg:s22], $0x5FFFF;
	_ =	strace $0x90000049  }
0xc1: {  	s29 =	simm.s32 $0x9;
	_ =	strace $0x8000004B  }
0xc2: {  	_ =	swait.ge [sflag:s29], $0x1  }
0xc3: {  	[sflag:s29] =	ssyncadd.s32 $0xFFFFFFFF  }
0xc4: {  	_ =	strace $0x9000004B  }
0xc5: {  	_ =	sfence  }
0xc6: {  	s30 =	sld [smem:$0x0];
	_ =	sdelay $0x2  }
0xc7: {  	s31 =	sshll.u32 s1, $0xD;
	s1 =	sshrl.u32 s1, $0x2  }
0xc8: {  	s4 =	sand.u32 $0x4000, s31;
	s1 =	sadd.s32 s1, s30  }
0xc9: {  	s0 =	sor.u32 s4, s0;
	s1 =	sshll.u32 s1, $0x11  }
0xca: {  	s0 =	sor.u32 s1, s0  }
0xcb: {  	s0 =	sadd.s32 $0x8F2B, s0  }
0xcc: {  	[sflag:s0] =	ssyncadd.remote.s32 $0x1  }
0xcd: {  	_ =	sfence.sel $0xFFFF  }
0xce: {  	[dreg:$0x0] =	wrdreg $0xFFFFFFFF;
	(pc) =	sbr.abs _section_cstart, $3  }
0xcf: {  	[dreg:$0x1] =	wrdreg $0xFFFFFFFF  }
0xd0: {  	_ =	task.clear_ibuf [dreg:s22], $0x2FFFF;
	_ =	strace $0x9FFFFFFF  }
0xd1: {  	(tm) =	ssettm $0x7FFFFFFF  }
tec
execute0_lowered:
.L_overlay_start_1:
0x0: {  	(tag) =	ssettag $0x1  }
0x1: {  	s0 =	rddreg [dreg:$0x0]  }
0x2: {  	s2 =	rddreg [dreg:$0x1]  }
0x3: {  	s3 =	simm.s32 $0x0;
	s1 =	srdreg.scid;
	s12 =	stileid.u32  }
0x4: {  	s28 =	simm.s32 $0x5;
	s29 =	simm.s32 $0x50;
	s5 =	smul.u32 $0x2710, s12  }
0x5: {  	s30 =	simm.s32 $0x100;
	s31 =	simm.s32 $0x80;
	s11 =	smul.u32 $0x14000, s12  }
0x6: {  	[smem:$0x7FF] =	sst s3;
	s1 =	sand.u32 $0x1, s1;
	s24 =	smul.u32 $0x50000, s12  }
0x7: {  	s6 =	sadd.s32 $0x16C00, s0;
	s4 =	sadd.s32 $0x548C00, s0;
	s7 =	smul.u32 $0x27100, s1  }
0x8: {  	s0 =	sadd.s32 $0x552A00, s0;
	s8 =	ssub.s32 $0x2, s1;
	s9 =	smul.u32 $0x140000, s1  }
0x9: {  	_ =	strace $0x8000004A;
	s1 =	smul.u32 $0x1388000, s1;
	s21 =	sshrl.u32 s8, $0x1  }
0xa: {  	s26 =	sadd.s32 $0x4000, s11;
	s14 =	sshrl.u32 s24, $0x2;
	s17 =	sadd.s32 $0x8000, s11  }
0xb: {  	s20 =	sadd.s32 $0xC000, s11;
	s5 =	sadd.s32 s5, s7;
	s7 =	ssub.s32 s8, s21  }
0xc: {  	s23 =	sadd.s32 s9, s11;
	s15 =	sadd.s32 s9, s26;
	s18 =	sadd.s32 s26, s2  }
0xd: {  	s19 =	sadd.s32 s9, s17;
	s21 =	sadd.s32 s17, s2;
	s8 =	simm.s32 $0x4  }
0xe: {  	s10 =	sshrl.u32 s5, $0x3;
	s7 =	smax.u32 s7, $0x1;
	[dreg:$0x8] =	wrdreg s18  }
0xf: {  	s25 =	sshrl.u32 s23, $0x3;
	s16 =	sshrl.u32 s15, $0x3;
	[dreg:$0xa] =	wrdreg s21  }
0x10: {  	s23 =	sadd.s32 $0x10000, s11;
	s15 =	sadd.s32 s20, s2;
	s26 =	sadd.s32 $0xF0, s5  }
0x11: {  	s13 =	sadd.s32 s4, s10;
	[dreg:$0x4] =	wrdreg s7;
	s7 =	sadd.s32 s6, s25  }
0x12: {  	s24 =	sadd.s32 s9, s23;
	s22 =	sadd.s32 $0xA, s13;
	[dreg:$0x5] =	wrdreg s7  }
0x13: {  	s18 =	sadd.s32 s23, s2;
	s7 =	sadd.s32 s14, s2;
	[dreg:$0x3] =	wrdreg s22  }
0x14: {  	s14 =	smul.u32 $0x138800, s12;
	s21 =	sadd.s32 $0x4D8, s13;
	[dreg:$0x6] =	wrdreg s7  }
0x15: {  	s7 =	sadd.s32 s6, s16;
	s22 =	sadd.s32 s9, s20;
	s9 =	simm.s32 $0x0  }
0x16: {  	[dreg:$0x7] =	wrdreg s7;
	s7 =	sshrl.u32 s19, $0x3;
	s1 =	sadd.s32 s14, s1  }
0x17: {  	s14 =	smov.u32 s13;
	s7 =	sadd.s32 s6, s7;
	s25 =	sshrl.u32 s1, $0x3  }
0x18: {  	s1 =	sadd.s32 $0x2800, s1;
	[dreg:$0x9] =	wrdreg s7;
	s7 =	sshrl.u32 s22, $0x3  }
0x19: {  	s16 =	sadd.s32 s25, s0;
	s1 =	sshrl.u32 s1, $0x3;
	s25 =	sadd.s32 $0xA0, s5  }
0x1a: {  	s7 =	sadd.s32 s6, s7;
	s19 =	sadd.s32 $0x26C00, s16;
	s20 =	sadd.s32 $0x26200, s16  }
0x1b: {  	s22 =	sadd.s32 s1, s0;
	s23 =	sadd.s32 $0x26700, s16;
	s0 =	simm.s32 $0x2900  }
0x1c: {  	s1 =	simm.s32 $0x1;
	[dreg:$0xb] =	wrdreg s7;
	s7 =	sshrl.u32 s24, $0x3  }
0x1d: {  	s17 =	sadd.s32 s6, s7;
	s6 =	sshrl.u32 s26, $0x3;
	s26 =	simm.s32 $0x5100  }
0x1e: {  	s7 =	simm.s32 $0x2;
	s24 =	sadd.s32 s6, s4;
	s6 =	simm.s32 $0x3  }
.LBB2_1:
0x1f: {  	s5 =	rddreg [dreg:$0x5]  }
0x20: {  	[tilespmem:s26], [sflag:$0x5] =	stream.linear.gather [hbm4b:s5+s3], $0x4000, $0x38;
	[tilespmem:$0x1D100] =	vst v63  }
0x21: {  	_ =	swait.ge [sflag:s28], $0x4000  }
0x22: {  	[sflag:s28] =	ssyncset.done $0x0  }
0x23: {  	s12 =	rddreg [dreg:$0x6];
	[sflag:s28] =	ssyncadd.s32 $0xFFFFC000  }
0x24: {  	[spmem:s12] =	stream.linear.scatter [tilespmem:s26], [sflag:$0x5], $0x4000, $0x38;
	[tilespmem:$0x1D100] =	vst v63  }
0x25: {  	_ =	swait.ge [sflag:s28], $0x4000  }
0x26: {  	[sflag:s28] =	ssyncset.done $0x0  }
0x27: {  	s13 =	rddreg [dreg:$0x7];
	[sflag:s28] =	ssyncadd.s32 $0xFFFFC000  }
0x28: {  	[tilespmem:s26], [sflag:$0x5] =	stream.linear.gather [hbm4b:s13+s3], $0x4000, $0x38;
	[tilespmem:$0x1D100] =	vst v63  }
0x29: {  	_ =	swait.ge [sflag:s28], $0x4000  }
0x2a: {  	[sflag:s28] =	ssyncset.done $0x0  }
0x2b: {  	s10 =	rddreg [dreg:$0x8];
	[sflag:s28] =	ssyncadd.s32 $0xFFFFC000  }
0x2c: {  	[spmem:s10] =	stream.linear.scatter [tilespmem:s26], [sflag:$0x5], $0x4000, $0x38;
	[tilespmem:$0x1D100] =	vst v63  }
0x2d: {  	_ =	swait.ge [sflag:s28], $0x4000  }
0x2e: {  	[sflag:s28] =	ssyncset.done $0x0  }
0x2f: {  	s11 =	rddreg [dreg:$0x9];
	[sflag:s28] =	ssyncadd.s32 $0xFFFFC000  }
0x30: {  	[tilespmem:s26], [sflag:$0x5] =	stream.linear.gather [hbm4b:s11+s3], $0x4000, $0x38;
	[tilespmem:$0x1D100] =	vst v63  }
0x31: {  	_ =	swait.ge [sflag:s28], $0x4000  }
0x32: {  	[sflag:s28] =	ssyncset.done $0x0  }
0x33: {  	s12 =	rddreg [dreg:$0xa];
	[sflag:s28] =	ssyncadd.s32 $0xFFFFC000  }
0x34: {  	[spmem:s12] =	stream.linear.scatter [tilespmem:s26], [sflag:$0x5], $0x4000, $0x38;
	[tilespmem:$0x1D100] =	vst v63  }
0x35: {  	_ =	swait.ge [sflag:s28], $0x4000  }
0x36: {  	[sflag:s28] =	ssyncset.done $0x0  }
0x37: {  	s13 =	rddreg [dreg:$0xb];
	[sflag:s28] =	ssyncadd.s32 $0xFFFFC000  }
0x38: {  	[tilespmem:s26], [sflag:$0x5] =	stream.linear.gather [hbm4b:s13+s3], $0x4000, $0x38;
	[tilespmem:$0x1D100] =	vst v63  }
0x39: {  	_ =	swait.ge [sflag:s28], $0x4000  }
0x3a: {  	[sflag:s28] =	ssyncset.done $0x0  }
0x3b: {  	[sflag:s28] =	ssyncadd.s32 $0xFFFFC000  }
0x3c: {  	[spmem:s15] =	stream.linear.scatter [tilespmem:s26], [sflag:$0x5], $0x4000, $0x38;
	[tilespmem:$0x1D100] =	vst v63  }
0x3d: {  	_ =	swait.ge [sflag:s28], $0x4000  }
0x3e: {  	[sflag:s28] =	ssyncset.done $0x0  }
0x3f: {  	[sflag:s28] =	ssyncadd.s32 $0xFFFFC000  }
0x40: {  	[tilespmem:s26], [sflag:$0x5] =	stream.linear.gather [hbm4b:s17+s3], $0x4000, $0x38;
	[tilespmem:$0x1D100] =	vst v63  }
0x41: {  	_ =	swait.ge [sflag:s28], $0x4000  }
0x42: {  	[sflag:s28] =	ssyncset.done $0x0  }
0x43: {  	[sflag:s28] =	ssyncadd.s32 $0xFFFFC000  }
0x44: {  	[spmem:s18] =	stream.linear.scatter [tilespmem:s26], [sflag:$0x5], $0x4000, $0x38;
	[tilespmem:$0x1D100] =	vst v63  }
0x45: {  	_ =	swait.ge [sflag:s28], $0x4000  }
0x46: {  	[sflag:s28] =	ssyncset.done $0x0  }
0x47: {  	[sflag:s28] =	ssyncadd.s32 $0xFFFFC000  }
0x48: {  	[bflag:$0x0] =	sbarrier.arrive $0xFFFF  }
0x49: {  	[tilespmem:s3], [sflag:$0x5] =	stream.linear.gather [hbm4b:s14+s3], $0x50, $0x38;
	[tilespmem:$0x1D100] =	vst v63  }
0x4a: {  	_ =	swait.ge [sflag:s28], $0x50  }
0x4b: {  	[sflag:s28] =	ssyncset.done $0x0  }
0x4c: {  	[sflag:s28] =	ssyncadd.s32 $0xFFFFFFB0  }
0x4d: {  	[tilespmem:s30], [sflag:$0x1] =	stream.indirect.gather [spmem:s2], $0x80, s3, s29, $0xb8;
	[tilespmem:$0x1D100] =	vst v63  }
0x4e: {  	s10 =	rddreg [dreg:$0x3]  }
0x4f: {  	[tilespmem:s31], [sflag:$0x5] =	stream.linear.gather [hbm4b:s10+s3], $0x50, $0x38;
	[tilespmem:$0x1D100] =	vst v63  }
0x50: {  	_ =	swait.ge [sflag:s28], $0x50  }
0x51: {  	[sflag:s28] =	ssyncset.done $0x0  }
0x52: {  	[sflag:s28] =	ssyncadd.s32 $0xFFFFFFB0  }
0x53: {  	[tilespmem:s0], [sflag:$0x2] =	stream.indirect.gather [spmem:s2], $0x80, s31, s29, $0xb8;
	[tilespmem:$0x1D100] =	vst v63  }
0x54: {  	_ =	swait.ge [sflag:s1], $0x2800  }
0x55: {  	[sflag:s1] =	ssyncset.done $0x0  }
0x56: {  	s11 =	sadd.s32 $0x0, s16;
	[sflag:s1] =	ssyncadd.s32 $0xFFFFD800  }
0x57: {  	[hbm4b:s11+s3] =	stream.linear.scatter [tilespmem:s30], [sflag:$0x3], $0x2800, $0x38;
	[tilespmem:$0x1D100] =	vst v63  }
0x58: {  	_ =	swait.ge [sflag:s6], $0x2800  }
0x59: {  	s12 =	sshrl.u32 s25, $0x3;
	[sflag:s6] =	ssyncset.done $0x0  }
0x5a: {  	s5 =	sadd.s32 s4, s12;
	[sflag:s6] =	ssyncadd.s32 $0xFFFFD800  }
0x5b: {  	[tilespmem:s3], [sflag:$0x5] =	stream.linear.gather [hbm4b:s5+s3], $0x50, $0x38;
	[tilespmem:$0x1D100] =	vst v63  }
0x5c: {  	_ =	swait.ge [sflag:s28], $0x50  }
0x5d: {  	[sflag:s28] =	ssyncset.done $0x0  }
0x5e: {  	[sflag:s28] =	ssyncadd.s32 $0xFFFFFFB0  }
0x5f: {  	[tilespmem:s30], [sflag:$0x1] =	stream.indirect.gather [spmem:s2], $0x80, s3, s29, $0xb8;
	[tilespmem:$0x1D100] =	vst v63  }
0x60: {  	_ =	swait.ge [sflag:s7], $0x2800  }
0x61: {  	[sflag:s7] =	ssyncset.done $0x0  }
0x62: {  	s13 =	sadd.s32 $0x0, s22;
	[sflag:s7] =	ssyncadd.s32 $0xFFFFD800  }
0x63: {  	[hbm4b:s13+s3] =	stream.linear.scatter [tilespmem:s0], [sflag:$0x4], $0x2800, $0x38;
	[tilespmem:$0x1D100] =	vst v63  }
0x64: {  	_ =	swait.ge [sflag:s8], $0x2800  }
0x65: {  	[sflag:s8] =	ssyncset.done $0x0  }
0x66: {  	[sflag:s8] =	ssyncadd.s32 $0xFFFFD800  }
0x67: {  	[tilespmem:s31], [sflag:$0x5] =	stream.linear.gather [hbm4b:s24+s3], $0x50, $0x38;
	[tilespmem:$0x1D100] =	vst v63  }
0x68: {  	_ =	swait.ge [sflag:s28], $0x50  }
0x69: {  	s10 =	simm.s32 $0xA00;
	[sflag:s28] =	ssyncset.done $0x0  }
0x6a: {  	s11 =	sadd.s32 $0xA0, s25;
	s5 =	sadd.s32 $0x14, s24;
	[sflag:s28] =	ssyncadd.s32 $0xFFFFFFB0  }
.LBB2_2:
0x6b: {  	[tilespmem:s0], [sflag:$0x2] =	stream.indirect.gather [spmem:s2], $0x80, s31, s29, $0xb8;
	[tilespmem:$0x1D100] =	vst v63  }
0x6c: {  	s12 =	smov.u32 s10  }
0x6d: {  	p0 =	sne.s32 s10, $0x25800;
	s10 =	sadd.s32 $0xA00, s10;
	_ =	swait.ge [sflag:s1], $0x2800  }
0x6e: {  	[sflag:s1] =	ssyncset.done $0x0  }
0x6f: {  	s13 =	sadd.s32 s12, s16;
	[sflag:s1] =	ssyncadd.s32 $0xFFFFD800  }
0x70: {  	[hbm4b:s13+s3] =	stream.linear.scatter [tilespmem:s30], [sflag:$0x3], $0x2800, $0x38;
	[tilespmem:$0x1D100] =	vst v63  }
0x71: {  	_ =	swait.ge [sflag:s6], $0x2800  }
0x72: {  	s13 =	sshrl.u32 s11, $0x3;
	[sflag:s6] =	ssyncset.done $0x0  }
0x73: {  	s13 =	sadd.s32 s4, s13;
	[sflag:s6] =	ssyncadd.s32 $0xFFFFD800  }
0x74: {  	[tilespmem:s3], [sflag:$0x5] =	stream.linear.gather [hbm4b:s13+s3], $0x50, $0x38;
	[tilespmem:$0x1D100] =	vst v63  }
0x75: {  	_ =	swait.ge [sflag:s28], $0x50  }
0x76: {  	[sflag:s28] =	ssyncset.done $0x0  }
0x77: {  	[sflag:s28] =	ssyncadd.s32 $0xFFFFFFB0  }
0x78: {  	[tilespmem:s30], [sflag:$0x1] =	stream.indirect.gather [spmem:s2], $0x80, s3, s29, $0xb8;
	[tilespmem:$0x1D100] =	vst v63  }
0x79: {  	_ =	swait.ge [sflag:s7], $0x2800  }
0x7a: {  	[sflag:s7] =	ssyncset.done $0x0  }
0x7b: {  	s12 =	sadd.s32 s12, s22;
	[sflag:s7] =	ssyncadd.s32 $0xFFFFD800  }
0x7c: {  	[hbm4b:s12+s3] =	stream.linear.scatter [tilespmem:s0], [sflag:$0x4], $0x2800, $0x38;
	[tilespmem:$0x1D100] =	vst v63  }
0x7d: {  	_ =	swait.ge [sflag:s8], $0x2800  }
0x7e: {  	[sflag:s8] =	ssyncset.done $0x0  }
.Ltmp0:
0x7f: {  	[sflag:s8] =	ssyncadd.s32 $0xFFFFD800;
	(pc) =	sbr.rel @p0 .LBB2_2-.Ltmp0, $4  }
0x80: {  	[tilespmem:s31], [sflag:$0x5] =	stream.linear.gather [hbm4b:s5+s3], $0x50, $0x38;
	[tilespmem:$0x1D100] =	vst v63  }
0x81: {  	_ =	swait.ge [sflag:s28], $0x50  }
0x82: {  	[sflag:s28] =	ssyncset.done $0x0  }
0x83: {  	s11 =	sadd.s32 $0xA0, s11;
	s5 =	sadd.s32 $0x14, s5;
	[sflag:s28] =	ssyncadd.s32 $0xFFFFFFB0  }
0x84: {  	[tilespmem:s0], [sflag:$0x2] =	stream.indirect.gather [spmem:s2], $0x80, s31, s29, $0xb8;
	[tilespmem:$0x1D100] =	vst v63  }
0x85: {  	_ =	swait.ge [sflag:s1], $0x2800  }
0x86: {  	[sflag:s1] =	ssyncset.done $0x0  }
0x87: {  	[sflag:s1] =	ssyncadd.s32 $0xFFFFD800  }
0x88: {  	[hbm4b:s20+s3] =	stream.linear.scatter [tilespmem:s30], [sflag:$0x3], $0x2800, $0x38;
	[tilespmem:$0x1D100] =	vst v63  }
0x89: {  	_ =	swait.ge [sflag:s6], $0x2800  }
0x8a: {  	[sflag:s6] =	ssyncset.done $0x0  }
0x8b: {  	[sflag:s6] =	ssyncadd.s32 $0xFFFFD800  }
0x8c: {  	[tilespmem:s3], [sflag:$0x5] =	stream.linear.gather [hbm4b:s21+s3], $0x50, $0x38;
	[tilespmem:$0x1D100] =	vst v63  }
0x8d: {  	_ =	swait.ge [sflag:s28], $0x50  }
0x8e: {  	[sflag:s28] =	ssyncset.done $0x0  }
0x8f: {  	[sflag:s28] =	ssyncadd.s32 $0xFFFFFFB0  }
0x90: {  	[tilespmem:s30], [sflag:$0x1] =	stream.indirect.gather [spmem:s2], $0x80, s3, s29, $0xb8;
	[tilespmem:$0x1D100] =	vst v63  }
0x91: {  	_ =	swait.ge [sflag:s7], $0x2800  }
0x92: {  	[sflag:s7] =	ssyncset.done $0x0  }
0x93: {  	[sflag:s7] =	ssyncadd.s32 $0xFFFFD800  }
0x94: {  	[hbm4b:s23+s3] =	stream.linear.scatter [tilespmem:s0], [sflag:$0x4], $0x2800, $0x38;
	[tilespmem:$0x1D100] =	vst v63  }
0x95: {  	_ =	swait.ge [sflag:s8], $0x2800  }
0x96: {  	[sflag:s8] =	ssyncset.done $0x0  }
0x97: {  	[sflag:s8] =	ssyncadd.s32 $0xFFFFD800  }
0x98: {  	_ =	swait.ge [sflag:s1], $0x2800  }
0x99: {  	[sflag:s1] =	ssyncset.done $0x0  }
0x9a: {  	[sflag:s1] =	ssyncadd.s32 $0xFFFFD800  }
0x9b: {  	[hbm4b:s19+s3] =	stream.linear.scatter [tilespmem:s30], [sflag:$0x3], $0x2800, $0x38;
	[tilespmem:$0x1D100] =	vst v63  }
0x9c: {  	_ =	swait.ge [sflag:s6], $0x2800  }
0x9d: {  	s9 =	sadd.s32 $0x1, s9;
	s5 =	rddreg [dreg:$0x4]  }
0x9e: {  	p0 =	sne.s32 s9, s5  }
.Ltmp1:
0x9f: {  	_ = 	snop;
	(pc) =	sbr.rel @p0 .LBB2_1-.Ltmp1, $3  }
0xa0: {  	_ =	sdelay $0x1  }
0xa1: {  	[sflag:s6] =	ssyncset.done $0x0  }
0xa2: {  	[sflag:s6] =	ssyncadd.s32 $0xFFFFD800  }
0xa3: {  	_ =	sfence.sel $0x180000  }
0xa4: {  	[bflag:$0x0] =	sbarrier.arrive $0xFFFF  }
0xa5: {  	_ =	strace $0x9000004A  }
0xa6: {  	s0 =	stileid.u32;
	[bflag:$0x2] =	sbarrier.arrive $0xFFFF  }
0xa7: {  	p0 =	sne.s32 s0, $0x0;
	s0 =	rddreg [dreg:$0x2]  }
0xa8: {  	s0 =	sadd.s32 @!p0 $0x100000, s0  }
0xa9: {  	[sflag:s0] =	ssyncadd.tile.s32 @!p0 $0x1;
	_ =	shalt  }
.Lfunc_end2:
_tile_overlayer_lowered:
.L_overlay_start_2:
0xaa: {  	(tag) =	ssettag $0x2  }
0xab: {  	s0 =	rddreg [dreg:$0x0];
	s2 =	stileid.u32  }
0xac: {  	s1 =	rddreg [dreg:$0x1];
	p0 =	sne.s32 s2, $0x0  }
0xad: {  	s3 =	rddreg [dreg:$0x2];
	[bflag:$0x3] =	sbarrier.arrive $0xFFFF;
	s2 =	simm.s32 @!p0 $0x1C05  }
0xae: {  	[timem:s3], [sflag:s2] =	dma.local @!p0 [hbm:s0], s1  }
0xaf: {  	s0 =	simm.s32 @!p0 $0x5  }
0xb0: {  	_ =	swait.ge @!p0 [sflag:s0], s1  }
0xb1: {  	s1 =	ssub.s32 @!p0 $0x0, s1;
	[sflag:s0] =	ssyncset.done @!p0 $0x0  }
0xb2: {  	[sflag:s0] =	ssyncadd.s32 @!p0 s1  }
0xb3: {  	[bflag:$0x3] =	sbarrier.arrive $0xFFFF  }
0xb4: {  	_ =	shalt  }

// kernel: kernel.13.cloned.1.call-start
scs
__scs_entry_jumppad:
0x0: {  	(pc) =	sbr.rel $0x88, $3  }
0x1: {  	(tag) =	ssettag $0x0;
	lr =	simm.s32 $0x1  }
0x2: {  	[smem:$0x3F97] =	sst lr;
	_ =	strace $0xD0000000  }
0x3: {  	_ = 	snop  }
0x4: {  	_ = 	snop  }
0x5: {  	_ = 	snop  }
0x6: {  	_ = 	snop  }
0x7: {  	_ = 	snop  }
__scs_overlays_trampoline_lowered:
0x8: {  	[smem:$0x3FA6] =	sst s0  }
0x9: {  	[smem:$0x3FA7] =	sst s1  }
0xa: {  	[smem:$0x3FA8] =	sst s2  }
0xb: {  	[smem:$0x3FA9] =	sst s3  }
0xc: {  	[smem:$0x3FAA] =	sst s4  }
0xd: {  	[smem:$0x3FAB] =	sst s5  }
0xe: {  	[smem:$0x3FAC] =	sst s6  }
0xf: {  	[smem:$0x3FAD] =	sst s7  }
0x10: {  	[smem:$0x3FAE] =	sst s8  }
0x11: {  	[smem:$0x3FAF] =	sst s9;
	s0 =	simm.s32 @!p0 $0x0  }
0x12: {  	s1 =	sld [smem:$0x3F95];
	s0 =	simm.s32 @p0 $0x1  }
0x13: {  	[smem:$0x3FB0] =	sst s0;
	s0 =	simm.s32 @!p1 $0x0  }
0x14: {  	s2 =	sld [smem:$0x3F94];
	s0 =	simm.s32 @p1 $0x1  }
0x15: {  	[smem:$0x3FB1] =	sst s0;
	s0 =	simm.s32 @!p2 $0x0  }
0x16: {  	s3 =	sld [smem:$0x3FDB];
	s0 =	simm.s32 @p2 $0x1  }
0x17: {  	s4 =	simm.s32 $0x1BF5;
	[smem:$0x3FB3] =	sst s0  }
0x18: {  	s0 =	sld [smem:$0x3F96];
	_ =	swait.ge [sflag:s4], $0x0  }
0x19: {  	s7 =	sld [smem:$0x3F97]  }
0x1a: {  	s8 =	sadd.s32 $0xFFFFE003, lr  }
0x1b: {  	s9 =	sadd.s32 $0xFFFFFEF7, lr;
	s5 =	simm.s32 $0xFFFFFFFF;
	p2 =	slt.u32 s8, $0xFFFFF086  }
0x1c: {  	p1 =	slt.u32 s9, $0xF7A;
	s5 =	simm.s32 @!p2 $0x0  }
0x1d: {  	s5 =	simm.s32 @p1 $0x1;
	p0 =	seq.s32 s7, s2  }
0x1e: {  	s7 =	smul.u32 @!p0 $0xF7A, s2;
	p2 =	seq.s32 @!p0 s5, $0x0  }
0x1f: {  	s9 =	smul.u32 $0xF7A, s1;
	s8 =	simm.s32 @!p0 $0x1BF5;
	p2 =	por !p2, p0  }
0x20: {  	[sflag:s8] =	ssyncset.s32 @!p0 $0xFFFFF086;
	s6 =	sadd.s32 @!p0 s3, s7;
	s7 =	simm.s32 @!p0 $0x108  }
0x21: {  	s3 =	sadd.s32 s3, s9;
	s6 =	sadd.s32 @!p0 $0x88, s6;
	s7 =	simm.s32 @p2 $0x1082  }
0x22: {  	[simem:s7], [sflag:s8] =	dma.local @!p0 [hbm:s6], $0xF7A  }
0x23: {  	s9 =	sor.u32 $0xD0000000, s2;
	s6 =	simm.s32 $0x108;
	_ =	swait.ge @!p0 [sflag:s8], $0x0  }
0x24: {  	s3 =	sadd.s32 $0x88, s3;
	s6 =	simm.s32 @!p1 $0x1082;
	[sflag:s4] =	ssyncset.s32 $0xFFFFF086  }
0x25: {  	[simem:s6], [sflag:s4] =	dma.local [hbm:s3], $0xF7A  }
0x26: {  	[smem:$0x3F97] =	sst s1;
	(tag) =	ssettag s2;
	_ =	strace s9  }
0x27: {  	s1 =	sld [smem:$0x3FA7]  }
0x28: {  	s2 =	sld [smem:$0x3FA8]  }
0x29: {  	s4 =	sld [smem:$0x3FAA]  }
0x2a: {  	p0 =	seq.s32 s5, $0x0;
	s5 =	sld [smem:$0x3FAB]  }
0x2b: {  	s6 =	sld [smem:$0x3FAC]  }
0x2c: {  	s7 =	sld [smem:$0x3FAD]  }
0x2d: {  	s3 =	simm.s32 $0x108;
	s8 =	sld [smem:$0x3FAE]  }
0x2e: {  	s3 =	simm.s32 @!p0 $0x1082;
	s9 =	sld [smem:$0x3FAF]  }
0x2f: {  	lr =	sadd.s32 s0, s3;
	s0 =	sld [smem:$0x3FA6]  }
0x30: {  	s3 =	sld [smem:$0x3FA9]  }
0x31: {  	[smem:$0x3FB2] =	sst s10  }
0x32: {  	s10 =	sld [smem:$0x3FB0];
	_ =	sdelay $0x3  }
0x33: {  	p0 =	seq.s32 s10, $0x1;
	s10 =	sld [smem:$0x3FB2];
	_ =	sdelay $0x3  }
0x34: {  	[smem:$0x3FB2] =	sst s10  }
0x35: {  	s10 =	sld [smem:$0x3FB1];
	_ =	sdelay $0x3  }
0x36: {  	p1 =	seq.s32 s10, $0x1;
	s10 =	sld [smem:$0x3FB2];
	_ =	sdelay $0x3  }
0x37: {  	[smem:$0x3FB2] =	sst s10  }
0x38: {  	s10 =	sld [smem:$0x3FB3]  }
0x39: {  	_ = 	snop;
	(pc) =	sbr.ind lr, $3  }
0x3a: {  	_ = 	snop  }
0x3b: {  	_ = 	snop  }
0x3c: {  	p2 =	seq.s32 s10, $0x1;
	s10 =	sld [smem:$0x3FB2]  }
0x3d: {  	_ =	shalt  }
0x3e: {  	_ =	shalt  }
0x3f: {  	_ =	shalt  }
0x40: {  	_ =	shalt  }
0x41: {  	_ =	shalt  }
0x42: {  	_ =	shalt  }
0x43: {  	_ =	shalt  }
0x44: {  	_ =	shalt  }
0x45: {  	_ =	shalt  }
0x46: {  	_ =	shalt  }
0x47: {  	_ =	shalt  }
0x48: {  	_ =	shalt  }
0x49: {  	_ =	shalt  }
0x4a: {  	_ =	shalt  }
0x4b: {  	_ =	shalt  }
0x4c: {  	_ =	shalt  }
0x4d: {  	_ =	shalt  }
0x4e: {  	_ =	shalt  }
0x4f: {  	_ =	shalt  }
0x50: {  	_ =	shalt  }
0x51: {  	_ =	shalt  }
0x52: {  	_ =	shalt  }
0x53: {  	_ =	shalt  }
0x54: {  	_ =	shalt  }
0x55: {  	_ =	shalt  }
0x56: {  	_ =	shalt  }
0x57: {  	_ =	shalt  }
0x58: {  	_ =	shalt  }
0x59: {  	_ =	shalt  }
0x5a: {  	_ =	shalt  }
0x5b: {  	_ =	shalt  }
0x5c: {  	_ =	shalt  }
0x5d: {  	_ =	shalt  }
0x5e: {  	_ =	shalt  }
0x5f: {  	_ =	shalt  }
0x60: {  	_ =	shalt  }
0x61: {  	_ =	shalt  }
0x62: {  	_ =	shalt  }
0x63: {  	_ =	shalt  }
0x64: {  	_ =	shalt  }
0x65: {  	_ =	shalt  }
0x66: {  	_ =	shalt  }
0x67: {  	_ =	shalt  }
0x68: {  	_ =	shalt  }
0x69: {  	_ =	shalt  }
0x6a: {  	_ =	shalt  }
0x6b: {  	_ =	shalt  }
0x6c: {  	_ =	shalt  }
0x6d: {  	_ =	shalt  }
0x6e: {  	_ =	shalt  }
0x6f: {  	_ =	shalt  }
0x70: {  	_ =	shalt  }
0x71: {  	_ =	shalt  }
0x72: {  	_ =	shalt  }
0x73: {  	_ =	shalt  }
0x74: {  	_ =	shalt  }
0x75: {  	_ =	shalt  }
0x76: {  	_ =	shalt  }
0x77: {  	_ =	shalt  }
0x78: {  	_ =	shalt  }
0x79: {  	_ =	shalt  }
0x7a: {  	_ =	shalt  }
0x7b: {  	_ =	shalt  }
0x7c: {  	_ =	shalt  }
0x7d: {  	_ =	shalt  }
0x7e: {  	_ =	shalt  }
0x7f: {  	_ =	shalt  }
0x80: {  	_ =	shalt  }
0x81: {  	_ =	shalt  }
0x82: {  	_ =	shalt  }
0x83: {  	_ =	shalt  }
0x84: {  	_ =	shalt  }
0x85: {  	_ =	shalt  }
0x86: {  	_ =	shalt  }
0x87: {  	_ =	shalt  }
.Lfunc_end0:
.L_simem_size_0:
called_computation.1_lowered:
.L_overlay_start_0:
0x88: {  	s2 =	sld [smem:$0x3FD9]  }
0x89: {  	s3 =	sld [smem:$0x3FFE];
	_ =	sdelay $0x1  }
0x8a: {  	s1 =	srdreg.scid  }
0x8b: {  	s0 =	sand.u32 $0x1, s1  }
0x8c: {  	s16 =	sshll.u32 s0, $0xA;
	s2 =	sadd.s32 s3, s2  }
0x8d: {  	s2 =	sadd.s32 s2, s16  }
0x8e: {  	[smem:$0x3FBE] =	sst s2  }
0x8f: {  	_ = 	snop  }
0x90: {  	(tm) =	ssettm $0x1  }
0x91: {  	s17 =	sld [smem:$0x3FFB];
	_ =	sdelay $0x3  }
0x92: {  	_ =	strace s17  }
0x93: {  	s2 =	sld [smem:$0x3FFC];
	_ =	sdelay $0x3  }
0x94: {  	_ =	strace s2  }
0x95: {  	s2 =	sld [smem:$0x3FFD];
	_ =	sdelay $0x3  }
0x96: {  	_ =	strace s2  }
0x97: {  	_ =	strace $0x8FFFFFFF  }
0x98: {  	s18 =	sld [smem:$0x3FDB];
	_ =	sdelay $0x1  }
0x99: {  	s19 =	simm.s32 $_scs_section_size  }
0x9a: {  	s4 =	simm.s32 $_size__tile_overlayer_lowered;
	s5 =	simm.s32 $_tile_overlayer_lowered  }
0x9b: {  	s22 =	simm.s32 $0x1BFF;
	s21 =	sshll.u32 s5, $0x1;
	s2 =	sadd.s32 s19, s18  }
0x9c: {  	s6 =	simm.s32 $0x0;
	s20 =	sshll.u32 s4, $0x1;
	s4 =	sadd.s32 s21, s2  }
0x9d: {  	[timem:s6], [sflag:s22] =	dma.local [hbm:s4], s20  }
0x9e: {  	_ =	swait.ge [sflag:s22], s20  }
0x9f: {  	s3 =	ssub.s32 $0x0, s20;
	[sflag:s22] =	ssyncset.done $0x0  }
0xa0: {  	[sflag:s22] =	ssyncadd.s32 s3;
	_ =	sdelay $0x1  }
0xa1: {  	s23 =	simm.s32 $0x1B8B  }
0xa2: {  	_ =	swait.ge [sflag:s23], $0x1  }
0xa3: {  	[sflag:s23] =	ssyncset.done $0x0  }
0xa4: {  	s25 =	simm.s32 $0x1B8E;
	s24 =	sld [smem:$0x3FFE];
	[sflag:s23] =	ssyncadd.s32 $0xFFFFFFFF  }
0xa5: {  	s26 =	simm.s32 $execute0_lowered;
	[smem:$0x3FD2] =	sst s25  }
0xa6: {  	s4 =	sshll.u32 s26, $0x1;
	_ =	strace $0x80000046;
	[dreg:$0x1] =	wrdreg $0xFFFFFFFF  }
0xa7: {  	s28 =	simm.s32 $_size_execute0_lowered;
	s2 =	sadd.s32 s2, s4;
	[dreg:$0x0] =	wrdreg $0x0  }
0xa8: {  	s4 =	sshll.u32 s28, $0x1;
	[dreg:$0x2] =	wrdreg s2  }
0xa9: {  	[dreg:$0x3] =	wrdreg s4  }
0xaa: {  	[dreg:$0x4] =	wrdreg $0xC0  }
0xab: {  	_ =	task [dreg:s6], $0x5FFFF  }
0xac: {  	[dreg:$0x1] =	wrdreg $0xFFFFFFFF  }
0xad: {  	[dreg:$0x0] =	wrdreg $0x60  }
0xae: {  	[dreg:$0x2] =	wrdreg s24  }
0xaf: {  	[dreg:$0x3] =	wrdreg $0x91000  }
0xb0: {  	[dreg:$0x4] =	wrdreg $0xA  }
0xb1: {  	_ =	task.clear_ibuf [dreg:s6], $0x5FFFF;
	_ =	strace $0x90000046  }
0xb2: {  	s29 =	simm.s32 $0xA;
	_ =	strace $0x80000048  }
0xb3: {  	_ =	swait.ge [sflag:s29], $0x1  }
0xb4: {  	[sflag:s29] =	ssyncadd.s32 $0xFFFFFFFF  }
0xb5: {  	_ =	strace $0x90000048  }
0xb6: {  	_ =	sfence  }
0xb7: {  	s30 =	sld [smem:$0x0];
	_ =	sdelay $0x2  }
0xb8: {  	s31 =	sshll.u32 s1, $0xD;
	s1 =	sshrl.u32 s1, $0x2  }
0xb9: {  	s3 =	sand.u32 $0x4000, s31;
	s1 =	sadd.s32 s1, s30  }
0xba: {  	s0 =	sor.u32 s3, s0;
	s1 =	sshll.u32 s1, $0x11  }
0xbb: {  	s0 =	sor.u32 s1, s0  }
0xbc: {  	s0 =	sadd.s32 $0x8F2B, s0  }
0xbd: {  	[sflag:s0] =	ssyncadd.remote.s32 $0x1  }
0xbe: {  	_ =	sfence.sel $0xFFFF  }
0xbf: {  	[dreg:$0x0] =	wrdreg $0xFFFFFFFF;
	(pc) =	sbr.abs _section_cstart, $3  }
0xc0: {  	[dreg:$0x1] =	wrdreg $0xFFFFFFFF  }
0xc1: {  	_ =	task.clear_ibuf [dreg:s6], $0x2FFFF;
	_ =	strace $0x9FFFFFFF  }
0xc2: {  	(tm) =	ssettm $0x7FFFFFFF  }
0xc3: {  	_ =	shalt  }
tec
execute0_lowered:
.L_overlay_start_1:
0x0: {  	(tag) =	ssettag $0x1  }
0x1: {  	s0 =	rddreg [dreg:$0x0]  }
0x2: {  	s2 =	rddreg [dreg:$0x1]  }
0x3: {  	s3 =	simm.s32 $0x0;
	s1 =	srdreg.scid;
	s12 =	stileid.u32  }
0x4: {  	s28 =	simm.s32 $0x5;
	s29 =	simm.s32 $0x50;
	s5 =	smul.u32 $0x2710, s12  }
0x5: {  	s30 =	simm.s32 $0x100;
	s31 =	simm.s32 $0x80;
	s11 =	smul.u32 $0x14000, s12  }
0x6: {  	[smem:$0x7FF] =	sst s3;
	s1 =	sand.u32 $0x1, s1;
	s24 =	smul.u32 $0x50000, s12  }
0x7: {  	s7 =	sadd.s32 $0x16C00, s0;
	s4 =	sadd.s32 $0xCE00, s0;
	s6 =	smul.u32 $0x27100, s1  }
0x8: {  	s0 =	sadd.s32 $0x66C00, s0;
	s8 =	ssub.s32 $0x2, s1;
	s9 =	smul.u32 $0x140000, s1  }
0x9: {  	_ =	strace $0x80000047;
	s1 =	smul.u32 $0x1388000, s1;
	s21 =	sshrl.u32 s8, $0x1  }
0xa: {  	s26 =	sadd.s32 $0x4000, s11;
	s14 =	sshrl.u32 s24, $0x2;
	s17 =	sadd.s32 $0x8000, s11  }
0xb: {  	s20 =	sadd.s32 $0xC000, s11;
	s5 =	sadd.s32 s5, s6;
	s6 =	ssub.s32 s8, s21  }
0xc: {  	s23 =	sadd.s32 s9, s11;
	s15 =	sadd.s32 s9, s26;
	s18 =	sadd.s32 s26, s2  }
0xd: {  	s19 =	sadd.s32 s9, s17;
	s21 =	sadd.s32 s17, s2;
	s8 =	simm.s32 $0x4  }
0xe: {  	s10 =	sshrl.u32 s5, $0x3;
	s6 =	smax.u32 s6, $0x1;
	[dreg:$0x8] =	wrdreg s18  }
0xf: {  	s25 =	sshrl.u32 s23, $0x3;
	s16 =	sshrl.u32 s15, $0x3;
	[dreg:$0xa] =	wrdreg s21  }
0x10: {  	s23 =	sadd.s32 $0x10000, s11;
	s15 =	sadd.s32 s20, s2;
	s26 =	sadd.s32 $0xF0, s5  }
0x11: {  	s13 =	sadd.s32 s4, s10;
	[dreg:$0x4] =	wrdreg s6;
	s6 =	sadd.s32 s7, s25  }
0x12: {  	s24 =	sadd.s32 s9, s23;
	s22 =	sadd.s32 $0xA, s13;
	[dreg:$0x5] =	wrdreg s6  }
0x13: {  	s18 =	sadd.s32 s23, s2;
	s6 =	sadd.s32 s14, s2;
	[dreg:$0x3] =	wrdreg s22  }
0x14: {  	s14 =	smul.u32 $0x138800, s12;
	s21 =	sadd.s32 $0x4D8, s13;
	[dreg:$0x6] =	wrdreg s6  }
0x15: {  	s6 =	sadd.s32 s7, s16;
	s22 =	sadd.s32 s9, s20;
	s9 =	simm.s32 $0x0  }
0x16: {  	[dreg:$0x7] =	wrdreg s6;
	s6 =	sshrl.u32 s19, $0x3;
	s1 =	sadd.s32 s14, s1  }
0x17: {  	s14 =	smov.u32 s13;
	s6 =	sadd.s32 s7, s6;
	s25 =	sshrl.u32 s1, $0x3  }
0x18: {  	s1 =	sadd.s32 $0x2800, s1;
	[dreg:$0x9] =	wrdreg s6;
	s6 =	sshrl.u32 s22, $0x3  }
0x19: {  	s16 =	sadd.s32 s25, s0;
	s1 =	sshrl.u32 s1, $0x3;
	s25 =	sadd.s32 $0xA0, s5  }
0x1a: {  	s6 =	sadd.s32 s7, s6;
	s19 =	sadd.s32 $0x26C00, s16;
	s20 =	sadd.s32 $0x26200, s16  }
0x1b: {  	s22 =	sadd.s32 s1, s0;
	s23 =	sadd.s32 $0x26700, s16;
	s0 =	simm.s32 $0x2900  }
0x1c: {  	s1 =	simm.s32 $0x1;
	[dreg:$0xb] =	wrdreg s6;
	s6 =	sshrl.u32 s24, $0x3  }
0x1d: {  	s17 =	sadd.s32 s7, s6;
	s6 =	sshrl.u32 s26, $0x3;
	s26 =	simm.s32 $0x5100  }
0x1e: {  	s7 =	simm.s32 $0x2;
	s24 =	sadd.s32 s6, s4;
	s6 =	simm.s32 $0x3  }
.LBB2_1:
0x1f: {  	s5 =	rddreg [dreg:$0x5]  }
0x20: {  	[tilespmem:s26], [sflag:$0x5] =	stream.linear.gather [hbm4b:s5+s3], $0x4000, $0x38;
	[tilespmem:$0x1D100] =	vst v63  }
0x21: {  	_ =	swait.ge [sflag:s28], $0x4000  }
0x22: {  	[sflag:s28] =	ssyncset.done $0x0  }
0x23: {  	s12 =	rddreg [dreg:$0x6];
	[sflag:s28] =	ssyncadd.s32 $0xFFFFC000  }
0x24: {  	[spmem:s12] =	stream.linear.scatter [tilespmem:s26], [sflag:$0x5], $0x4000, $0x38;
	[tilespmem:$0x1D100] =	vst v63  }
0x25: {  	_ =	swait.ge [sflag:s28], $0x4000  }
0x26: {  	[sflag:s28] =	ssyncset.done $0x0  }
0x27: {  	s13 =	rddreg [dreg:$0x7];
	[sflag:s28] =	ssyncadd.s32 $0xFFFFC000  }
0x28: {  	[tilespmem:s26], [sflag:$0x5] =	stream.linear.gather [hbm4b:s13+s3], $0x4000, $0x38;
	[tilespmem:$0x1D100] =	vst v63  }
0x29: {  	_ =	swait.ge [sflag:s28], $0x4000  }
0x2a: {  	[sflag:s28] =	ssyncset.done $0x0  }
0x2b: {  	s10 =	rddreg [dreg:$0x8];
	[sflag:s28] =	ssyncadd.s32 $0xFFFFC000  }
0x2c: {  	[spmem:s10] =	stream.linear.scatter [tilespmem:s26], [sflag:$0x5], $0x4000, $0x38;
	[tilespmem:$0x1D100] =	vst v63  }
0x2d: {  	_ =	swait.ge [sflag:s28], $0x4000  }
0x2e: {  	[sflag:s28] =	ssyncset.done $0x0  }
0x2f: {  	s11 =	rddreg [dreg:$0x9];
	[sflag:s28] =	ssyncadd.s32 $0xFFFFC000  }
0x30: {  	[tilespmem:s26], [sflag:$0x5] =	stream.linear.gather [hbm4b:s11+s3], $0x4000, $0x38;
	[tilespmem:$0x1D100] =	vst v63  }
0x31: {  	_ =	swait.ge [sflag:s28], $0x4000  }
0x32: {  	[sflag:s28] =	ssyncset.done $0x0  }
0x33: {  	s12 =	rddreg [dreg:$0xa];
	[sflag:s28] =	ssyncadd.s32 $0xFFFFC000  }
0x34: {  	[spmem:s12] =	stream.linear.scatter [tilespmem:s26], [sflag:$0x5], $0x4000, $0x38;
	[tilespmem:$0x1D100] =	vst v63  }
0x35: {  	_ =	swait.ge [sflag:s28], $0x4000  }
0x36: {  	[sflag:s28] =	ssyncset.done $0x0  }
0x37: {  	s13 =	rddreg [dreg:$0xb];
	[sflag:s28] =	ssyncadd.s32 $0xFFFFC000  }
0x38: {  	[tilespmem:s26], [sflag:$0x5] =	stream.linear.gather [hbm4b:s13+s3], $0x4000, $0x38;
	[tilespmem:$0x1D100] =	vst v63  }
0x39: {  	_ =	swait.ge [sflag:s28], $0x4000  }
0x3a: {  	[sflag:s28] =	ssyncset.done $0x0  }
0x3b: {  	[sflag:s28] =	ssyncadd.s32 $0xFFFFC000  }
0x3c: {  	[spmem:s15] =	stream.linear.scatter [tilespmem:s26], [sflag:$0x5], $0x4000, $0x38;
	[tilespmem:$0x1D100] =	vst v63  }
0x3d: {  	_ =	swait.ge [sflag:s28], $0x4000  }
0x3e: {  	[sflag:s28] =	ssyncset.done $0x0  }
0x3f: {  	[sflag:s28] =	ssyncadd.s32 $0xFFFFC000  }
0x40: {  	[tilespmem:s26], [sflag:$0x5] =	stream.linear.gather [hbm4b:s17+s3], $0x4000, $0x38;
	[tilespmem:$0x1D100] =	vst v63  }
0x41: {  	_ =	swait.ge [sflag:s28], $0x4000  }
0x42: {  	[sflag:s28] =	ssyncset.done $0x0  }
0x43: {  	[sflag:s28] =	ssyncadd.s32 $0xFFFFC000  }
0x44: {  	[spmem:s18] =	stream.linear.scatter [tilespmem:s26], [sflag:$0x5], $0x4000, $0x38;
	[tilespmem:$0x1D100] =	vst v63  }
0x45: {  	_ =	swait.ge [sflag:s28], $0x4000  }
0x46: {  	[sflag:s28] =	ssyncset.done $0x0  }
0x47: {  	[sflag:s28] =	ssyncadd.s32 $0xFFFFC000  }
0x48: {  	[bflag:$0x0] =	sbarrier.arrive $0xFFFF  }
0x49: {  	[tilespmem:s3], [sflag:$0x5] =	stream.linear.gather [hbm4b:s14+s3], $0x50, $0x38;
	[tilespmem:$0x1D100] =	vst v63  }
0x4a: {  	_ =	swait.ge [sflag:s28], $0x50  }
0x4b: {  	[sflag:s28] =	ssyncset.done $0x0  }
0x4c: {  	[sflag:s28] =	ssyncadd.s32 $0xFFFFFFB0  }
0x4d: {  	[tilespmem:s30], [sflag:$0x1] =	stream.indirect.gather [spmem:s2], $0x80, s3, s29, $0xb8;
	[tilespmem:$0x1D100] =	vst v63  }
0x4e: {  	s10 =	rddreg [dreg:$0x3]  }
0x4f: {  	[tilespmem:s31], [sflag:$0x5] =	stream.linear.gather [hbm4b:s10+s3], $0x50, $0x38;
	[tilespmem:$0x1D100] =	vst v63  }
0x50: {  	_ =	swait.ge [sflag:s28], $0x50  }
0x51: {  	[sflag:s28] =	ssyncset.done $0x0  }
0x52: {  	[sflag:s28] =	ssyncadd.s32 $0xFFFFFFB0  }
0x53: {  	[tilespmem:s0], [sflag:$0x2] =	stream.indirect.gather [spmem:s2], $0x80, s31, s29, $0xb8;
	[tilespmem:$0x1D100] =	vst v63  }
0x54: {  	_ =	swait.ge [sflag:s1], $0x2800  }
0x55: {  	[sflag:s1] =	ssyncset.done $0x0  }
0x56: {  	s11 =	sadd.s32 $0x0, s16;
	[sflag:s1] =	ssyncadd.s32 $0xFFFFD800  }
0x57: {  	[hbm4b:s11+s3] =	stream.linear.scatter [tilespmem:s30], [sflag:$0x3], $0x2800, $0x38;
	[tilespmem:$0x1D100] =	vst v63  }
0x58: {  	_ =	swait.ge [sflag:s6], $0x2800  }
0x59: {  	s12 =	sshrl.u32 s25, $0x3;
	[sflag:s6] =	ssyncset.done $0x0  }
0x5a: {  	s5 =	sadd.s32 s4, s12;
	[sflag:s6] =	ssyncadd.s32 $0xFFFFD800  }
0x5b: {  	[tilespmem:s3], [sflag:$0x5] =	stream.linear.gather [hbm4b:s5+s3], $0x50, $0x38;
	[tilespmem:$0x1D100] =	vst v63  }
0x5c: {  	_ =	swait.ge [sflag:s28], $0x50  }
0x5d: {  	[sflag:s28] =	ssyncset.done $0x0  }
0x5e: {  	[sflag:s28] =	ssyncadd.s32 $0xFFFFFFB0  }
0x5f: {  	[tilespmem:s30], [sflag:$0x1] =	stream.indirect.gather [spmem:s2], $0x80, s3, s29, $0xb8;
	[tilespmem:$0x1D100] =	vst v63  }
0x60: {  	_ =	swait.ge [sflag:s7], $0x2800  }
0x61: {  	[sflag:s7] =	ssyncset.done $0x0  }
0x62: {  	s13 =	sadd.s32 $0x0, s22;
	[sflag:s7] =	ssyncadd.s32 $0xFFFFD800  }
0x63: {  	[hbm4b:s13+s3] =	stream.linear.scatter [tilespmem:s0], [sflag:$0x4], $0x2800, $0x38;
	[tilespmem:$0x1D100] =	vst v63  }
0x64: {  	_ =	swait.ge [sflag:s8], $0x2800  }
0x65: {  	[sflag:s8] =	ssyncset.done $0x0  }
0x66: {  	[sflag:s8] =	ssyncadd.s32 $0xFFFFD800  }
0x67: {  	[tilespmem:s31], [sflag:$0x5] =	stream.linear.gather [hbm4b:s24+s3], $0x50, $0x38;
	[tilespmem:$0x1D100] =	vst v63  }
0x68: {  	_ =	swait.ge [sflag:s28], $0x50  }
0x69: {  	s10 =	simm.s32 $0xA00;
	[sflag:s28] =	ssyncset.done $0x0  }
0x6a: {  	s11 =	sadd.s32 $0xA0, s25;
	s5 =	sadd.s32 $0x14, s24;
	[sflag:s28] =	ssyncadd.s32 $0xFFFFFFB0  }
.LBB2_2:
0x6b: {  	[tilespmem:s0], [sflag:$0x2] =	stream.indirect.gather [spmem:s2], $0x80, s31, s29, $0xb8;
	[tilespmem:$0x1D100] =	vst v63  }
0x6c: {  	s12 =	smov.u32 s10  }
0x6d: {  	p0 =	sne.s32 s10, $0x25800;
	s10 =	sadd.s32 $0xA00, s10;
	_ =	swait.ge [sflag:s1], $0x2800  }
0x6e: {  	[sflag:s1] =	ssyncset.done $0x0  }
0x6f: {  	s13 =	sadd.s32 s12, s16;
	[sflag:s1] =	ssyncadd.s32 $0xFFFFD800  }
0x70: {  	[hbm4b:s13+s3] =	stream.linear.scatter [tilespmem:s30], [sflag:$0x3], $0x2800, $0x38;
	[tilespmem:$0x1D100] =	vst v63  }
0x71: {  	_ =	swait.ge [sflag:s6], $0x2800  }
0x72: {  	s13 =	sshrl.u32 s11, $0x3;
	[sflag:s6] =	ssyncset.done $0x0  }
0x73: {  	s13 =	sadd.s32 s4, s13;
	[sflag:s6] =	ssyncadd.s32 $0xFFFFD800  }
0x74: {  	[tilespmem:s3], [sflag:$0x5] =	stream.linear.gather [hbm4b:s13+s3], $0x50, $0x38;
	[tilespmem:$0x1D100] =	vst v63  }
0x75: {  	_ =	swait.ge [sflag:s28], $0x50  }
0x76: {  	[sflag:s28] =	ssyncset.done $0x0  }
0x77: {  	[sflag:s28] =	ssyncadd.s32 $0xFFFFFFB0  }
0x78: {  	[tilespmem:s30], [sflag:$0x1] =	stream.indirect.gather [spmem:s2], $0x80, s3, s29, $0xb8;
	[tilespmem:$0x1D100] =	vst v63  }
0x79: {  	_ =	swait.ge [sflag:s7], $0x2800  }
0x7a: {  	[sflag:s7] =	ssyncset.done $0x0  }
0x7b: {  	s12 =	sadd.s32 s12, s22;
	[sflag:s7] =	ssyncadd.s32 $0xFFFFD800  }
0x7c: {  	[hbm4b:s12+s3] =	stream.linear.scatter [tilespmem:s0], [sflag:$0x4], $0x2800, $0x38;
	[tilespmem:$0x1D100] =	vst v63  }
0x7d: {  	_ =	swait.ge [sflag:s8], $0x2800  }
0x7e: {  	[sflag:s8] =	ssyncset.done $0x0  }
.Ltmp0:
0x7f: {  	[sflag:s8] =	ssyncadd.s32 $0xFFFFD800;
	(pc) =	sbr.rel @p0 .LBB2_2-.Ltmp0, $4  }
0x80: {  	[tilespmem:s31], [sflag:$0x5] =	stream.linear.gather [hbm4b:s5+s3], $0x50, $0x38;
	[tilespmem:$0x1D100] =	vst v63  }
0x81: {  	_ =	swait.ge [sflag:s28], $0x50  }
0x82: {  	[sflag:s28] =	ssyncset.done $0x0  }
0x83: {  	s11 =	sadd.s32 $0xA0, s11;
	s5 =	sadd.s32 $0x14, s5;
	[sflag:s28] =	ssyncadd.s32 $0xFFFFFFB0  }
0x84: {  	[tilespmem:s0], [sflag:$0x2] =	stream.indirect.gather [spmem:s2], $0x80, s31, s29, $0xb8;
	[tilespmem:$0x1D100] =	vst v63  }
0x85: {  	_ =	swait.ge [sflag:s1], $0x2800  }
0x86: {  	[sflag:s1] =	ssyncset.done $0x0  }
0x87: {  	[sflag:s1] =	ssyncadd.s32 $0xFFFFD800  }
0x88: {  	[hbm4b:s20+s3] =	stream.linear.scatter [tilespmem:s30], [sflag:$0x3], $0x2800, $0x38;
	[tilespmem:$0x1D100] =	vst v63  }
0x89: {  	_ =	swait.ge [sflag:s6], $0x2800  }
0x8a: {  	[sflag:s6] =	ssyncset.done $0x0  }
0x8b: {  	[sflag:s6] =	ssyncadd.s32 $0xFFFFD800  }
0x8c: {  	[tilespmem:s3], [sflag:$0x5] =	stream.linear.gather [hbm4b:s21+s3], $0x50, $0x38;
	[tilespmem:$0x1D100] =	vst v63  }
0x8d: {  	_ =	swait.ge [sflag:s28], $0x50  }
0x8e: {  	[sflag:s28] =	ssyncset.done $0x0  }
0x8f: {  	[sflag:s28] =	ssyncadd.s32 $0xFFFFFFB0  }
0x90: {  	[tilespmem:s30], [sflag:$0x1] =	stream.indirect.gather [spmem:s2], $0x80, s3, s29, $0xb8;
	[tilespmem:$0x1D100] =	vst v63  }
0x91: {  	_ =	swait.ge [sflag:s7], $0x2800  }
0x92: {  	[sflag:s7] =	ssyncset.done $0x0  }
0x93: {  	[sflag:s7] =	ssyncadd.s32 $0xFFFFD800  }
0x94: {  	[hbm4b:s23+s3] =	stream.linear.scatter [tilespmem:s0], [sflag:$0x4], $0x2800, $0x38;
	[tilespmem:$0x1D100] =	vst v63  }
0x95: {  	_ =	swait.ge [sflag:s8], $0x2800  }
0x96: {  	[sflag:s8] =	ssyncset.done $0x0  }
0x97: {  	[sflag:s8] =	ssyncadd.s32 $0xFFFFD800  }
0x98: {  	_ =	swait.ge [sflag:s1], $0x2800  }
0x99: {  	[sflag:s1] =	ssyncset.done $0x0  }
0x9a: {  	[sflag:s1] =	ssyncadd.s32 $0xFFFFD800  }
0x9b: {  	[hbm4b:s19+s3] =	stream.linear.scatter [tilespmem:s30], [sflag:$0x3], $0x2800, $0x38;
	[tilespmem:$0x1D100] =	vst v63  }
0x9c: {  	_ =	swait.ge [sflag:s6], $0x2800  }
0x9d: {  	s9 =	sadd.s32 $0x1, s9;
	s5 =	rddreg [dreg:$0x4]  }
0x9e: {  	p0 =	sne.s32 s9, s5  }
.Ltmp1:
0x9f: {  	_ = 	snop;
	(pc) =	sbr.rel @p0 .LBB2_1-.Ltmp1, $3  }
0xa0: {  	_ =	sdelay $0x1  }
0xa1: {  	[sflag:s6] =	ssyncset.done $0x0  }
0xa2: {  	[sflag:s6] =	ssyncadd.s32 $0xFFFFD800  }
0xa3: {  	_ =	sfence.sel $0x180000  }
0xa4: {  	[bflag:$0x0] =	sbarrier.arrive $0xFFFF  }
0xa5: {  	_ =	strace $0x90000047  }
0xa6: {  	s0 =	stileid.u32;
	[bflag:$0x2] =	sbarrier.arrive $0xFFFF  }
0xa7: {  	p0 =	sne.s32 s0, $0x0;
	s0 =	rddreg [dreg:$0x2]  }
0xa8: {  	s0 =	sadd.s32 @!p0 $0x100000, s0  }
0xa9: {  	[sflag:s0] =	ssyncadd.tile.s32 @!p0 $0x1;
	_ =	shalt  }
.Lfunc_end2:
_tile_overlayer_lowered:
.L_overlay_start_2:
0xaa: {  	(tag) =	ssettag $0x2  }
0xab: {  	s0 =	rddreg [dreg:$0x0];
	s2 =	stileid.u32  }
0xac: {  	s1 =	rddreg [dreg:$0x1];
	p0 =	sne.s32 s2, $0x0  }
0xad: {  	s3 =	rddreg [dreg:$0x2];
	[bflag:$0x3] =	sbarrier.arrive $0xFFFF;
	s2 =	simm.s32 @!p0 $0x1C05  }
0xae: {  	[timem:s3], [sflag:s2] =	dma.local @!p0 [hbm:s0], s1  }
0xaf: {  	s0 =	simm.s32 @!p0 $0x5  }
0xb0: {  	_ =	swait.ge @!p0 [sflag:s0], s1  }
0xb1: {  	s1 =	ssub.s32 @!p0 $0x0, s1;
	[sflag:s0] =	ssyncset.done @!p0 $0x0  }
0xb2: {  	[sflag:s0] =	ssyncadd.s32 @!p0 s1  }
0xb3: {  	[bflag:$0x3] =	sbarrier.arrive $0xFFFF  }
0xb4: {  	_ =	shalt  }

// kernel: kernel.16.cloned.1.call-start
scs
__scs_entry_jumppad:
0x0: {  	(pc) =	sbr.rel $0x88, $3  }
0x1: {  	(tag) =	ssettag $0x0;
	lr =	simm.s32 $0x1  }
0x2: {  	[smem:$0x3F97] =	sst lr;
	_ =	strace $0xD0000000  }
0x3: {  	_ = 	snop  }
0x4: {  	_ = 	snop  }
0x5: {  	_ = 	snop  }
0x6: {  	_ = 	snop  }
0x7: {  	_ = 	snop  }
__scs_overlays_trampoline_lowered:
0x8: {  	[smem:$0x3FA6] =	sst s0  }
0x9: {  	[smem:$0x3FA7] =	sst s1  }
0xa: {  	[smem:$0x3FA8] =	sst s2  }
0xb: {  	[smem:$0x3FA9] =	sst s3  }
0xc: {  	[smem:$0x3FAA] =	sst s4  }
0xd: {  	[smem:$0x3FAB] =	sst s5  }
0xe: {  	[smem:$0x3FAC] =	sst s6  }
0xf: {  	[smem:$0x3FAD] =	sst s7  }
0x10: {  	[smem:$0x3FAE] =	sst s8  }
0x11: {  	[smem:$0x3FAF] =	sst s9;
	s0 =	simm.s32 @!p0 $0x0  }
0x12: {  	s1 =	sld [smem:$0x3F95];
	s0 =	simm.s32 @p0 $0x1  }
0x13: {  	[smem:$0x3FB0] =	sst s0;
	s0 =	simm.s32 @!p1 $0x0  }
0x14: {  	s2 =	sld [smem:$0x3F94];
	s0 =	simm.s32 @p1 $0x1  }
0x15: {  	[smem:$0x3FB1] =	sst s0;
	s0 =	simm.s32 @!p2 $0x0  }
0x16: {  	s3 =	sld [smem:$0x3FDB];
	s0 =	simm.s32 @p2 $0x1  }
0x17: {  	s4 =	simm.s32 $0x1BF5;
	[smem:$0x3FB3] =	sst s0  }
0x18: {  	s0 =	sld [smem:$0x3F96];
	_ =	swait.ge [sflag:s4], $0x0  }
0x19: {  	s7 =	sld [smem:$0x3F97]  }
0x1a: {  	s8 =	sadd.s32 $0xFFFFE003, lr  }
0x1b: {  	s9 =	sadd.s32 $0xFFFFFEF7, lr;
	s5 =	simm.s32 $0xFFFFFFFF;
	p2 =	slt.u32 s8, $0xFFFFF086  }
0x1c: {  	p1 =	slt.u32 s9, $0xF7A;
	s5 =	simm.s32 @!p2 $0x0  }
0x1d: {  	s5 =	simm.s32 @p1 $0x1;
	p0 =	seq.s32 s7, s2  }
0x1e: {  	s7 =	smul.u32 @!p0 $0xF7A, s2;
	p2 =	seq.s32 @!p0 s5, $0x0  }
0x1f: {  	s9 =	smul.u32 $0xF7A, s1;
	s8 =	simm.s32 @!p0 $0x1BF5;
	p2 =	por !p2, p0  }
0x20: {  	[sflag:s8] =	ssyncset.s32 @!p0 $0xFFFFF086;
	s6 =	sadd.s32 @!p0 s3, s7;
	s7 =	simm.s32 @!p0 $0x108  }
0x21: {  	s3 =	sadd.s32 s3, s9;
	s6 =	sadd.s32 @!p0 $0x88, s6;
	s7 =	simm.s32 @p2 $0x1082  }
0x22: {  	[simem:s7], [sflag:s8] =	dma.local @!p0 [hbm:s6], $0xF7A  }
0x23: {  	s9 =	sor.u32 $0xD0000000, s2;
	s6 =	simm.s32 $0x108;
	_ =	swait.ge @!p0 [sflag:s8], $0x0  }
0x24: {  	s3 =	sadd.s32 $0x88, s3;
	s6 =	simm.s32 @!p1 $0x1082;
	[sflag:s4] =	ssyncset.s32 $0xFFFFF086  }
0x25: {  	[simem:s6], [sflag:s4] =	dma.local [hbm:s3], $0xF7A  }
0x26: {  	[smem:$0x3F97] =	sst s1;
	(tag) =	ssettag s2;
	_ =	strace s9  }
0x27: {  	s1 =	sld [smem:$0x3FA7]  }
0x28: {  	s2 =	sld [smem:$0x3FA8]  }
0x29: {  	s4 =	sld [smem:$0x3FAA]  }
0x2a: {  	p0 =	seq.s32 s5, $0x0;
	s5 =	sld [smem:$0x3FAB]  }
0x2b: {  	s6 =	sld [smem:$0x3FAC]  }
0x2c: {  	s7 =	sld [smem:$0x3FAD]  }
0x2d: {  	s3 =	simm.s32 $0x108;
	s8 =	sld [smem:$0x3FAE]  }
0x2e: {  	s3 =	simm.s32 @!p0 $0x1082;
	s9 =	sld [smem:$0x3FAF]  }
0x2f: {  	lr =	sadd.s32 s0, s3;
	s0 =	sld [smem:$0x3FA6]  }
0x30: {  	s3 =	sld [smem:$0x3FA9]  }
0x31: {  	[smem:$0x3FB2] =	sst s10  }
0x32: {  	s10 =	sld [smem:$0x3FB0];
	_ =	sdelay $0x3  }
0x33: {  	p0 =	seq.s32 s10, $0x1;
	s10 =	sld [smem:$0x3FB2];
	_ =	sdelay $0x3  }
0x34: {  	[smem:$0x3FB2] =	sst s10  }
0x35: {  	s10 =	sld [smem:$0x3FB1];
	_ =	sdelay $0x3  }
0x36: {  	p1 =	seq.s32 s10, $0x1;
	s10 =	sld [smem:$0x3FB2];
	_ =	sdelay $0x3  }
0x37: {  	[smem:$0x3FB2] =	sst s10  }
0x38: {  	s10 =	sld [smem:$0x3FB3]  }
0x39: {  	_ = 	snop;
	(pc) =	sbr.ind lr, $3  }
0x3a: {  	_ = 	snop  }
0x3b: {  	_ = 	snop  }
0x3c: {  	p2 =	seq.s32 s10, $0x1;
	s10 =	sld [smem:$0x3FB2]  }
0x3d: {  	_ =	shalt  }
0x3e: {  	_ =	shalt  }
0x3f: {  	_ =	shalt  }
0x40: {  	_ =	shalt  }
0x41: {  	_ =	shalt  }
0x42: {  	_ =	shalt  }
0x43: {  	_ =	shalt  }
0x44: {  	_ =	shalt  }
0x45: {  	_ =	shalt  }
0x46: {  	_ =	shalt  }
0x47: {  	_ =	shalt  }
0x48: {  	_ =	shalt  }
0x49: {  	_ =	shalt  }
0x4a: {  	_ =	shalt  }
0x4b: {  	_ =	shalt  }
0x4c: {  	_ =	shalt  }
0x4d: {  	_ =	shalt  }
0x4e: {  	_ =	shalt  }
0x4f: {  	_ =	shalt  }
0x50: {  	_ =	shalt  }
0x51: {  	_ =	shalt  }
0x52: {  	_ =	shalt  }
0x53: {  	_ =	shalt  }
0x54: {  	_ =	shalt  }
0x55: {  	_ =	shalt  }
0x56: {  	_ =	shalt  }
0x57: {  	_ =	shalt  }
0x58: {  	_ =	shalt  }
0x59: {  	_ =	shalt  }
0x5a: {  	_ =	shalt  }
0x5b: {  	_ =	shalt  }
0x5c: {  	_ =	shalt  }
0x5d: {  	_ =	shalt  }
0x5e: {  	_ =	shalt  }
0x5f: {  	_ =	shalt  }
0x60: {  	_ =	shalt  }
0x61: {  	_ =	shalt  }
0x62: {  	_ =	shalt  }
0x63: {  	_ =	shalt  }
0x64: {  	_ =	shalt  }
0x65: {  	_ =	shalt  }
0x66: {  	_ =	shalt  }
0x67: {  	_ =	shalt  }
0x68: {  	_ =	shalt  }
0x69: {  	_ =	shalt  }
0x6a: {  	_ =	shalt  }
0x6b: {  	_ =	shalt  }
0x6c: {  	_ =	shalt  }
0x6d: {  	_ =	shalt  }
0x6e: {  	_ =	shalt  }
0x6f: {  	_ =	shalt  }
0x70: {  	_ =	shalt  }
0x71: {  	_ =	shalt  }
0x72: {  	_ =	shalt  }
0x73: {  	_ =	shalt  }
0x74: {  	_ =	shalt  }
0x75: {  	_ =	shalt  }
0x76: {  	_ =	shalt  }
0x77: {  	_ =	shalt  }
0x78: {  	_ =	shalt  }
0x79: {  	_ =	shalt  }
0x7a: {  	_ =	shalt  }
0x7b: {  	_ =	shalt  }
0x7c: {  	_ =	shalt  }
0x7d: {  	_ =	shalt  }
0x7e: {  	_ =	shalt  }
0x7f: {  	_ =	shalt  }
0x80: {  	_ =	shalt  }
0x81: {  	_ =	shalt  }
0x82: {  	_ =	shalt  }
0x83: {  	_ =	shalt  }
0x84: {  	_ =	shalt  }
0x85: {  	_ =	shalt  }
0x86: {  	_ =	shalt  }
0x87: {  	_ =	shalt  }
.Lfunc_end0:
.L_simem_size_0:
called_computation.2_lowered:
.L_overlay_start_0:
0x88: {  	s2 =	sld [smem:$0x3FD9]  }
0x89: {  	s3 =	sld [smem:$0x3FFE];
	_ =	sdelay $0x1  }
0x8a: {  	s1 =	srdreg.scid  }
0x8b: {  	s0 =	sand.u32 $0x1, s1  }
0x8c: {  	s17 =	sshll.u32 s0, $0xA;
	s2 =	sadd.s32 s3, s2  }
0x8d: {  	s2 =	sadd.s32 s2, s17  }
0x8e: {  	[smem:$0x3FBE] =	sst s2  }
0x8f: {  	_ = 	snop  }
0x90: {  	(tm) =	ssettm $0x1  }
0x91: {  	s18 =	sld [smem:$0x3FFB];
	_ =	sdelay $0x3  }
0x92: {  	_ =	strace s18  }
0x93: {  	s2 =	sld [smem:$0x3FFC];
	_ =	sdelay $0x3  }
0x94: {  	_ =	strace s2  }
0x95: {  	s2 =	sld [smem:$0x3FFD];
	_ =	sdelay $0x3  }
0x96: {  	_ =	strace s2  }
0x97: {  	_ =	strace $0x8FFFFFFF  }
0x98: {  	s19 =	sld [smem:$0x3FDB];
	_ =	sdelay $0x1  }
0x99: {  	s20 =	simm.s32 $_scs_section_size  }
0x9a: {  	s4 =	simm.s32 $_size__tile_overlayer_lowered;
	s5 =	simm.s32 $_tile_overlayer_lowered  }
0x9b: {  	s6 =	simm.s32 $0x1BFF;
	s21 =	sshll.u32 s5, $0x1;
	s3 =	sadd.s32 s20, s19  }
0x9c: {  	s22 =	simm.s32 $0x0;
	s4 =	sshll.u32 s4, $0x1;
	s5 =	sadd.s32 s21, s3  }
0x9d: {  	[timem:s22], [sflag:s6] =	dma.local [hbm:s5], s4  }
0x9e: {  	_ =	swait.ge [sflag:s6], s4  }
0x9f: {  	s4 =	ssub.s32 $0x0, s4;
	[sflag:s6] =	ssyncset.done $0x0  }
0xa0: {  	[sflag:s6] =	ssyncadd.s32 s4;
	_ =	sdelay $0x1  }
0xa1: {  	s23 =	simm.s32 $0x1B8B  }
0xa2: {  	_ =	swait.ge [sflag:s23], $0x1  }
0xa3: {  	[sflag:s23] =	ssyncset.done $0x0  }
0xa4: {  	[sflag:s23] =	ssyncadd.s32 $0xFFFFFFFF  }
0xa5: {  	s4 =	sld [smem:$0x0]  }
0xa6: {  	s5 =	sand.u32 $0xFFFFFFFE, s1  }
0xa7: {  	p0 =	sne.s32 s1, s5  }
0xa8: {  	s5 =	sshll.u32 @p0 s5, $0xE  }
0xa9: {  	s5 =	sadd.s32 @p0 $0x11B8D, s5;
	s6 =	sshll.u32 @p0 s4, $0x11  }
0xaa: {  	s5 =	sor.u32 @p0 s6, s5  }
0xab: {  	[sflag:s5] =	ssyncadd.remote.s32 @p0 $0x1;
	_ =	sdelay $0x1  }
0xac: {  	s5 =	simm.s32 @p0 $0x1B8D  }
0xad: {  	_ =	swait.eq @p0 [sflag:s5], $0x1  }
0xae: {  	[sflag:s5] =	ssyncadd.s32 @p0 $0xFFFFFFFF  }
0xaf: {  	s6 =	sshll.u32 @!p0 s1, $0xE  }
0xb0: {  	s6 =	sor.u32 @!p0 $0x4000, s6;
	s5 =	simm.s32 @!p0 $0x1B8D  }
0xb1: {  	s4 =	sshll.u32 @!p0 s4, $0x11;
	s6 =	sadd.s32 @!p0 $0x11B8D, s6;
	_ =	swait.eq @!p0 [sflag:s5], $0x1  }
0xb2: {  	s4 =	sor.u32 @!p0 s4, s6;
	[sflag:s5] =	ssyncadd.s32 @!p0 $0xFFFFFFFF  }
0xb3: {  	s25 =	simm.s32 $0x1B8E;
	s24 =	sld [smem:$0x3FFE];
	[sflag:s4] =	ssyncadd.remote.s32 @!p0 $0x1  }
0xb4: {  	s26 =	simm.s32 $execute0_lowered;
	[smem:$0x3FD2] =	sst s25  }
0xb5: {  	s5 =	sshll.u32 s26, $0x1;
	_ =	strace $0x8000004F;
	[dreg:$0x1] =	wrdreg $0xFFFFFFFF  }
0xb6: {  	s28 =	simm.s32 $_size_execute0_lowered;
	s3 =	sadd.s32 s3, s5;
	[dreg:$0x0] =	wrdreg $0x0  }
0xb7: {  	s5 =	sshll.u32 s28, $0x1;
	[dreg:$0x2] =	wrdreg s3  }
0xb8: {  	[dreg:$0x3] =	wrdreg s5  }
0xb9: {  	[dreg:$0x4] =	wrdreg $0xC0  }
0xba: {  	_ =	task [dreg:s22], $0x5FFFF  }
0xbb: {  	[dreg:$0x1] =	wrdreg $0xFFFFFFFF  }
0xbc: {  	[dreg:$0x0] =	wrdreg $0x60  }
0xbd: {  	[dreg:$0x2] =	wrdreg s24  }
0xbe: {  	[dreg:$0x3] =	wrdreg $0x51000  }
0xbf: {  	[dreg:$0x4] =	wrdreg $0x9  }
0xc0: {  	_ =	task.clear_ibuf [dreg:s22], $0x5FFFF;
	_ =	strace $0x9000004F  }
0xc1: {  	s29 =	simm.s32 $0x9;
	_ =	strace $0x80000051  }
0xc2: {  	_ =	swait.ge [sflag:s29], $0x1  }
0xc3: {  	[sflag:s29] =	ssyncadd.s32 $0xFFFFFFFF  }
0xc4: {  	_ =	strace $0x90000051  }
0xc5: {  	_ =	sfence  }
0xc6: {  	s30 =	sld [smem:$0x0];
	_ =	sdelay $0x2  }
0xc7: {  	s31 =	sshll.u32 s1, $0xD;
	s1 =	sshrl.u32 s1, $0x2  }
0xc8: {  	s4 =	sand.u32 $0x4000, s31;
	s1 =	sadd.s32 s1, s30  }
0xc9: {  	s0 =	sor.u32 s4, s0;
	s1 =	sshll.u32 s1, $0x11  }
0xca: {  	s0 =	sor.u32 s1, s0  }
0xcb: {  	s0 =	sadd.s32 $0x8F2B, s0  }
0xcc: {  	[sflag:s0] =	ssyncadd.remote.s32 $0x1  }
0xcd: {  	_ =	sfence.sel $0xFFFF  }
0xce: {  	[dreg:$0x0] =	wrdreg $0xFFFFFFFF;
	(pc) =	sbr.abs _section_cstart, $3  }
0xcf: {  	[dreg:$0x1] =	wrdreg $0xFFFFFFFF  }
0xd0: {  	_ =	task.clear_ibuf [dreg:s22], $0x2FFFF;
	_ =	strace $0x9FFFFFFF  }
0xd1: {  	(tm) =	ssettm $0x7FFFFFFF  }
tec
execute0_lowered:
.L_overlay_start_1:
0x0: {  	(tag) =	ssettag $0x1  }
0x1: {  	s0 =	srdreg.scid;
	s15 =	stileid.u32  }
0x2: {  	s3 =	rddreg [dreg:$0x0];
	s1 =	simm.s32 $0x0;
	s30 =	simm.s32 $0x2900  }
0x3: {  	s31 =	simm.s32 $0x3;
	s0 =	sand.u32 $0x1, s0;
	s2 =	sshll.u32 s15, $0x1  }
0x4: {  	[smem:$0x7FF] =	sst s1;
	s11 =	smul.u32 $0x14000, s15;
	s2 =	sor.u32 s0, s2  }
0x5: {  	s5 =	sadd.s32 $0x2D7C00, s3;
	s7 =	ssub.s32 $0x2, s0;
	s4 =	smul.u32 $0x1388, s2  }
0x6: {  	s6 =	sadd.s32 $0xAD2C00, s3;
	s2 =	smul.u32 $0x13880, s2;
	s9 =	sshrl.u32 s7, $0x1  }
0x7: {  	s20 =	sadd.s32 $0x5000, s11;
	s21 =	sadd.s32 $0x7800, s11;
	s22 =	sadd.s32 $0xA000, s11  }
0x8: {  	s23 =	sadd.s32 $0xC800, s11;
	s24 =	sadd.s32 $0xF000, s11;
	s8 =	sadd.s32 $0x28, s4  }
0x9: {  	s7 =	ssub.s32 s7, s9;
	s2 =	sadd.s32 s5, s2;
	s10 =	sshll.u32 s8, $0x4  }
0xa: {  	[dreg:$0x3] =	wrdreg s2;
	s2 =	smul.u32 $0x140000, s0;
	s25 =	sadd.s32 s5, s10  }
0xb: {  	s9 =	sor.u32 $0x2800, s11;
	[dreg:$0x4] =	wrdreg s25;
	s25 =	sadd.s32 $0x11800, s11  }
0xc: {  	s26 =	sadd.s32 s2, s11;
	s29 =	sadd.s32 s2, s9;
	s12 =	sadd.s32 s2, s20  }
0xd: {  	s14 =	sadd.s32 s2, s21;
	s16 =	sadd.s32 s2, s22;
	s17 =	sadd.s32 s2, s23  }
0xe: {  	s10 =	sshrl.u32 s26, $0x3;
	s11 =	sshrl.u32 s29, $0x3;
	s12 =	sshrl.u32 s12, $0x3  }
0xf: {  	s26 =	sadd.s32 s2, s24;
	s29 =	smul.u32 $0x13880, s0;
	s2 =	sadd.s32 s2, s25  }
0x10: {  	s0 =	smul.u32 $0x1388, s0;
	s10 =	sadd.s32 s6, s10;
	s13 =	sadd.s32 s6, s12  }
0x11: {  	s12 =	sshrl.u32 s17, $0x3;
	s2 =	sshrl.u32 s2, $0x3;
	[dreg:$0x5] =	wrdreg s10  }
0x12: {  	s17 =	smul.u32 $0x50000, s15;
	s10 =	sadd.s32 s6, s11;
	[dreg:$0x7] =	wrdreg s13  }
0x13: {  	s11 =	sshrl.u32 s16, $0x3;
	s13 =	smul.u32 $0x27100, s15;
	s19 =	sadd.s32 s6, s12  }
0x14: {  	s12 =	sadd.s32 s6, s2;
	s2 =	simm.s32 $0x1500;
	[dreg:$0x6] =	wrdreg s10  }
0x15: {  	s10 =	sshrl.u32 s14, $0x3;
	s18 =	sadd.s32 s6, s11;
	[dreg:$0xa] =	wrdreg s19  }
0x16: {  	s14 =	smul.u32 $0x2710, s15;
	s19 =	sshrl.u32 s8, $0x3;
	[dreg:$0x9] =	wrdreg s18  }
0x17: {  	s10 =	sadd.s32 s6, s10;
	s5 =	sadd.s32 s13, s5;
	s13 =	rddreg [dreg:$0x1]  }
0x18: {  	s18 =	sshrl.u32 s4, $0x3;
	s4 =	simm.s32 $0x28;
	[dreg:$0x8] =	wrdreg s10  }
0x19: {  	s10 =	sshrl.u32 s26, $0x3;
	s11 =	sadd.s32 s29, s5;
	s0 =	sadd.s32 s0, s14  }
0x1a: {  	s14 =	sadd.s32 $0x8000, s3;
	s26 =	sshrl.u32 s17, $0x2;
	s20 =	sadd.s32 s20, s13  }
0x1b: {  	s21 =	sadd.s32 s21, s13;
	s22 =	sadd.s32 s22, s13;
	s23 =	sadd.s32 s23, s13  }
0x1c: {  	s24 =	sadd.s32 s24, s13;
	s25 =	sadd.s32 s25, s13;
	s5 =	simm.s32 $0x2  }
0x1d: {  	s10 =	sadd.s32 s6, s10;
	s15 =	sadd.s32 s14, s18;
	s16 =	sadd.s32 s14, s19  }
.Ltmp0:
0x1e: {  	s17 =	sadd.s32 s26, s13;
	s18 =	smax.u32 s7, $0x1;
	(pc) =	sbr.rel .LBB2_1-.Ltmp0, $4  }
0x1f: {  	s19 =	sadd.s32 s9, s13;
	s29 =	sadd.s32 $0x78, s0;
	s9 =	sadd.s32 $0x780, s11  }
0x20: {  	s8 =	sadd.s32 $0x50, s0;
	s11 =	simm.s32 $0x100;
	s0 =	simm.s32 $0x80  }
0x21: {  	s6 =	simm.s32 $0x0;
	[dreg:$0xb] =	wrdreg s10;
	s3 =	sshrl.u32 s29, $0x3  }
0x22: {  	v0 =	vimm.f32 $0.0e+00;
	_ =	strace $0x80000050;
	s28 =	sadd.s32 s3, s14;
	s3 =	simm.s32 $0x1  }
.LBB2_6:
0x23: {  	_ =	swait.ge [sflag:s3], $0x28  }
0x24: {  	[sflag:s3] =	ssyncset.done $0x0  }
0x25: {  	[sflag:s3] =	ssyncadd.s32 $0xFFFFFFD8  }
0x26: {  	_ =	swait.ge [sflag:s3], $0x1400  }
0x27: {  	[sflag:s3] =	ssyncset.done $0x0  }
0x28: {  	[sflag:s3] =	ssyncadd.s32 $0xFFFFEC00  }
0x29: {  	[spmem:s13] =	stream.indirect.scatter.add.f32 [tilespmem:s11], [sflag:$0x3], $0x80, s1, s4, $0xb8;
	[tilespmem:$0x19100] =	vst v63  }
0x2a: {  	_ =	swait.ge [sflag:s31], $0x1400  }
0x2b: {  	[sflag:s31] =	ssyncset.done $0x0  }
0x2c: {  	[sflag:s31] =	ssyncadd.s32 $0xFFFFEC00  }
0x2d: {  	[bflag:$0x0] =	sbarrier.arrive $0xFFFF  }
0x2e: {  	[tilespmem:s30], [sflag:$0x3] =	stream.linear.gather [spmem:s17], $0x2800, $0x38;
	[tilespmem:$0x19100] =	vst v63  }
0x2f: {  	_ =	swait.ge [sflag:s31], $0x2800  }
0x30: {  	[sflag:s31] =	ssyncset.done $0x0  }
0x31: {  	s7 =	rddreg [dreg:$0x5];
	[sflag:s31] =	ssyncadd.s32 $0xFFFFD800  }
0x32: {  	[hbm4b:s7+s1] =	stream.linear.scatter [tilespmem:s30], [sflag:$0x3], $0x2800, $0x38;
	[tilespmem:$0x19100] =	vst v63  }
0x33: {  	_ =	swait.ge [sflag:s31], $0x2800  }
0x34: {  	[sflag:s31] =	ssyncset.done $0x0  }
0x35: {  	[sflag:s31] =	ssyncadd.s32 $0xFFFFD800  }
0x36: {  	[tilespmem:s30], [sflag:$0x3] =	stream.linear.gather [spmem:s19], $0x2800, $0x38;
	[tilespmem:$0x19100] =	vst v63  }
0x37: {  	_ =	swait.ge [sflag:s31], $0x2800  }
0x38: {  	[sflag:s31] =	ssyncset.done $0x0  }
0x39: {  	s10 =	rddreg [dreg:$0x6];
	[sflag:s31] =	ssyncadd.s32 $0xFFFFD800  }
0x3a: {  	[hbm4b:s10+s1] =	stream.linear.scatter [tilespmem:s30], [sflag:$0x3], $0x2800, $0x38;
	[tilespmem:$0x19100] =	vst v63  }
0x3b: {  	_ =	swait.ge [sflag:s31], $0x2800  }
0x3c: {  	[sflag:s31] =	ssyncset.done $0x0  }
0x3d: {  	[sflag:s31] =	ssyncadd.s32 $0xFFFFD800  }
0x3e: {  	[tilespmem:s30], [sflag:$0x3] =	stream.linear.gather [spmem:s20], $0x2800, $0x38;
	[tilespmem:$0x19100] =	vst v63  }
0x3f: {  	_ =	swait.ge [sflag:s31], $0x2800  }
0x40: {  	[sflag:s31] =	ssyncset.done $0x0  }
0x41: {  	s26 =	rddreg [dreg:$0x7];
	[sflag:s31] =	ssyncadd.s32 $0xFFFFD800  }
0x42: {  	[hbm4b:s26+s1] =	stream.linear.scatter [tilespmem:s30], [sflag:$0x3], $0x2800, $0x38;
	[tilespmem:$0x19100] =	vst v63  }
0x43: {  	_ =	swait.ge [sflag:s31], $0x2800  }
0x44: {  	[sflag:s31] =	ssyncset.done $0x0  }
0x45: {  	[sflag:s31] =	ssyncadd.s32 $0xFFFFD800  }
0x46: {  	[tilespmem:s30], [sflag:$0x3] =	stream.linear.gather [spmem:s21], $0x2800, $0x38;
	[tilespmem:$0x19100] =	vst v63  }
0x47: {  	_ =	swait.ge [sflag:s31], $0x2800  }
0x48: {  	[sflag:s31] =	ssyncset.done $0x0  }
0x49: {  	s29 =	rddreg [dreg:$0x8];
	[sflag:s31] =	ssyncadd.s32 $0xFFFFD800  }
0x4a: {  	[hbm4b:s29+s1] =	stream.linear.scatter [tilespmem:s30], [sflag:$0x3], $0x2800, $0x38;
	[tilespmem:$0x19100] =	vst v63  }
0x4b: {  	_ =	swait.ge [sflag:s31], $0x2800  }
0x4c: {  	[sflag:s31] =	ssyncset.done $0x0  }
0x4d: {  	[sflag:s31] =	ssyncadd.s32 $0xFFFFD800  }
0x4e: {  	[tilespmem:s30], [sflag:$0x3] =	stream.linear.gather [spmem:s22], $0x2800, $0x38;
	[tilespmem:$0x19100] =	vst v63  }
0x4f: {  	_ =	swait.ge [sflag:s31], $0x2800  }
0x50: {  	[sflag:s31] =	ssyncset.done $0x0  }
0x51: {  	s10 =	rddreg [dreg:$0x9];
	[sflag:s31] =	ssyncadd.s32 $0xFFFFD800  }
0x52: {  	[hbm4b:s10+s1] =	stream.linear.scatter [tilespmem:s30], [sflag:$0x3], $0x2800, $0x38;
	[tilespmem:$0x19100] =	vst v63  }
0x53: {  	_ =	swait.ge [sflag:s31], $0x2800  }
0x54: {  	[sflag:s31] =	ssyncset.done $0x0  }
0x55: {  	[sflag:s31] =	ssyncadd.s32 $0xFFFFD800  }
0x56: {  	[tilespmem:s30], [sflag:$0x3] =	stream.linear.gather [spmem:s23], $0x2800, $0x38;
	[tilespmem:$0x19100] =	vst v63  }
0x57: {  	_ =	swait.ge [sflag:s31], $0x2800  }
0x58: {  	[sflag:s31] =	ssyncset.done $0x0  }
0x59: {  	s26 =	rddreg [dreg:$0xa];
	[sflag:s31] =	ssyncadd.s32 $0xFFFFD800  }
0x5a: {  	[hbm4b:s26+s1] =	stream.linear.scatter [tilespmem:s30], [sflag:$0x3], $0x2800, $0x38;
	[tilespmem:$0x19100] =	vst v63  }
0x5b: {  	_ =	swait.ge [sflag:s31], $0x2800  }
0x5c: {  	[sflag:s31] =	ssyncset.done $0x0  }
0x5d: {  	[sflag:s31] =	ssyncadd.s32 $0xFFFFD800  }
0x5e: {  	[tilespmem:s30], [sflag:$0x3] =	stream.linear.gather [spmem:s24], $0x2800, $0x38;
	[tilespmem:$0x19100] =	vst v63  }
0x5f: {  	_ =	swait.ge [sflag:s31], $0x2800  }
0x60: {  	[sflag:s31] =	ssyncset.done $0x0  }
0x61: {  	s29 =	rddreg [dreg:$0xb];
	[sflag:s31] =	ssyncadd.s32 $0xFFFFD800  }
0x62: {  	[hbm4b:s29+s1] =	stream.linear.scatter [tilespmem:s30], [sflag:$0x3], $0x2800, $0x38;
	[tilespmem:$0x19100] =	vst v63  }
0x63: {  	_ =	swait.ge [sflag:s31], $0x2800  }
0x64: {  	[sflag:s31] =	ssyncset.done $0x0  }
0x65: {  	[sflag:s31] =	ssyncadd.s32 $0xFFFFD800  }
0x66: {  	[tilespmem:s30], [sflag:$0x3] =	stream.linear.gather [spmem:s25], $0x2800, $0x38;
	[tilespmem:$0x19100] =	vst v63  }
0x67: {  	s6 =	sadd.s32 $0x1, s6;
	_ =	swait.ge [sflag:s31], $0x2800  }
0x68: {  	p0 =	sne.s32 s6, s18;
	[sflag:s31] =	ssyncset.done $0x0  }
.Ltmp1:
0x69: {  	[sflag:s31] =	ssyncadd.s32 $0xFFFFD800;
	(pc) =	sbr.rel @!p0 .LBB2_7-.Ltmp1, $4  }
0x6a: {  	[hbm4b:s12+s1] =	stream.linear.scatter [tilespmem:s30], [sflag:$0x3], $0x2800, $0x38;
	[tilespmem:$0x19100] =	vst v63  }
0x6b: {  	_ =	swait.ge [sflag:s31], $0x2800  }
0x6c: {  	[sflag:s31] =	ssyncset.done $0x0  }
0x6d: {  	[sflag:s31] =	ssyncadd.s32 $0xFFFFD800  }
.LBB2_1:
0x6e: {  	s7 =	simm.s32 $0x0;
	s26 =	simm.s32 $0x200  }
.LBB2_2:
0x6f: {  	p0 =	sne.s32 s26, $0x9E00;
	[tilespmem:s7+$0x2970] =	vst v0  }
0x70: {  	[tilespmem:s7+$0x2900] =	vst v0  }
0x71: {  	[tilespmem:s7+$0x2910] =	vst v0  }
.Ltmp2:
0x72: {  	[tilespmem:s7+$0x2920] =	vst v0;
	(pc) =	sbr.rel @p0 .LBB2_2-.Ltmp2, $4  }
0x73: {  	[tilespmem:s7+$0x2930] =	vst v0  }
0x74: {  	[tilespmem:s7+$0x2940] =	vst v0  }
0x75: {  	[tilespmem:s7+$0x2950] =	vst v0  }
0x76: {  	[tilespmem:s7+$0x2960] =	vst v0;
	s7 =	sshra.s32 s26, $0x2;
	s26 =	sadd.s32 $0x200, s26  }
0x77: {  	[tilespmem:s7+$0x2970] =	vst v0  }
0x78: {  	[tilespmem:s7+$0x2900] =	vst v0  }
0x79: {  	[tilespmem:s7+$0x2910] =	vst v0  }
0x7a: {  	[tilespmem:s7+$0x2920] =	vst v0  }
0x7b: {  	[tilespmem:s7+$0x2930] =	vst v0  }
0x7c: {  	[tilespmem:s7+$0x2940] =	vst v0  }
0x7d: {  	[tilespmem:s7+$0x2950] =	vst v0  }
0x7e: {  	[tilespmem:s7+$0x2960] =	vst v0  }
0x7f: {  	[spmem:s17] =	stream.linear.scatter [tilespmem:s30], [sflag:$0x3], $0x2800, $0x38;
	[tilespmem:$0x19100] =	vst v63  }
0x80: {  	_ =	swait.ge [sflag:s31], $0x2800  }
0x81: {  	[sflag:s31] =	ssyncset.done $0x0  }
0x82: {  	[sflag:s31] =	ssyncadd.s32 $0xFFFFD800  }
0x83: {  	[spmem:s19] =	stream.linear.scatter [tilespmem:s30], [sflag:$0x3], $0x2800, $0x38;
	[tilespmem:$0x19100] =	vst v63  }
0x84: {  	_ =	swait.ge [sflag:s31], $0x2800  }
0x85: {  	[sflag:s31] =	ssyncset.done $0x0  }
0x86: {  	[sflag:s31] =	ssyncadd.s32 $0xFFFFD800  }
0x87: {  	[spmem:s20] =	stream.linear.scatter [tilespmem:s30], [sflag:$0x3], $0x2800, $0x38;
	[tilespmem:$0x19100] =	vst v63  }
0x88: {  	_ =	swait.ge [sflag:s31], $0x2800  }
0x89: {  	[sflag:s31] =	ssyncset.done $0x0  }
0x8a: {  	[sflag:s31] =	ssyncadd.s32 $0xFFFFD800  }
0x8b: {  	[spmem:s21] =	stream.linear.scatter [tilespmem:s30], [sflag:$0x3], $0x2800, $0x38;
	[tilespmem:$0x19100] =	vst v63  }
0x8c: {  	_ =	swait.ge [sflag:s31], $0x2800  }
0x8d: {  	[sflag:s31] =	ssyncset.done $0x0  }
0x8e: {  	[sflag:s31] =	ssyncadd.s32 $0xFFFFD800  }
0x8f: {  	[spmem:s22] =	stream.linear.scatter [tilespmem:s30], [sflag:$0x3], $0x2800, $0x38;
	[tilespmem:$0x19100] =	vst v63  }
0x90: {  	_ =	swait.ge [sflag:s31], $0x2800  }
0x91: {  	[sflag:s31] =	ssyncset.done $0x0  }
0x92: {  	[sflag:s31] =	ssyncadd.s32 $0xFFFFD800  }
0x93: {  	[spmem:s23] =	stream.linear.scatter [tilespmem:s30], [sflag:$0x3], $0x2800, $0x38;
	[tilespmem:$0x19100] =	vst v63  }
0x94: {  	_ =	swait.ge [sflag:s31], $0x2800  }
0x95: {  	[sflag:s31] =	ssyncset.done $0x0  }
0x96: {  	[sflag:s31] =	ssyncadd.s32 $0xFFFFD800  }
0x97: {  	[spmem:s24] =	stream.linear.scatter [tilespmem:s30], [sflag:$0x3], $0x2800, $0x38;
	[tilespmem:$0x19100] =	vst v63  }
0x98: {  	_ =	swait.ge [sflag:s31], $0x2800  }
0x99: {  	[sflag:s31] =	ssyncset.done $0x0  }
0x9a: {  	[sflag:s31] =	ssyncadd.s32 $0xFFFFD800  }
0x9b: {  	[spmem:s25] =	stream.linear.scatter [tilespmem:s30], [sflag:$0x3], $0x2800, $0x38;
	[tilespmem:$0x19100] =	vst v63  }
0x9c: {  	_ =	swait.ge [sflag:s31], $0x2800  }
0x9d: {  	[sflag:s31] =	ssyncset.done $0x0  }
0x9e: {  	[sflag:s31] =	ssyncadd.s32 $0xFFFFD800  }
0x9f: {  	s7 =	simm.s32 $0x0;
	[bflag:$0x0] =	sbarrier.arrive $0xFFFF  }
0xa0: {  	[tilespmem:s7], [sflag:$0x1] =	stream.linear.gather [hbm4b:s15+s7], $0x28, $0x38;
	[tilespmem:$0x19100] =	vst v63  }
0xa1: {  	s10 =	rddreg [dreg:$0x3]  }
0xa2: {  	[tilespmem:s11], [sflag:$0x1] =	stream.linear.gather [hbm4b:s10+s7], $0x1400, $0x38;
	[tilespmem:$0x19100] =	vst v63  }
0xa3: {  	_ = 	snop  }
0xa4: {  	[tilespmem:s0], [sflag:$0x2] =	stream.linear.gather [hbm4b:s16+s7], $0x28, $0x38;
	[tilespmem:$0x19100] =	vst v63  }
0xa5: {  	s26 =	rddreg [dreg:$0x4]  }
0xa6: {  	[tilespmem:s2], [sflag:$0x2] =	stream.linear.gather [hbm4b:s26+s7], $0x1400, $0x38;
	[tilespmem:$0x19100] =	vst v63  }
0xa7: {  	s29 =	smov.u32 s8;
	s26 =	smov.u32 s9  }
.LBB2_4:
0xa8: {  	_ =	swait.ge [sflag:s3], $0x28  }
0xa9: {  	[sflag:s3] =	ssyncset.done $0x0  }
0xaa: {  	[sflag:s3] =	ssyncadd.s32 $0xFFFFFFD8  }
0xab: {  	_ =	swait.ge [sflag:s3], $0x1400  }
0xac: {  	[sflag:s3] =	ssyncset.done $0x0  }
0xad: {  	[sflag:s3] =	ssyncadd.s32 $0xFFFFEC00  }
0xae: {  	[spmem:s13] =	stream.indirect.scatter.add.f32 [tilespmem:s11], [sflag:$0x3], $0x80, s1, s4, $0xb8;
	[tilespmem:$0x19100] =	vst v63  }
0xaf: {  	_ =	swait.ge [sflag:s31], $0x1400  }
0xb0: {  	s10 =	sshrl.u32 s29, $0x3;
	[sflag:s31] =	ssyncset.done $0x0  }
0xb1: {  	s10 =	sadd.s32 s14, s10;
	[sflag:s31] =	ssyncadd.s32 $0xFFFFEC00  }
0xb2: {  	[tilespmem:s1], [sflag:$0x1] =	stream.linear.gather [hbm4b:s10+s1], $0x28, $0x38;
	[tilespmem:$0x19100] =	vst v63  }
0xb3: {  	s10 =	sadd.s32 $0xFFFFFD80, s26  }
0xb4: {  	[tilespmem:s11], [sflag:$0x1] =	stream.linear.gather [hbm4b:s10+s1], $0x1400, $0x38;
	[tilespmem:$0x19100] =	vst v63  }
0xb5: {  	_ =	swait.ge [sflag:s5], $0x28  }
0xb6: {  	[sflag:s5] =	ssyncset.done $0x0  }
0xb7: {  	[sflag:s5] =	ssyncadd.s32 $0xFFFFFFD8  }
0xb8: {  	_ =	swait.ge [sflag:s5], $0x1400  }
0xb9: {  	p0 =	seq.s32 s7, $0x262;
	[sflag:s5] =	ssyncset.done $0x0  }
.Ltmp3:
0xba: {  	[sflag:s5] =	ssyncadd.s32 $0xFFFFEC00;
	(pc) =	sbr.rel @p0 .LBB2_6-.Ltmp3, $4  }
0xbb: {  	[spmem:s13] =	stream.indirect.scatter.add.f32 [tilespmem:s2], [sflag:$0x3], $0x80, s0, s4, $0xb8;
	[tilespmem:$0x19100] =	vst v63  }
0xbc: {  	_ =	swait.ge [sflag:s31], $0x1400  }
0xbd: {  	[sflag:s31] =	ssyncset.done $0x0  }
0xbe: {  	[sflag:s31] =	ssyncadd.s32 $0xFFFFEC00  }
.Ltmp4:
0xbf: {  	s10 =	sadd.s32 s7, s28;
	(pc) =	sbr.rel .LBB2_4-.Ltmp4, $4  }
0xc0: {  	[tilespmem:s0], [sflag:$0x2] =	stream.linear.gather [hbm4b:s10+s1], $0x28, $0x38;
	[tilespmem:$0x19100] =	vst v63  }
0xc1: {  	_ = 	snop  }
0xc2: {  	[tilespmem:s2], [sflag:$0x2] =	stream.linear.gather [hbm4b:s26+s1], $0x1400, $0x38;
	[tilespmem:$0x19100] =	vst v63  }
0xc3: {  	s7 =	sadd.s32 $0xA, s7;
	s29 =	sadd.s32 $0x50, s29;
	s26 =	sadd.s32 $0x500, s26  }
.LBB2_7:
0xc4: {  	_ =	sfence.sel $0x180000  }
0xc5: {  	[bflag:$0x0] =	sbarrier.arrive $0xFFFF  }
0xc6: {  	_ =	strace $0x90000050  }
0xc7: {  	s0 =	stileid.u32;
	[bflag:$0x2] =	sbarrier.arrive $0xFFFF  }
0xc8: {  	p0 =	sne.s32 s0, $0x0;
	s0 =	rddreg [dreg:$0x2]  }
0xc9: {  	s0 =	sadd.s32 @!p0 $0x100000, s0  }
0xca: {  	[sflag:s0] =	ssyncadd.tile.s32 @!p0 $0x1;
	_ =	shalt  }
.Lfunc_end2:
_tile_overlayer_lowered:
.L_overlay_start_2:
0xcb: {  	(tag) =	ssettag $0x2  }
0xcc: {  	s0 =	rddreg [dreg:$0x0];
	s2 =	stileid.u32  }
0xcd: {  	s1 =	rddreg [dreg:$0x1];
	p0 =	sne.s32 s2, $0x0  }
0xce: {  	s3 =	rddreg [dreg:$0x2];
	[bflag:$0x3] =	sbarrier.arrive $0xFFFF;
	s2 =	simm.s32 @!p0 $0x1C03  }
0xcf: {  	[timem:s3], [sflag:s2] =	dma.local @!p0 [hbm:s0], s1  }
0xd0: {  	s0 =	simm.s32 @!p0 $0x3  }
0xd1: {  	_ =	swait.ge @!p0 [sflag:s0], s1  }
0xd2: {  	s1 =	ssub.s32 @!p0 $0x0, s1;
	[sflag:s0] =	ssyncset.done @!p0 $0x0  }
0xd3: {  	[sflag:s0] =	ssyncadd.s32 @!p0 s1  }
0xd4: {  	[bflag:$0x3] =	sbarrier.arrive $0xFFFF  }
0xd5: {  	_ =	shalt  }

// kernel: kernel.19.cloned.1.call-start
scs
__scs_entry_jumppad:
0x0: {  	(pc) =	sbr.rel $0x88, $3  }
0x1: {  	(tag) =	ssettag $0x0;
	lr =	simm.s32 $0x1  }
0x2: {  	[smem:$0x3F97] =	sst lr;
	_ =	strace $0xD0000000  }
0x3: {  	_ = 	snop  }
0x4: {  	_ = 	snop  }
0x5: {  	_ = 	snop  }
0x6: {  	_ = 	snop  }
0x7: {  	_ = 	snop  }
__scs_overlays_trampoline_lowered:
0x8: {  	[smem:$0x3FA6] =	sst s0  }
0x9: {  	[smem:$0x3FA7] =	sst s1  }
0xa: {  	[smem:$0x3FA8] =	sst s2  }
0xb: {  	[smem:$0x3FA9] =	sst s3  }
0xc: {  	[smem:$0x3FAA] =	sst s4  }
0xd: {  	[smem:$0x3FAB] =	sst s5  }
0xe: {  	[smem:$0x3FAC] =	sst s6  }
0xf: {  	[smem:$0x3FAD] =	sst s7  }
0x10: {  	[smem:$0x3FAE] =	sst s8  }
0x11: {  	[smem:$0x3FAF] =	sst s9;
	s0 =	simm.s32 @!p0 $0x0  }
0x12: {  	s1 =	sld [smem:$0x3F95];
	s0 =	simm.s32 @p0 $0x1  }
0x13: {  	[smem:$0x3FB0] =	sst s0;
	s0 =	simm.s32 @!p1 $0x0  }
0x14: {  	s2 =	sld [smem:$0x3F94];
	s0 =	simm.s32 @p1 $0x1  }
0x15: {  	[smem:$0x3FB1] =	sst s0;
	s0 =	simm.s32 @!p2 $0x0  }
0x16: {  	s3 =	sld [smem:$0x3FDB];
	s0 =	simm.s32 @p2 $0x1  }
0x17: {  	s4 =	simm.s32 $0x1BF5;
	[smem:$0x3FB3] =	sst s0  }
0x18: {  	s0 =	sld [smem:$0x3F96];
	_ =	swait.ge [sflag:s4], $0x0  }
0x19: {  	s7 =	sld [smem:$0x3F97]  }
0x1a: {  	s8 =	sadd.s32 $0xFFFFE003, lr  }
0x1b: {  	s9 =	sadd.s32 $0xFFFFFEF7, lr;
	s5 =	simm.s32 $0xFFFFFFFF;
	p2 =	slt.u32 s8, $0xFFFFF086  }
0x1c: {  	p1 =	slt.u32 s9, $0xF7A;
	s5 =	simm.s32 @!p2 $0x0  }
0x1d: {  	s5 =	simm.s32 @p1 $0x1;
	p0 =	seq.s32 s7, s2  }
0x1e: {  	s7 =	smul.u32 @!p0 $0xF7A, s2;
	p2 =	seq.s32 @!p0 s5, $0x0  }
0x1f: {  	s9 =	smul.u32 $0xF7A, s1;
	s8 =	simm.s32 @!p0 $0x1BF5;
	p2 =	por !p2, p0  }
0x20: {  	[sflag:s8] =	ssyncset.s32 @!p0 $0xFFFFF086;
	s6 =	sadd.s32 @!p0 s3, s7;
	s7 =	simm.s32 @!p0 $0x108  }
0x21: {  	s3 =	sadd.s32 s3, s9;
	s6 =	sadd.s32 @!p0 $0x88, s6;
	s7 =	simm.s32 @p2 $0x1082  }
0x22: {  	[simem:s7], [sflag:s8] =	dma.local @!p0 [hbm:s6], $0xF7A  }
0x23: {  	s9 =	sor.u32 $0xD0000000, s2;
	s6 =	simm.s32 $0x108;
	_ =	swait.ge @!p0 [sflag:s8], $0x0  }
0x24: {  	s3 =	sadd.s32 $0x88, s3;
	s6 =	simm.s32 @!p1 $0x1082;
	[sflag:s4] =	ssyncset.s32 $0xFFFFF086  }
0x25: {  	[simem:s6], [sflag:s4] =	dma.local [hbm:s3], $0xF7A  }
0x26: {  	[smem:$0x3F97] =	sst s1;
	(tag) =	ssettag s2;
	_ =	strace s9  }
0x27: {  	s1 =	sld [smem:$0x3FA7]  }
0x28: {  	s2 =	sld [smem:$0x3FA8]  }
0x29: {  	s4 =	sld [smem:$0x3FAA]  }
0x2a: {  	p0 =	seq.s32 s5, $0x0;
	s5 =	sld [smem:$0x3FAB]  }
0x2b: {  	s6 =	sld [smem:$0x3FAC]  }
0x2c: {  	s7 =	sld [smem:$0x3FAD]  }
0x2d: {  	s3 =	simm.s32 $0x108;
	s8 =	sld [smem:$0x3FAE]  }
0x2e: {  	s3 =	simm.s32 @!p0 $0x1082;
	s9 =	sld [smem:$0x3FAF]  }
0x2f: {  	lr =	sadd.s32 s0, s3;
	s0 =	sld [smem:$0x3FA6]  }
0x30: {  	s3 =	sld [smem:$0x3FA9]  }
0x31: {  	[smem:$0x3FB2] =	sst s10  }
0x32: {  	s10 =	sld [smem:$0x3FB0];
	_ =	sdelay $0x3  }
0x33: {  	p0 =	seq.s32 s10, $0x1;
	s10 =	sld [smem:$0x3FB2];
	_ =	sdelay $0x3  }
0x34: {  	[smem:$0x3FB2] =	sst s10  }
0x35: {  	s10 =	sld [smem:$0x3FB1];
	_ =	sdelay $0x3  }
0x36: {  	p1 =	seq.s32 s10, $0x1;
	s10 =	sld [smem:$0x3FB2];
	_ =	sdelay $0x3  }
0x37: {  	[smem:$0x3FB2] =	sst s10  }
0x38: {  	s10 =	sld [smem:$0x3FB3]  }
0x39: {  	_ = 	snop;
	(pc) =	sbr.ind lr, $3  }
0x3a: {  	_ = 	snop  }
0x3b: {  	_ = 	snop  }
0x3c: {  	p2 =	seq.s32 s10, $0x1;
	s10 =	sld [smem:$0x3FB2]  }
0x3d: {  	_ =	shalt  }
0x3e: {  	_ =	shalt  }
0x3f: {  	_ =	shalt  }
0x40: {  	_ =	shalt  }
0x41: {  	_ =	shalt  }
0x42: {  	_ =	shalt  }
0x43: {  	_ =	shalt  }
0x44: {  	_ =	shalt  }
0x45: {  	_ =	shalt  }
0x46: {  	_ =	shalt  }
0x47: {  	_ =	shalt  }
0x48: {  	_ =	shalt  }
0x49: {  	_ =	shalt  }
0x4a: {  	_ =	shalt  }
0x4b: {  	_ =	shalt  }
0x4c: {  	_ =	shalt  }
0x4d: {  	_ =	shalt  }
0x4e: {  	_ =	shalt  }
0x4f: {  	_ =	shalt  }
0x50: {  	_ =	shalt  }
0x51: {  	_ =	shalt  }
0x52: {  	_ =	shalt  }
0x53: {  	_ =	shalt  }
0x54: {  	_ =	shalt  }
0x55: {  	_ =	shalt  }
0x56: {  	_ =	shalt  }
0x57: {  	_ =	shalt  }
0x58: {  	_ =	shalt  }
0x59: {  	_ =	shalt  }
0x5a: {  	_ =	shalt  }
0x5b: {  	_ =	shalt  }
0x5c: {  	_ =	shalt  }
0x5d: {  	_ =	shalt  }
0x5e: {  	_ =	shalt  }
0x5f: {  	_ =	shalt  }
0x60: {  	_ =	shalt  }
0x61: {  	_ =	shalt  }
0x62: {  	_ =	shalt  }
0x63: {  	_ =	shalt  }
0x64: {  	_ =	shalt  }
0x65: {  	_ =	shalt  }
0x66: {  	_ =	shalt  }
0x67: {  	_ =	shalt  }
0x68: {  	_ =	shalt  }
0x69: {  	_ =	shalt  }
0x6a: {  	_ =	shalt  }
0x6b: {  	_ =	shalt  }
0x6c: {  	_ =	shalt  }
0x6d: {  	_ =	shalt  }
0x6e: {  	_ =	shalt  }
0x6f: {  	_ =	shalt  }
0x70: {  	_ =	shalt  }
0x71: {  	_ =	shalt  }
0x72: {  	_ =	shalt  }
0x73: {  	_ =	shalt  }
0x74: {  	_ =	shalt  }
0x75: {  	_ =	shalt  }
0x76: {  	_ =	shalt  }
0x77: {  	_ =	shalt  }
0x78: {  	_ =	shalt  }
0x79: {  	_ =	shalt  }
0x7a: {  	_ =	shalt  }
0x7b: {  	_ =	shalt  }
0x7c: {  	_ =	shalt  }
0x7d: {  	_ =	shalt  }
0x7e: {  	_ =	shalt  }
0x7f: {  	_ =	shalt  }
0x80: {  	_ =	shalt  }
0x81: {  	_ =	shalt  }
0x82: {  	_ =	shalt  }
0x83: {  	_ =	shalt  }
0x84: {  	_ =	shalt  }
0x85: {  	_ =	shalt  }
0x86: {  	_ =	shalt  }
0x87: {  	_ =	shalt  }
.Lfunc_end0:
.L_simem_size_0:
called_computation.3_lowered:
.L_overlay_start_0:
0x88: {  	s2 =	sld [smem:$0x3FD9]  }
0x89: {  	s3 =	sld [smem:$0x3FFE];
	_ =	sdelay $0x1  }
0x8a: {  	s1 =	srdreg.scid  }
0x8b: {  	s0 =	sand.u32 $0x1, s1  }
0x8c: {  	s17 =	sshll.u32 s0, $0xA;
	s2 =	sadd.s32 s3, s2  }
0x8d: {  	s2 =	sadd.s32 s2, s17  }
0x8e: {  	[smem:$0x3FBE] =	sst s2  }
0x8f: {  	_ = 	snop  }
0x90: {  	(tm) =	ssettm $0x1  }
0x91: {  	s18 =	sld [smem:$0x3FFB];
	_ =	sdelay $0x3  }
0x92: {  	_ =	strace s18  }
0x93: {  	s2 =	sld [smem:$0x3FFC];
	_ =	sdelay $0x3  }
0x94: {  	_ =	strace s2  }
0x95: {  	s2 =	sld [smem:$0x3FFD];
	_ =	sdelay $0x3  }
0x96: {  	_ =	strace s2  }
0x97: {  	_ =	strace $0x8FFFFFFF  }
0x98: {  	s19 =	sld [smem:$0x3FDB];
	_ =	sdelay $0x1  }
0x99: {  	s20 =	simm.s32 $_scs_section_size  }
0x9a: {  	s4 =	simm.s32 $_size__tile_overlayer_lowered;
	s5 =	simm.s32 $_tile_overlayer_lowered  }
0x9b: {  	s6 =	simm.s32 $0x1BFF;
	s21 =	sshll.u32 s5, $0x1;
	s3 =	sadd.s32 s20, s19  }
0x9c: {  	s22 =	simm.s32 $0x0;
	s4 =	sshll.u32 s4, $0x1;
	s5 =	sadd.s32 s21, s3  }
0x9d: {  	[timem:s22], [sflag:s6] =	dma.local [hbm:s5], s4  }
0x9e: {  	_ =	swait.ge [sflag:s6], s4  }
0x9f: {  	s4 =	ssub.s32 $0x0, s4;
	[sflag:s6] =	ssyncset.done $0x0  }
0xa0: {  	[sflag:s6] =	ssyncadd.s32 s4;
	_ =	sdelay $0x1  }
0xa1: {  	s23 =	simm.s32 $0x1B8B  }
0xa2: {  	_ =	swait.ge [sflag:s23], $0x1  }
0xa3: {  	[sflag:s23] =	ssyncset.done $0x0  }
0xa4: {  	[sflag:s23] =	ssyncadd.s32 $0xFFFFFFFF  }
0xa5: {  	s4 =	sld [smem:$0x0]  }
0xa6: {  	s5 =	sand.u32 $0xFFFFFFFE, s1  }
0xa7: {  	p0 =	sne.s32 s1, s5  }
0xa8: {  	s5 =	sshll.u32 @p0 s5, $0xE  }
0xa9: {  	s5 =	sadd.s32 @p0 $0x11B8D, s5;
	s6 =	sshll.u32 @p0 s4, $0x11  }
0xaa: {  	s5 =	sor.u32 @p0 s6, s5  }
0xab: {  	[sflag:s5] =	ssyncadd.remote.s32 @p0 $0x1;
	_ =	sdelay $0x1  }
0xac: {  	s5 =	simm.s32 @p0 $0x1B8D  }
0xad: {  	_ =	swait.eq @p0 [sflag:s5], $0x1  }
0xae: {  	[sflag:s5] =	ssyncadd.s32 @p0 $0xFFFFFFFF  }
0xaf: {  	s6 =	sshll.u32 @!p0 s1, $0xE  }
0xb0: {  	s6 =	sor.u32 @!p0 $0x4000, s6;
	s5 =	simm.s32 @!p0 $0x1B8D  }
0xb1: {  	s4 =	sshll.u32 @!p0 s4, $0x11;
	s6 =	sadd.s32 @!p0 $0x11B8D, s6;
	_ =	swait.eq @!p0 [sflag:s5], $0x1  }
0xb2: {  	s4 =	sor.u32 @!p0 s4, s6;
	[sflag:s5] =	ssyncadd.s32 @!p0 $0xFFFFFFFF  }
0xb3: {  	s25 =	simm.s32 $0x1B8E;
	s24 =	sld [smem:$0x3FFE];
	[sflag:s4] =	ssyncadd.remote.s32 @!p0 $0x1  }
0xb4: {  	s26 =	simm.s32 $execute0_lowered;
	[smem:$0x3FD2] =	sst s25  }
0xb5: {  	s5 =	sshll.u32 s26, $0x1;
	_ =	strace $0x8000004C;
	[dreg:$0x1] =	wrdreg $0xFFFFFFFF  }
0xb6: {  	s28 =	simm.s32 $_size_execute0_lowered;
	s3 =	sadd.s32 s3, s5;
	[dreg:$0x0] =	wrdreg $0x0  }
0xb7: {  	s5 =	sshll.u32 s28, $0x1;
	[dreg:$0x2] =	wrdreg s3  }
0xb8: {  	[dreg:$0x3] =	wrdreg s5  }
0xb9: {  	[dreg:$0x4] =	wrdreg $0xC0  }
0xba: {  	_ =	task [dreg:s22], $0x5FFFF  }
0xbb: {  	[dreg:$0x1] =	wrdreg $0xFFFFFFFF  }
0xbc: {  	[dreg:$0x0] =	wrdreg $0x60  }
0xbd: {  	[dreg:$0x2] =	wrdreg s24  }
0xbe: {  	[dreg:$0x3] =	wrdreg $0x51000  }
0xbf: {  	[dreg:$0x4] =	wrdreg $0xA  }
0xc0: {  	_ =	task.clear_ibuf [dreg:s22], $0x5FFFF;
	_ =	strace $0x9000004C  }
0xc1: {  	s29 =	simm.s32 $0xA;
	_ =	strace $0x8000004E  }
0xc2: {  	_ =	swait.ge [sflag:s29], $0x1  }
0xc3: {  	[sflag:s29] =	ssyncadd.s32 $0xFFFFFFFF  }
0xc4: {  	_ =	strace $0x9000004E  }
0xc5: {  	_ =	sfence  }
0xc6: {  	s30 =	sld [smem:$0x0];
	_ =	sdelay $0x2  }
0xc7: {  	s31 =	sshll.u32 s1, $0xD;
	s1 =	sshrl.u32 s1, $0x2  }
0xc8: {  	s4 =	sand.u32 $0x4000, s31;
	s1 =	sadd.s32 s1, s30  }
0xc9: {  	s0 =	sor.u32 s4, s0;
	s1 =	sshll.u32 s1, $0x11  }
0xca: {  	s0 =	sor.u32 s1, s0  }
0xcb: {  	s0 =	sadd.s32 $0x8F2B, s0  }
0xcc: {  	[sflag:s0] =	ssyncadd.remote.s32 $0x1  }
0xcd: {  	_ =	sfence.sel $0xFFFF  }
0xce: {  	[dreg:$0x0] =	wrdreg $0xFFFFFFFF;
	(pc) =	sbr.abs _section_cstart, $3  }
0xcf: {  	[dreg:$0x1] =	wrdreg $0xFFFFFFFF  }
0xd0: {  	_ =	task.clear_ibuf [dreg:s22], $0x2FFFF;
	_ =	strace $0x9FFFFFFF  }
0xd1: {  	(tm) =	ssettm $0x7FFFFFFF  }
tec
execute0_lowered:
.L_overlay_start_1:
0x0: {  	(tag) =	ssettag $0x1  }
0x1: {  	s0 =	srdreg.scid;
	s15 =	stileid.u32  }
0x2: {  	s3 =	rddreg [dreg:$0x0];
	s1 =	simm.s32 $0x0;
	s30 =	simm.s32 $0x2900  }
0x3: {  	s31 =	simm.s32 $0x3;
	s0 =	sand.u32 $0x1, s0;
	s2 =	sshll.u32 s15, $0x1  }
0x4: {  	[smem:$0x7FF] =	sst s1;
	s11 =	smul.u32 $0x14000, s15;
	s2 =	sor.u32 s0, s2  }
0x5: {  	s5 =	sadd.s32 $0xCF3C00, s3;
	s7 =	ssub.s32 $0x2, s0;
	s4 =	smul.u32 $0x1388, s2  }
0x6: {  	s6 =	sadd.s32 $0xA82C00, s3;
	s2 =	smul.u32 $0x13880, s2;
	s9 =	sshrl.u32 s7, $0x1  }
0x7: {  	s20 =	sadd.s32 $0x5000, s11;
	s21 =	sadd.s32 $0x7800, s11;
	s22 =	sadd.s32 $0xA000, s11  }
0x8: {  	s23 =	sadd.s32 $0xC800, s11;
	s24 =	sadd.s32 $0xF000, s11;
	s8 =	sadd.s32 $0x28, s4  }
0x9: {  	s7 =	ssub.s32 s7, s9;
	s2 =	sadd.s32 s5, s2;
	s10 =	sshll.u32 s8, $0x4  }
0xa: {  	[dreg:$0x3] =	wrdreg s2;
	s2 =	smul.u32 $0x140000, s0;
	s25 =	sadd.s32 s5, s10  }
0xb: {  	s9 =	sor.u32 $0x2800, s11;
	[dreg:$0x4] =	wrdreg s25;
	s25 =	sadd.s32 $0x11800, s11  }
0xc: {  	s26 =	sadd.s32 s2, s11;
	s29 =	sadd.s32 s2, s9;
	s12 =	sadd.s32 s2, s20  }
0xd: {  	s14 =	sadd.s32 s2, s21;
	s16 =	sadd.s32 s2, s22;
	s17 =	sadd.s32 s2, s23  }
0xe: {  	s10 =	sshrl.u32 s26, $0x3;
	s11 =	sshrl.u32 s29, $0x3;
	s12 =	sshrl.u32 s12, $0x3  }
0xf: {  	s26 =	sadd.s32 s2, s24;
	s29 =	smul.u32 $0x13880, s0;
	s2 =	sadd.s32 s2, s25  }
0x10: {  	s0 =	smul.u32 $0x1388, s0;
	s10 =	sadd.s32 s6, s10;
	s13 =	sadd.s32 s6, s12  }
0x11: {  	s12 =	sshrl.u32 s17, $0x3;
	s2 =	sshrl.u32 s2, $0x3;
	[dreg:$0x5] =	wrdreg s10  }
0x12: {  	s17 =	smul.u32 $0x50000, s15;
	s10 =	sadd.s32 s6, s11;
	[dreg:$0x7] =	wrdreg s13  }
0x13: {  	s11 =	sshrl.u32 s16, $0x3;
	s13 =	smul.u32 $0x27100, s15;
	s19 =	sadd.s32 s6, s12  }
0x14: {  	s12 =	sadd.s32 s6, s2;
	s2 =	simm.s32 $0x1500;
	[dreg:$0x6] =	wrdreg s10  }
0x15: {  	s10 =	sshrl.u32 s14, $0x3;
	s18 =	sadd.s32 s6, s11;
	[dreg:$0xa] =	wrdreg s19  }
0x16: {  	s14 =	smul.u32 $0x2710, s15;
	s19 =	sshrl.u32 s8, $0x3;
	[dreg:$0x9] =	wrdreg s18  }
0x17: {  	s10 =	sadd.s32 s6, s10;
	s5 =	sadd.s32 s13, s5;
	s13 =	rddreg [dreg:$0x1]  }
0x18: {  	s18 =	sshrl.u32 s4, $0x3;
	s4 =	simm.s32 $0x28;
	[dreg:$0x8] =	wrdreg s10  }
0x19: {  	s10 =	sshrl.u32 s26, $0x3;
	s11 =	sadd.s32 s29, s5;
	s0 =	sadd.s32 s0, s14  }
0x1a: {  	s14 =	sadd.s32 $0x3000, s3;
	s26 =	sshrl.u32 s17, $0x2;
	s20 =	sadd.s32 s20, s13  }
0x1b: {  	s21 =	sadd.s32 s21, s13;
	s22 =	sadd.s32 s22, s13;
	s23 =	sadd.s32 s23, s13  }
0x1c: {  	s24 =	sadd.s32 s24, s13;
	s25 =	sadd.s32 s25, s13;
	s5 =	simm.s32 $0x2  }
0x1d: {  	s10 =	sadd.s32 s6, s10;
	s15 =	sadd.s32 s14, s18;
	s16 =	sadd.s32 s14, s19  }
.Ltmp0:
0x1e: {  	s17 =	sadd.s32 s26, s13;
	s18 =	smax.u32 s7, $0x1;
	(pc) =	sbr.rel .LBB2_1-.Ltmp0, $4  }
0x1f: {  	s19 =	sadd.s32 s9, s13;
	s29 =	sadd.s32 $0x78, s0;
	s9 =	sadd.s32 $0x780, s11  }
0x20: {  	s8 =	sadd.s32 $0x50, s0;
	s11 =	simm.s32 $0x100;
	s0 =	simm.s32 $0x80  }
0x21: {  	s6 =	simm.s32 $0x0;
	[dreg:$0xb] =	wrdreg s10;
	s3 =	sshrl.u32 s29, $0x3  }
0x22: {  	v0 =	vimm.f32 $0.0e+00;
	_ =	strace $0x8000004D;
	s28 =	sadd.s32 s3, s14;
	s3 =	simm.s32 $0x1  }
.LBB2_6:
0x23: {  	_ =	swait.ge [sflag:s3], $0x28  }
0x24: {  	[sflag:s3] =	ssyncset.done $0x0  }
0x25: {  	[sflag:s3] =	ssyncadd.s32 $0xFFFFFFD8  }
0x26: {  	_ =	swait.ge [sflag:s3], $0x1400  }
0x27: {  	[sflag:s3] =	ssyncset.done $0x0  }
0x28: {  	[sflag:s3] =	ssyncadd.s32 $0xFFFFEC00  }
0x29: {  	[spmem:s13] =	stream.indirect.scatter.add.f32 [tilespmem:s11], [sflag:$0x3], $0x80, s1, s4, $0xb8;
	[tilespmem:$0x19100] =	vst v63  }
0x2a: {  	_ =	swait.ge [sflag:s31], $0x1400  }
0x2b: {  	[sflag:s31] =	ssyncset.done $0x0  }
0x2c: {  	[sflag:s31] =	ssyncadd.s32 $0xFFFFEC00  }
0x2d: {  	[bflag:$0x0] =	sbarrier.arrive $0xFFFF  }
0x2e: {  	[tilespmem:s30], [sflag:$0x3] =	stream.linear.gather [spmem:s17], $0x2800, $0x38;
	[tilespmem:$0x19100] =	vst v63  }
0x2f: {  	_ =	swait.ge [sflag:s31], $0x2800  }
0x30: {  	[sflag:s31] =	ssyncset.done $0x0  }
0x31: {  	s7 =	rddreg [dreg:$0x5];
	[sflag:s31] =	ssyncadd.s32 $0xFFFFD800  }
0x32: {  	[hbm4b:s7+s1] =	stream.linear.scatter [tilespmem:s30], [sflag:$0x3], $0x2800, $0x38;
	[tilespmem:$0x19100] =	vst v63  }
0x33: {  	_ =	swait.ge [sflag:s31], $0x2800  }
0x34: {  	[sflag:s31] =	ssyncset.done $0x0  }
0x35: {  	[sflag:s31] =	ssyncadd.s32 $0xFFFFD800  }
0x36: {  	[tilespmem:s30], [sflag:$0x3] =	stream.linear.gather [spmem:s19], $0x2800, $0x38;
	[tilespmem:$0x19100] =	vst v63  }
0x37: {  	_ =	swait.ge [sflag:s31], $0x2800  }
0x38: {  	[sflag:s31] =	ssyncset.done $0x0  }
0x39: {  	s10 =	rddreg [dreg:$0x6];
	[sflag:s31] =	ssyncadd.s32 $0xFFFFD800  }
0x3a: {  	[hbm4b:s10+s1] =	stream.linear.scatter [tilespmem:s30], [sflag:$0x3], $0x2800, $0x38;
	[tilespmem:$0x19100] =	vst v63  }
0x3b: {  	_ =	swait.ge [sflag:s31], $0x2800  }
0x3c: {  	[sflag:s31] =	ssyncset.done $0x0  }
0x3d: {  	[sflag:s31] =	ssyncadd.s32 $0xFFFFD800  }
0x3e: {  	[tilespmem:s30], [sflag:$0x3] =	stream.linear.gather [spmem:s20], $0x2800, $0x38;
	[tilespmem:$0x19100] =	vst v63  }
0x3f: {  	_ =	swait.ge [sflag:s31], $0x2800  }
0x40: {  	[sflag:s31] =	ssyncset.done $0x0  }
0x41: {  	s26 =	rddreg [dreg:$0x7];
	[sflag:s31] =	ssyncadd.s32 $0xFFFFD800  }
0x42: {  	[hbm4b:s26+s1] =	stream.linear.scatter [tilespmem:s30], [sflag:$0x3], $0x2800, $0x38;
	[tilespmem:$0x19100] =	vst v63  }
0x43: {  	_ =	swait.ge [sflag:s31], $0x2800  }
0x44: {  	[sflag:s31] =	ssyncset.done $0x0  }
0x45: {  	[sflag:s31] =	ssyncadd.s32 $0xFFFFD800  }
0x46: {  	[tilespmem:s30], [sflag:$0x3] =	stream.linear.gather [spmem:s21], $0x2800, $0x38;
	[tilespmem:$0x19100] =	vst v63  }
0x47: {  	_ =	swait.ge [sflag:s31], $0x2800  }
0x48: {  	[sflag:s31] =	ssyncset.done $0x0  }
0x49: {  	s29 =	rddreg [dreg:$0x8];
	[sflag:s31] =	ssyncadd.s32 $0xFFFFD800  }
0x4a: {  	[hbm4b:s29+s1] =	stream.linear.scatter [tilespmem:s30], [sflag:$0x3], $0x2800, $0x38;
	[tilespmem:$0x19100] =	vst v63  }
0x4b: {  	_ =	swait.ge [sflag:s31], $0x2800  }
0x4c: {  	[sflag:s31] =	ssyncset.done $0x0  }
0x4d: {  	[sflag:s31] =	ssyncadd.s32 $0xFFFFD800  }
0x4e: {  	[tilespmem:s30], [sflag:$0x3] =	stream.linear.gather [spmem:s22], $0x2800, $0x38;
	[tilespmem:$0x19100] =	vst v63  }
0x4f: {  	_ =	swait.ge [sflag:s31], $0x2800  }
0x50: {  	[sflag:s31] =	ssyncset.done $0x0  }
0x51: {  	s10 =	rddreg [dreg:$0x9];
	[sflag:s31] =	ssyncadd.s32 $0xFFFFD800  }
0x52: {  	[hbm4b:s10+s1] =	stream.linear.scatter [tilespmem:s30], [sflag:$0x3], $0x2800, $0x38;
	[tilespmem:$0x19100] =	vst v63  }
0x53: {  	_ =	swait.ge [sflag:s31], $0x2800  }
0x54: {  	[sflag:s31] =	ssyncset.done $0x0  }
0x55: {  	[sflag:s31] =	ssyncadd.s32 $0xFFFFD800  }
0x56: {  	[tilespmem:s30], [sflag:$0x3] =	stream.linear.gather [spmem:s23], $0x2800, $0x38;
	[tilespmem:$0x19100] =	vst v63  }
0x57: {  	_ =	swait.ge [sflag:s31], $0x2800  }
0x58: {  	[sflag:s31] =	ssyncset.done $0x0  }
0x59: {  	s26 =	rddreg [dreg:$0xa];
	[sflag:s31] =	ssyncadd.s32 $0xFFFFD800  }
0x5a: {  	[hbm4b:s26+s1] =	stream.linear.scatter [tilespmem:s30], [sflag:$0x3], $0x2800, $0x38;
	[tilespmem:$0x19100] =	vst v63  }
0x5b: {  	_ =	swait.ge [sflag:s31], $0x2800  }
0x5c: {  	[sflag:s31] =	ssyncset.done $0x0  }
0x5d: {  	[sflag:s31] =	ssyncadd.s32 $0xFFFFD800  }
0x5e: {  	[tilespmem:s30], [sflag:$0x3] =	stream.linear.gather [spmem:s24], $0x2800, $0x38;
	[tilespmem:$0x19100] =	vst v63  }
0x5f: {  	_ =	swait.ge [sflag:s31], $0x2800  }
0x60: {  	[sflag:s31] =	ssyncset.done $0x0  }
0x61: {  	s29 =	rddreg [dreg:$0xb];
	[sflag:s31] =	ssyncadd.s32 $0xFFFFD800  }
0x62: {  	[hbm4b:s29+s1] =	stream.linear.scatter [tilespmem:s30], [sflag:$0x3], $0x2800, $0x38;
	[tilespmem:$0x19100] =	vst v63  }
0x63: {  	_ =	swait.ge [sflag:s31], $0x2800  }
0x64: {  	[sflag:s31] =	ssyncset.done $0x0  }
0x65: {  	[sflag:s31] =	ssyncadd.s32 $0xFFFFD800  }
0x66: {  	[tilespmem:s30], [sflag:$0x3] =	stream.linear.gather [spmem:s25], $0x2800, $0x38;
	[tilespmem:$0x19100] =	vst v63  }
0x67: {  	s6 =	sadd.s32 $0x1, s6;
	_ =	swait.ge [sflag:s31], $0x2800  }
0x68: {  	p0 =	sne.s32 s6, s18;
	[sflag:s31] =	ssyncset.done $0x0  }
.Ltmp1:
0x69: {  	[sflag:s31] =	ssyncadd.s32 $0xFFFFD800;
	(pc) =	sbr.rel @!p0 .LBB2_7-.Ltmp1, $4  }
0x6a: {  	[hbm4b:s12+s1] =	stream.linear.scatter [tilespmem:s30], [sflag:$0x3], $0x2800, $0x38;
	[tilespmem:$0x19100] =	vst v63  }
0x6b: {  	_ =	swait.ge [sflag:s31], $0x2800  }
0x6c: {  	[sflag:s31] =	ssyncset.done $0x0  }
0x6d: {  	[sflag:s31] =	ssyncadd.s32 $0xFFFFD800  }
.LBB2_1:
0x6e: {  	s7 =	simm.s32 $0x0;
	s26 =	simm.s32 $0x200  }
.LBB2_2:
0x6f: {  	p0 =	sne.s32 s26, $0x9E00;
	[tilespmem:s7+$0x2970] =	vst v0  }
0x70: {  	[tilespmem:s7+$0x2900] =	vst v0  }
0x71: {  	[tilespmem:s7+$0x2910] =	vst v0  }
.Ltmp2:
0x72: {  	[tilespmem:s7+$0x2920] =	vst v0;
	(pc) =	sbr.rel @p0 .LBB2_2-.Ltmp2, $4  }
0x73: {  	[tilespmem:s7+$0x2930] =	vst v0  }
0x74: {  	[tilespmem:s7+$0x2940] =	vst v0  }
0x75: {  	[tilespmem:s7+$0x2950] =	vst v0  }
0x76: {  	[tilespmem:s7+$0x2960] =	vst v0;
	s7 =	sshra.s32 s26, $0x2;
	s26 =	sadd.s32 $0x200, s26  }
0x77: {  	[tilespmem:s7+$0x2970] =	vst v0  }
0x78: {  	[tilespmem:s7+$0x2900] =	vst v0  }
0x79: {  	[tilespmem:s7+$0x2910] =	vst v0  }
0x7a: {  	[tilespmem:s7+$0x2920] =	vst v0  }
0x7b: {  	[tilespmem:s7+$0x2930] =	vst v0  }
0x7c: {  	[tilespmem:s7+$0x2940] =	vst v0  }
0x7d: {  	[tilespmem:s7+$0x2950] =	vst v0  }
0x7e: {  	[tilespmem:s7+$0x2960] =	vst v0  }
0x7f: {  	[spmem:s17] =	stream.linear.scatter [tilespmem:s30], [sflag:$0x3], $0x2800, $0x38;
	[tilespmem:$0x19100] =	vst v63  }
0x80: {  	_ =	swait.ge [sflag:s31], $0x2800  }
0x81: {  	[sflag:s31] =	ssyncset.done $0x0  }
0x82: {  	[sflag:s31] =	ssyncadd.s32 $0xFFFFD800  }
0x83: {  	[spmem:s19] =	stream.linear.scatter [tilespmem:s30], [sflag:$0x3], $0x2800, $0x38;
	[tilespmem:$0x19100] =	vst v63  }
0x84: {  	_ =	swait.ge [sflag:s31], $0x2800  }
0x85: {  	[sflag:s31] =	ssyncset.done $0x0  }
0x86: {  	[sflag:s31] =	ssyncadd.s32 $0xFFFFD800  }
0x87: {  	[spmem:s20] =	stream.linear.scatter [tilespmem:s30], [sflag:$0x3], $0x2800, $0x38;
	[tilespmem:$0x19100] =	vst v63  }
0x88: {  	_ =	swait.ge [sflag:s31], $0x2800  }
0x89: {  	[sflag:s31] =	ssyncset.done $0x0  }
0x8a: {  	[sflag:s31] =	ssyncadd.s32 $0xFFFFD800  }
0x8b: {  	[spmem:s21] =	stream.linear.scatter [tilespmem:s30], [sflag:$0x3], $0x2800, $0x38;
	[tilespmem:$0x19100] =	vst v63  }
0x8c: {  	_ =	swait.ge [sflag:s31], $0x2800  }
0x8d: {  	[sflag:s31] =	ssyncset.done $0x0  }
0x8e: {  	[sflag:s31] =	ssyncadd.s32 $0xFFFFD800  }
0x8f: {  	[spmem:s22] =	stream.linear.scatter [tilespmem:s30], [sflag:$0x3], $0x2800, $0x38;
	[tilespmem:$0x19100] =	vst v63  }
0x90: {  	_ =	swait.ge [sflag:s31], $0x2800  }
0x91: {  	[sflag:s31] =	ssyncset.done $0x0  }
0x92: {  	[sflag:s31] =	ssyncadd.s32 $0xFFFFD800  }
0x93: {  	[spmem:s23] =	stream.linear.scatter [tilespmem:s30], [sflag:$0x3], $0x2800, $0x38;
	[tilespmem:$0x19100] =	vst v63  }
0x94: {  	_ =	swait.ge [sflag:s31], $0x2800  }
0x95: {  	[sflag:s31] =	ssyncset.done $0x0  }
0x96: {  	[sflag:s31] =	ssyncadd.s32 $0xFFFFD800  }
0x97: {  	[spmem:s24] =	stream.linear.scatter [tilespmem:s30], [sflag:$0x3], $0x2800, $0x38;
	[tilespmem:$0x19100] =	vst v63  }
0x98: {  	_ =	swait.ge [sflag:s31], $0x2800  }
0x99: {  	[sflag:s31] =	ssyncset.done $0x0  }
0x9a: {  	[sflag:s31] =	ssyncadd.s32 $0xFFFFD800  }
0x9b: {  	[spmem:s25] =	stream.linear.scatter [tilespmem:s30], [sflag:$0x3], $0x2800, $0x38;
	[tilespmem:$0x19100] =	vst v63  }
0x9c: {  	_ =	swait.ge [sflag:s31], $0x2800  }
0x9d: {  	[sflag:s31] =	ssyncset.done $0x0  }
0x9e: {  	[sflag:s31] =	ssyncadd.s32 $0xFFFFD800  }
0x9f: {  	s7 =	simm.s32 $0x0;
	[bflag:$0x0] =	sbarrier.arrive $0xFFFF  }
0xa0: {  	[tilespmem:s7], [sflag:$0x1] =	stream.linear.gather [hbm4b:s15+s7], $0x28, $0x38;
	[tilespmem:$0x19100] =	vst v63  }
0xa1: {  	s10 =	rddreg [dreg:$0x3]  }
0xa2: {  	[tilespmem:s11], [sflag:$0x1] =	stream.linear.gather [hbm4b:s10+s7], $0x1400, $0x38;
	[tilespmem:$0x19100] =	vst v63  }
0xa3: {  	_ = 	snop  }
0xa4: {  	[tilespmem:s0], [sflag:$0x2] =	stream.linear.gather [hbm4b:s16+s7], $0x28, $0x38;
	[tilespmem:$0x19100] =	vst v63  }
0xa5: {  	s26 =	rddreg [dreg:$0x4]  }
0xa6: {  	[tilespmem:s2], [sflag:$0x2] =	stream.linear.gather [hbm4b:s26+s7], $0x1400, $0x38;
	[tilespmem:$0x19100] =	vst v63  }
0xa7: {  	s29 =	smov.u32 s8;
	s26 =	smov.u32 s9  }
.LBB2_4:
0xa8: {  	_ =	swait.ge [sflag:s3], $0x28  }
0xa9: {  	[sflag:s3] =	ssyncset.done $0x0  }
0xaa: {  	[sflag:s3] =	ssyncadd.s32 $0xFFFFFFD8  }
0xab: {  	_ =	swait.ge [sflag:s3], $0x1400  }
0xac: {  	[sflag:s3] =	ssyncset.done $0x0  }
0xad: {  	[sflag:s3] =	ssyncadd.s32 $0xFFFFEC00  }
0xae: {  	[spmem:s13] =	stream.indirect.scatter.add.f32 [tilespmem:s11], [sflag:$0x3], $0x80, s1, s4, $0xb8;
	[tilespmem:$0x19100] =	vst v63  }
0xaf: {  	_ =	swait.ge [sflag:s31], $0x1400  }
0xb0: {  	s10 =	sshrl.u32 s29, $0x3;
	[sflag:s31] =	ssyncset.done $0x0  }
0xb1: {  	s10 =	sadd.s32 s14, s10;
	[sflag:s31] =	ssyncadd.s32 $0xFFFFEC00  }
0xb2: {  	[tilespmem:s1], [sflag:$0x1] =	stream.linear.gather [hbm4b:s10+s1], $0x28, $0x38;
	[tilespmem:$0x19100] =	vst v63  }
0xb3: {  	s10 =	sadd.s32 $0xFFFFFD80, s26  }
0xb4: {  	[tilespmem:s11], [sflag:$0x1] =	stream.linear.gather [hbm4b:s10+s1], $0x1400, $0x38;
	[tilespmem:$0x19100] =	vst v63  }
0xb5: {  	_ =	swait.ge [sflag:s5], $0x28  }
0xb6: {  	[sflag:s5] =	ssyncset.done $0x0  }
0xb7: {  	[sflag:s5] =	ssyncadd.s32 $0xFFFFFFD8  }
0xb8: {  	_ =	swait.ge [sflag:s5], $0x1400  }
0xb9: {  	p0 =	seq.s32 s7, $0x262;
	[sflag:s5] =	ssyncset.done $0x0  }
.Ltmp3:
0xba: {  	[sflag:s5] =	ssyncadd.s32 $0xFFFFEC00;
	(pc) =	sbr.rel @p0 .LBB2_6-.Ltmp3, $4  }
0xbb: {  	[spmem:s13] =	stream.indirect.scatter.add.f32 [tilespmem:s2], [sflag:$0x3], $0x80, s0, s4, $0xb8;
	[tilespmem:$0x19100] =	vst v63  }
0xbc: {  	_ =	swait.ge [sflag:s31], $0x1400  }
0xbd: {  	[sflag:s31] =	ssyncset.done $0x0  }
0xbe: {  	[sflag:s31] =	ssyncadd.s32 $0xFFFFEC00  }
.Ltmp4:
0xbf: {  	s10 =	sadd.s32 s7, s28;
	(pc) =	sbr.rel .LBB2_4-.Ltmp4, $4  }
0xc0: {  	[tilespmem:s0], [sflag:$0x2] =	stream.linear.gather [hbm4b:s10+s1], $0x28, $0x38;
	[tilespmem:$0x19100] =	vst v63  }
0xc1: {  	_ = 	snop  }
0xc2: {  	[tilespmem:s2], [sflag:$0x2] =	stream.linear.gather [hbm4b:s26+s1], $0x1400, $0x38;
	[tilespmem:$0x19100] =	vst v63  }
0xc3: {  	s7 =	sadd.s32 $0xA, s7;
	s29 =	sadd.s32 $0x50, s29;
	s26 =	sadd.s32 $0x500, s26  }
.LBB2_7:
0xc4: {  	_ =	sfence.sel $0x180000  }
0xc5: {  	[bflag:$0x0] =	sbarrier.arrive $0xFFFF  }
0xc6: {  	_ =	strace $0x9000004D  }
0xc7: {  	s0 =	stileid.u32;
	[bflag:$0x2] =	sbarrier.arrive $0xFFFF  }
0xc8: {  	p0 =	sne.s32 s0, $0x0;
	s0 =	rddreg [dreg:$0x2]  }
0xc9: {  	s0 =	sadd.s32 @!p0 $0x100000, s0  }
0xca: {  	[sflag:s0] =	ssyncadd.tile.s32 @!p0 $0x1;
	_ =	shalt  }
.Lfunc_end2:
_tile_overlayer_lowered:
.L_overlay_start_2:
0xcb: {  	(tag) =	ssettag $0x2  }
0xcc: {  	s0 =	rddreg [dreg:$0x0];
	s2 =	stileid.u32  }
0xcd: {  	s1 =	rddreg [dreg:$0x1];
	p0 =	sne.s32 s2, $0x0  }
0xce: {  	s3 =	rddreg [dreg:$0x2];
	[bflag:$0x3] =	sbarrier.arrive $0xFFFF;
	s2 =	simm.s32 @!p0 $0x1C03  }
0xcf: {  	[timem:s3], [sflag:s2] =	dma.local @!p0 [hbm:s0], s1  }
0xd0: {  	s0 =	simm.s32 @!p0 $0x3  }
0xd1: {  	_ =	swait.ge @!p0 [sflag:s0], s1  }
0xd2: {  	s1 =	ssub.s32 @!p0 $0x0, s1;
	[sflag:s0] =	ssyncset.done @!p0 $0x0  }
0xd3: {  	[sflag:s0] =	ssyncadd.s32 @!p0 s1  }
0xd4: {  	[bflag:$0x3] =	sbarrier.arrive $0xFFFF  }
0xd5: {  	_ =	shalt  }

</sc_bundles>
